<compile_context>
chip_gen: v7x
topology: tpu7x:2x2x1
jax: 0.10.2.dev20260603
libtpu: 0.0.44.dev20260713+nightly
codegen_flags: <defaults>
</compile_context>

<pallas_src>
import functools

import jax
import jax.numpy as jnp
from jax import lax
from jax.experimental import pallas as pl
from jax.experimental.pallas import tpu as pltpu
from jax.experimental.pallas import tpu_sc as plsc

N = 10000
E = 320000
D = 128

NC = 2
NS = 16
NW = NC * NS
LANES = 16
VPR = D // LANES

EPW = E // NW
G_BLK = 80
G_NBLK = EPW // G_BLK

_mesh = plsc.VectorSubcoreMesh(
    core_axis_name="c", subcore_axis_name="s", num_cores=NC, num_subcores=NS
)


def _worker_id():
    return lax.axis_index("s") * NC + lax.axis_index("c")


def _ab_body(h_ref, wa_ref, wb_ref, b1_ref, a_ref, b_ref):
    h = h_ref[...]
    a_ref[...] = (
        jnp.dot(h, wa_ref[...], preferred_element_type=jnp.float32) + b1_ref[...]
    )
    b_ref[...] = jnp.dot(h, wb_ref[...], preferred_element_type=jnp.float32)


def _tc_ab(h, wa_t, wb_t, b1r):
    blk = 1000
    return pl.pallas_call(
        _ab_body,
        grid=(N // blk,),
        in_specs=[
            pl.BlockSpec((blk, D), lambda i: (i, 0)),
            pl.BlockSpec((D, D), lambda i: (0, 0)),
            pl.BlockSpec((D, D), lambda i: (0, 0)),
            pl.BlockSpec((1, D), lambda i: (0, 0)),
        ],
        out_specs=[
            pl.BlockSpec((blk, D), lambda i: (i, 0)),
            pl.BlockSpec((blk, D), lambda i: (i, 0)),
        ],
        out_shape=[
            jax.ShapeDtypeStruct((N, D), jnp.float32),
            jax.ShapeDtypeStruct((N, D), jnp.float32),
        ],
    )(h, wa_t, wb_t, b1r)


def _mlp2_body(m_ref, w2_ref, b2_ref, o_ref):
    o_ref[...] = (
        jnp.dot(m_ref[...], w2_ref[...], preferred_element_type=jnp.float32)
        + b2_ref[...]
    )


def _tc_mlp2(m, w2_t, b2r):
    blk = 2000
    return pl.pallas_call(
        _mlp2_body,
        grid=(E // blk,),
        in_specs=[
            pl.BlockSpec((blk, D), lambda i: (i, 0)),
            pl.BlockSpec((D, D), lambda i: (0, 0)),
            pl.BlockSpec((1, D), lambda i: (0, 0)),
        ],
        out_specs=pl.BlockSpec((blk, D), lambda i: (i, 0)),
        out_shape=jax.ShapeDtypeStruct((E, D), jnp.float32),
    )(m, w2_t, b2r)


@functools.partial(
    pl.kernel,
    out_type=jax.ShapeDtypeStruct((E, D), jnp.float32),
    mesh=_mesh,
    scratch_types=[
        pltpu.VMEM((EPW,), jnp.int32),
        pltpu.VMEM((EPW,), jnp.int32),
        pltpu.VMEM((G_BLK, D), jnp.float32),
        pltpu.VMEM((G_BLK, D), jnp.float32),
        pltpu.SemaphoreType.DMA,
        pltpu.SemaphoreType.DMA,
    ],
)
def _sc_gather_relu(a_hbm, b_hbm, dst_hbm, src_hbm, m_hbm, dstv, srcv, arows, brows, sem_a, sem_b):
    wid = _worker_id()
    ebase = wid * EPW
    pltpu.sync_copy(dst_hbm.at[pl.ds(ebase, EPW)], dstv)
    pltpu.sync_copy(src_hbm.at[pl.ds(ebase, EPW)], srcv)

    def blk_body(i, _):
        off = i * G_BLK
        cp_a = pltpu.async_copy(a_hbm.at[dstv.at[pl.ds(off, G_BLK)]], arows, sem_a)
        cp_b = pltpu.async_copy(b_hbm.at[srcv.at[pl.ds(off, G_BLK)]], brows, sem_b)
        cp_a.wait()
        cp_b.wait()

        def row_body(r, _):
            for c in range(VPR):
                sl = pl.ds(c * LANES, LANES)
                arows[r, sl] = jnp.maximum(arows[r, sl] + brows[r, sl], 0.0)
            return ()

        lax.fori_loop(0, G_BLK, row_body, ())
        pltpu.sync_copy(arows, m_hbm.at[pl.ds(ebase + off, G_BLK)])
        return ()

    lax.fori_loop(0, G_NBLK, blk_body, ())


def kernel(x, edge_index, W1_0, b1_0, W2_0, b2_0, W1_1, b1_1, W2_1, b2_1):
    src = edge_index[0]
    dst = edge_index[1]
    h = x
    for W1, b1, W2, b2 in (
        (W1_0, b1_0, W2_0, b2_0),
        (W1_1, b1_1, W2_1, b2_1),
    ):
        wa_t = jnp.transpose(W1[:, :D] - W1[:, D:])
        wb_t = jnp.transpose(W1[:, D:])
        w2_t = jnp.transpose(W2)
        a, b = _tc_ab(h, wa_t, wb_t, b1.reshape(1, D))
        m = _sc_gather_relu(a, b, dst, src)
        h2 = _tc_mlp2(m, w2_t, b2.reshape(1, D))
        h = jnp.zeros((N, D), jnp.float32).at[dst].max(h2)
    return h

# --- scband reference (transcript-rebuilt; emitter-appended) ---
"""Pipeline reference for scband-relation-net-gnn-14972255994459 (READ-ONLY COPY).

The authoritative reference and input builder live on the scoring server;
editing this copy changes nothing except your own understanding.
"""

import jax, jax.numpy as jnp
import numpy as np

N = 10000
E = 320000
D = 128
L = 2


def setup_inputs(seed: int = 0) -> dict:
    key = jax.random.key(seed)
    ks = jax.random.split(key, 2 + 4 * L)
    x = jax.random.normal(ks[0], (N, D), dtype=jnp.float32)
    edge_index = jax.random.randint(ks[1], (2, E), 0, N, dtype=jnp.int32)
    inp = {"x": x, "edge_index": edge_index}
    # EdgeConv mlp per layer: Linear(2D -> D), ReLU, Linear(D -> D)
    for l in range(L):
        k0, k1, k2, k3 = ks[2 + 4 * l], ks[3 + 4 * l], ks[4 + 4 * l], ks[5 + 4 * l]
        inp[f"W1_{l}"] = jax.random.normal(k0, (D, 2 * D), dtype=jnp.float32) * (1.0 / np.sqrt(2 * D))
        inp[f"b1_{l}"] = jnp.zeros((D,), dtype=jnp.float32)
        inp[f"W2_{l}"] = jax.random.normal(k1, (D, D), dtype=jnp.float32) * (1.0 / np.sqrt(D))
        inp[f"b2_{l}"] = jnp.zeros((D,), dtype=jnp.float32)
    return inp


def _edge_conv(x, src, dst, W1, b1, W2, b2):
    # PyG EdgeConv: aggr='max', message = mlp(cat([x_i, x_j - x_i]))
    xi = x[dst]
    xj = x[src]
    h = jnp.concatenate([xi, xj - xi], axis=-1)
    h = jax.nn.relu(h @ W1.T + b1)
    h = h @ W2.T + b2
    out = jax.ops.segment_max(h, dst, num_segments=x.shape[0])
    # isolated nodes: segment_max yields -inf; replace with 0 (matches scatter-max zero base)
    out = jnp.where(jnp.isneginf(out), 0.0, out)
    return out


def reference(x, edge_index, W1_0, b1_0, W2_0, b2_0, W1_1, b1_1, W2_1, b2_1):
    src = edge_index[0]
    dst = edge_index[1]
    params = [(W1_0, b1_0, W2_0, b2_0), (W1_1, b1_1, W2_1, b2_1)]
    h = x
    for (W1, b1, W2, b2) in params:
        h = _edge_conv(h, src, dst, W1, b1, W2, b2)
        h = jax.nn.relu(h)
    return h

if __name__ == "__main__":
    import jax
    _d = setup_inputs()
    print(jax.jit(kernel)(*tuple(_d.values())))

</pallas_src>

<mosaic_0001>
#map = affine_map<(d0, d1) -> (0, 0)>
#map1 = affine_map<(d0, d1) -> (0)>
module attributes {stable_mosaic.version = 14 : i64} {
  func.func @_sc_gather_relu(%arg0: i32, %arg1: i32, %arg2: memref<10000x128xf32, #tpu.memory_space<hbm>>, %arg3: memref<10000x128xf32, #tpu.memory_space<hbm>>, %arg4: memref<320000xi32, #tpu.memory_space<hbm>>, %arg5: memref<320000xi32, #tpu.memory_space<hbm>>, %arg6: memref<320000x128xf32, #tpu.memory_space<hbm>>, %arg7: memref<10000xi32, #tpu.memory_space<vmem>>, %arg8: memref<10000xi32, #tpu.memory_space<vmem>>, %arg9: memref<80x128xf32, #tpu.memory_space<vmem>>, %arg10: memref<80x128xf32, #tpu.memory_space<vmem>>, %arg11: memref<!tpu.dma_semaphore, #tpu.memory_space<semaphore_mem>>, %arg12: memref<!tpu.dma_semaphore, #tpu.memory_space<semaphore_mem>>) attributes {dimension_semantics = [#tpu.dimension_semantics<core_parallel>, #tpu.dimension_semantics<subcore_parallel>], iteration_bounds = array<i64: 2, 16>, scalar_prefetch = 0 : i64, scratch_operands = 6 : i64, tpu.core_type = #tpu.core_type<sc_vector_subcore>, window_params = [{transform_indices = #map}, {transform_indices = #map}, {transform_indices = #map1}, {transform_indices = #map1}, {transform_indices = #map}]} {
    %mul3A = arith.constant 2 : i32
    %mul3A_0 = arith.muli %arg1, %mul3A : i32
    %add3A = arith.addi %mul3A_0, %arg0 : i32
    %mul3A_1 = arith.constant 10000 : i32
    %mul3A_2 = arith.muli %add3A, %mul3A_1 : i32
    "tpu.region"() ({
      %run_scoped3A = tpu.sem_alloc : memref<!tpu.dma_semaphore, #tpu.memory_space<semaphore_mem>>
      %dma_start3A = tpu.memref_slice %arg4[%mul3A_2] : memref<320000xi32, #tpu.memory_space<hbm>> -> memref<10000xi32, #tpu.memory_space<hbm>>
      %dma_start3A_7 = tpu.memref_slice %arg4[%mul3A_2] : memref<320000xi32, #tpu.memory_space<hbm>> -> memref<10000xi32, #tpu.memory_space<hbm>>
      tpu.enqueue_dma source(%dma_start3A_7 : memref<10000xi32, #tpu.memory_space<hbm>>) target(%arg7 : memref<10000xi32, #tpu.memory_space<vmem>>) target_semaphore(%run_scoped3A : memref<!tpu.dma_semaphore, #tpu.memory_space<semaphore_mem>>)
      %dma_wait3A = tpu.memref_slice %arg4[%mul3A_2] : memref<320000xi32, #tpu.memory_space<hbm>> -> memref<10000xi32, #tpu.memory_space<hbm>>
      %dma_wait3A_8 = tpu.memref_slice %arg4[%mul3A_2] : memref<320000xi32, #tpu.memory_space<hbm>> -> memref<10000xi32, #tpu.memory_space<hbm>>
      tpu.wait_dma2 semaphore(%run_scoped3A : memref<!tpu.dma_semaphore, #tpu.memory_space<semaphore_mem>>) src(%dma_wait3A_8 : memref<10000xi32, #tpu.memory_space<hbm>>) dst(%arg7 : memref<10000xi32, #tpu.memory_space<vmem>>)
      tpu.yield
    }) : () -> ()
    "tpu.region"() ({
      %run_scoped3A = tpu.sem_alloc : memref<!tpu.dma_semaphore, #tpu.memory_space<semaphore_mem>>
      %dma_start3A = tpu.memref_slice %arg5[%mul3A_2] : memref<320000xi32, #tpu.memory_space<hbm>> -> memref<10000xi32, #tpu.memory_space<hbm>>
      %dma_start3A_7 = tpu.memref_slice %arg5[%mul3A_2] : memref<320000xi32, #tpu.memory_space<hbm>> -> memref<10000xi32, #tpu.memory_space<hbm>>
      tpu.enqueue_dma source(%dma_start3A_7 : memref<10000xi32, #tpu.memory_space<hbm>>) target(%arg8 : memref<10000xi32, #tpu.memory_space<vmem>>) target_semaphore(%run_scoped3A : memref<!tpu.dma_semaphore, #tpu.memory_space<semaphore_mem>>)
      %dma_wait3A = tpu.memref_slice %arg5[%mul3A_2] : memref<320000xi32, #tpu.memory_space<hbm>> -> memref<10000xi32, #tpu.memory_space<hbm>>
      %dma_wait3A_8 = tpu.memref_slice %arg5[%mul3A_2] : memref<320000xi32, #tpu.memory_space<hbm>> -> memref<10000xi32, #tpu.memory_space<hbm>>
      tpu.wait_dma2 semaphore(%run_scoped3A : memref<!tpu.dma_semaphore, #tpu.memory_space<semaphore_mem>>) src(%dma_wait3A_8 : memref<10000xi32, #tpu.memory_space<hbm>>) dst(%arg8 : memref<10000xi32, #tpu.memory_space<vmem>>)
      tpu.yield
    }) : () -> ()
    %scan3A = arith.constant 0 : i32
    %scan3A_3 = arith.constant 125 : i32
    %scan3A_4 = arith.addi %scan3A, %scan3A_3 : i32
    %scan3A_5 = arith.constant 1 : i32
    scf.for %scan3A_7 = %scan3A to %scan3A_4 step %scan3A_5  : i32 {
      %mul3A_8 = arith.constant 80 : i32
      %mul3A_9 = arith.muli %scan3A_7, %mul3A_8 : i32
      %dma_start3A = tpu.memref_slice %arg7[%mul3A_9] : memref<10000xi32, #tpu.memory_space<vmem>> -> memref<80xi32, #tpu.memory_space<vmem>>
      %dma_start3A_10 = arith.constant 0 : i32
      %dma_start3A_11 = arith.constant 0 : i32
      %dma_start3A_12 = tpu.memref_slice %arg2[%dma_start3A_10, %dma_start3A_11] : memref<10000x128xf32, #tpu.memory_space<hbm>> -> memref<10000x128xf32, #tpu.memory_space<hbm>>
      tpu.enqueue_indirect_dma source(%dma_start3A_12 : memref<10000x128xf32, #tpu.memory_space<hbm>>) target(%arg9 : memref<80x128xf32, #tpu.memory_space<vmem>>) offsets(%dma_start3A : memref<80xi32, #tpu.memory_space<vmem>>) semaphore(%arg11 : memref<!tpu.dma_semaphore, #tpu.memory_space<semaphore_mem>>)
      %dma_start3A_13 = tpu.memref_slice %arg8[%mul3A_9] : memref<10000xi32, #tpu.memory_space<vmem>> -> memref<80xi32, #tpu.memory_space<vmem>>
      %dma_start3A_14 = arith.constant 0 : i32
      %dma_start3A_15 = arith.constant 0 : i32
      %dma_start3A_16 = tpu.memref_slice %arg3[%dma_start3A_14, %dma_start3A_15] : memref<10000x128xf32, #tpu.memory_space<hbm>> -> memref<10000x128xf32, #tpu.memory_space<hbm>>
      tpu.enqueue_indirect_dma source(%dma_start3A_16 : memref<10000x128xf32, #tpu.memory_space<hbm>>) target(%arg10 : memref<80x128xf32, #tpu.memory_space<vmem>>) offsets(%dma_start3A_13 : memref<80xi32, #tpu.memory_space<vmem>>) semaphore(%arg12 : memref<!tpu.dma_semaphore, #tpu.memory_space<semaphore_mem>>)
      %dma_wait3A = tpu.memref_slice %arg7[%mul3A_9] : memref<10000xi32, #tpu.memory_space<vmem>> -> memref<80xi32, #tpu.memory_space<vmem>>
      %dma_wait3A_17 = arith.constant 0 : i32
      %dma_wait3A_18 = arith.constant 0 : i32
      %dma_wait3A_19 = tpu.memref_slice %arg2[%dma_wait3A_17, %dma_wait3A_18] : memref<10000x128xf32, #tpu.memory_space<hbm>> -> memref<10000x128xf32, #tpu.memory_space<hbm>>
      tpu.wait_indirect_dma semaphore(%arg11 : memref<!tpu.dma_semaphore, #tpu.memory_space<semaphore_mem>>) src(%dma_wait3A_19 : memref<10000x128xf32, #tpu.memory_space<hbm>>) dst(%arg9 : memref<80x128xf32, #tpu.memory_space<vmem>>)
      %dma_wait3A_20 = tpu.memref_slice %arg8[%mul3A_9] : memref<10000xi32, #tpu.memory_space<vmem>> -> memref<80xi32, #tpu.memory_space<vmem>>
      %dma_wait3A_21 = arith.constant 0 : i32
      %dma_wait3A_22 = arith.constant 0 : i32
      %dma_wait3A_23 = tpu.memref_slice %arg3[%dma_wait3A_21, %dma_wait3A_22] : memref<10000x128xf32, #tpu.memory_space<hbm>> -> memref<10000x128xf32, #tpu.memory_space<hbm>>
      tpu.wait_indirect_dma semaphore(%arg12 : memref<!tpu.dma_semaphore, #tpu.memory_space<semaphore_mem>>) src(%dma_wait3A_23 : memref<10000x128xf32, #tpu.memory_space<hbm>>) dst(%arg10 : memref<80x128xf32, #tpu.memory_space<vmem>>)
      %scan3A_24 = arith.constant 0 : i32
      %scan3A_25 = arith.constant 80 : i32
      %scan3A_26 = arith.addi %scan3A_24, %scan3A_25 : i32
      %scan3A_27 = arith.constant 1 : i32
      scf.for %scan3A_30 = %scan3A_24 to %scan3A_26 step %scan3A_27  : i32 {
        %get3A = arith.index_cast %scan3A_30 : i32 to index
        %get3A_31 = arith.constant 0 : index
        %get3A_32 = tpu.vector_load %arg9[%get3A, %get3A_31] {strides = array<i32>} : memref<80x128xf32, #tpu.memory_space<vmem>>, vector<1x16xf32>,
        %get3A_33 = vector.shape_cast %get3A_32 : vector<1x16xf32> to vector<16xf32>
        %get3A_34 = arith.index_cast %scan3A_30 : i32 to index
        %get3A_35 = arith.constant 0 : index
        %get3A_36 = tpu.vector_load %arg10[%get3A_34, %get3A_35] {strides = array<i32>} : memref<80x128xf32, #tpu.memory_space<vmem>>, vector<1x16xf32>,
        %get3A_37 = vector.shape_cast %get3A_36 : vector<1x16xf32> to vector<16xf32>
        %add3A_38 = arith.addf %get3A_33, %get3A_37 : vector<16xf32>
        %max3A = arith.constant 0.000000e+00 : f32
        %max3A_39 = vector.broadcast %max3A : f32 to vector<16xf32>
        %max3A_40 = arith.maximumf %add3A_38, %max3A_39 : vector<16xf32>
        %swap3A = arith.index_cast %scan3A_30 : i32 to index
        %swap3A_41 = arith.constant 0 : index
        %swap3A_42 = tpu.vector_load %arg9[%swap3A, %swap3A_41] {strides = array<i32>} : memref<80x128xf32, #tpu.memory_space<vmem>>, vector<1x16xf32>,
        %swap3A_43 = vector.shape_cast %swap3A_42 : vector<1x16xf32> to vector<16xf32>
        %swap3A_44 = vector.shape_cast %max3A_40 : vector<16xf32> to vector<1x16xf32>
        tpu.vector_store %arg9[%swap3A, %swap3A_41], %swap3A_44 {strides = array<i32>} : memref<80x128xf32, #tpu.memory_space<vmem>>, vector<1x16xf32>,
        %get3A_45 = arith.index_cast %scan3A_30 : i32 to index
        %get3A_46 = arith.constant 16 : index
        %get3A_47 = tpu.vector_load %arg9[%get3A_45, %get3A_46] {strides = array<i32>} : memref<80x128xf32, #tpu.memory_space<vmem>>, vector<1x16xf32>,
        %get3A_48 = vector.shape_cast %get3A_47 : vector<1x16xf32> to vector<16xf32>
        %get3A_49 = arith.index_cast %scan3A_30 : i32 to index
        %get3A_50 = arith.constant 16 : index
        %get3A_51 = tpu.vector_load %arg10[%get3A_49, %get3A_50] {strides = array<i32>} : memref<80x128xf32, #tpu.memory_space<vmem>>, vector<1x16xf32>,
        %get3A_52 = vector.shape_cast %get3A_51 : vector<1x16xf32> to vector<16xf32>
        %add3A_53 = arith.addf %get3A_48, %get3A_52 : vector<16xf32>
        %max3A_54 = arith.constant 0.000000e+00 : f32
        %max3A_55 = vector.broadcast %max3A_54 : f32 to vector<16xf32>
        %max3A_56 = arith.maximumf %add3A_53, %max3A_55 : vector<16xf32>
        %swap3A_57 = arith.index_cast %scan3A_30 : i32 to index
        %swap3A_58 = arith.constant 16 : index
        %swap3A_59 = tpu.vector_load %arg9[%swap3A_57, %swap3A_58] {strides = array<i32>} : memref<80x128xf32, #tpu.memory_space<vmem>>, vector<1x16xf32>,
        %swap3A_60 = vector.shape_cast %swap3A_59 : vector<1x16xf32> to vector<16xf32>
        %swap3A_61 = vector.shape_cast %max3A_56 : vector<16xf32> to vector<1x16xf32>
        tpu.vector_store %arg9[%swap3A_57, %swap3A_58], %swap3A_61 {strides = array<i32>} : memref<80x128xf32, #tpu.memory_space<vmem>>, vector<1x16xf32>,
        %get3A_62 = arith.index_cast %scan3A_30 : i32 to index
        %get3A_63 = arith.constant 32 : index
        %get3A_64 = tpu.vector_load %arg9[%get3A_62, %get3A_63] {strides = array<i32>} : memref<80x128xf32, #tpu.memory_space<vmem>>, vector<1x16xf32>,
        %get3A_65 = vector.shape_cast %get3A_64 : vector<1x16xf32> to vector<16xf32>
        %get3A_66 = arith.index_cast %scan3A_30 : i32 to index
        %get3A_67 = arith.constant 32 : index
        %get3A_68 = tpu.vector_load %arg10[%get3A_66, %get3A_67] {strides = array<i32>} : memref<80x128xf32, #tpu.memory_space<vmem>>, vector<1x16xf32>,
        %get3A_69 = vector.shape_cast %get3A_68 : vector<1x16xf32> to vector<16xf32>
        %add3A_70 = arith.addf %get3A_65, %get3A_69 : vector<16xf32>
        %max3A_71 = arith.constant 0.000000e+00 : f32
        %max3A_72 = vector.broadcast %max3A_71 : f32 to vector<16xf32>
        %max3A_73 = arith.maximumf %add3A_70, %max3A_72 : vector<16xf32>
        %swap3A_74 = arith.index_cast %scan3A_30 : i32 to index
        %swap3A_75 = arith.constant 32 : index
        %swap3A_76 = tpu.vector_load %arg9[%swap3A_74, %swap3A_75] {strides = array<i32>} : memref<80x128xf32, #tpu.memory_space<vmem>>, vector<1x16xf32>,
        %swap3A_77 = vector.shape_cast %swap3A_76 : vector<1x16xf32> to vector<16xf32>
        %swap3A_78 = vector.shape_cast %max3A_73 : vector<16xf32> to vector<1x16xf32>
        tpu.vector_store %arg9[%swap3A_74, %swap3A_75], %swap3A_78 {strides = array<i32>} : memref<80x128xf32, #tpu.memory_space<vmem>>, vector<1x16xf32>,
        %get3A_79 = arith.index_cast %scan3A_30 : i32 to index
        %get3A_80 = arith.constant 48 : index
        %get3A_81 = tpu.vector_load %arg9[%get3A_79, %get3A_80] {strides = array<i32>} : memref<80x128xf32, #tpu.memory_space<vmem>>, vector<1x16xf32>,
        %get3A_82 = vector.shape_cast %get3A_81 : vector<1x16xf32> to vector<16xf32>
        %get3A_83 = arith.index_cast %scan3A_30 : i32 to index
        %get3A_84 = arith.constant 48 : index
        %get3A_85 = tpu.vector_load %arg10[%get3A_83, %get3A_84] {strides = array<i32>} : memref<80x128xf32, #tpu.memory_space<vmem>>, vector<1x16xf32>,
        %get3A_86 = vector.shape_cast %get3A_85 : vector<1x16xf32> to vector<16xf32>
        %add3A_87 = arith.addf %get3A_82, %get3A_86 : vector<16xf32>
        %max3A_88 = arith.constant 0.000000e+00 : f32
        %max3A_89 = vector.broadcast %max3A_88 : f32 to vector<16xf32>
        %max3A_90 = arith.maximumf %add3A_87, %max3A_89 : vector<16xf32>
        %swap3A_91 = arith.index_cast %scan3A_30 : i32 to index
        %swap3A_92 = arith.constant 48 : index
        %swap3A_93 = tpu.vector_load %arg9[%swap3A_91, %swap3A_92] {strides = array<i32>} : memref<80x128xf32, #tpu.memory_space<vmem>>, vector<1x16xf32>,
        %swap3A_94 = vector.shape_cast %swap3A_93 : vector<1x16xf32> to vector<16xf32>
        %swap3A_95 = vector.shape_cast %max3A_90 : vector<16xf32> to vector<1x16xf32>
        tpu.vector_store %arg9[%swap3A_91, %swap3A_92], %swap3A_95 {strides = array<i32>} : memref<80x128xf32, #tpu.memory_space<vmem>>, vector<1x16xf32>,
        %get3A_96 = arith.index_cast %scan3A_30 : i32 to index
        %get3A_97 = arith.constant 64 : index
        %get3A_98 = tpu.vector_load %arg9[%get3A_96, %get3A_97] {strides = array<i32>} : memref<80x128xf32, #tpu.memory_space<vmem>>, vector<1x16xf32>,
        %get3A_99 = vector.shape_cast %get3A_98 : vector<1x16xf32> to vector<16xf32>
        %get3A_100 = arith.index_cast %scan3A_30 : i32 to index
        %get3A_101 = arith.constant 64 : index
        %get3A_102 = tpu.vector_load %arg10[%get3A_100, %get3A_101] {strides = array<i32>} : memref<80x128xf32, #tpu.memory_space<vmem>>, vector<1x16xf32>,
        %get3A_103 = vector.shape_cast %get3A_102 : vector<1x16xf32> to vector<16xf32>
        %add3A_104 = arith.addf %get3A_99, %get3A_103 : vector<16xf32>
        %max3A_105 = arith.constant 0.000000e+00 : f32
        %max3A_106 = vector.broadcast %max3A_105 : f32 to vector<16xf32>
        %max3A_107 = arith.maximumf %add3A_104, %max3A_106 : vector<16xf32>
        %swap3A_108 = arith.index_cast %scan3A_30 : i32 to index
        %swap3A_109 = arith.constant 64 : index
        %swap3A_110 = tpu.vector_load %arg9[%swap3A_108, %swap3A_109] {strides = array<i32>} : memref<80x128xf32, #tpu.memory_space<vmem>>, vector<1x16xf32>,
        %swap3A_111 = vector.shape_cast %swap3A_110 : vector<1x16xf32> to vector<16xf32>
        %swap3A_112 = vector.shape_cast %max3A_107 : vector<16xf32> to vector<1x16xf32>
        tpu.vector_store %arg9[%swap3A_108, %swap3A_109], %swap3A_112 {strides = array<i32>} : memref<80x128xf32, #tpu.memory_space<vmem>>, vector<1x16xf32>,
        %get3A_113 = arith.index_cast %scan3A_30 : i32 to index
        %get3A_114 = arith.constant 80 : index
        %get3A_115 = tpu.vector_load %arg9[%get3A_113, %get3A_114] {strides = array<i32>} : memref<80x128xf32, #tpu.memory_space<vmem>>, vector<1x16xf32>,
        %get3A_116 = vector.shape_cast %get3A_115 : vector<1x16xf32> to vector<16xf32>
        %get3A_117 = arith.index_cast %scan3A_30 : i32 to index
        %get3A_118 = arith.constant 80 : index
        %get3A_119 = tpu.vector_load %arg10[%get3A_117, %get3A_118] {strides = array<i32>} : memref<80x128xf32, #tpu.memory_space<vmem>>, vector<1x16xf32>,
        %get3A_120 = vector.shape_cast %get3A_119 : vector<1x16xf32> to vector<16xf32>
        %add3A_121 = arith.addf %get3A_116, %get3A_120 : vector<16xf32>
        %max3A_122 = arith.constant 0.000000e+00 : f32
        %max3A_123 = vector.broadcast %max3A_122 : f32 to vector<16xf32>
        %max3A_124 = arith.maximumf %add3A_121, %max3A_123 : vector<16xf32>
        %swap3A_125 = arith.index_cast %scan3A_30 : i32 to index
        %swap3A_126 = arith.constant 80 : index
        %swap3A_127 = tpu.vector_load %arg9[%swap3A_125, %swap3A_126] {strides = array<i32>} : memref<80x128xf32, #tpu.memory_space<vmem>>, vector<1x16xf32>,
        %swap3A_128 = vector.shape_cast %swap3A_127 : vector<1x16xf32> to vector<16xf32>
        %swap3A_129 = vector.shape_cast %max3A_124 : vector<16xf32> to vector<1x16xf32>
        tpu.vector_store %arg9[%swap3A_125, %swap3A_126], %swap3A_129 {strides = array<i32>} : memref<80x128xf32, #tpu.memory_space<vmem>>, vector<1x16xf32>,
        %get3A_130 = arith.index_cast %scan3A_30 : i32 to index
        %get3A_131 = arith.constant 96 : index
        %get3A_132 = tpu.vector_load %arg9[%get3A_130, %get3A_131] {strides = array<i32>} : memref<80x128xf32, #tpu.memory_space<vmem>>, vector<1x16xf32>,
        %get3A_133 = vector.shape_cast %get3A_132 : vector<1x16xf32> to vector<16xf32>
        %get3A_134 = arith.index_cast %scan3A_30 : i32 to index
        %get3A_135 = arith.constant 96 : index
        %get3A_136 = tpu.vector_load %arg10[%get3A_134, %get3A_135] {strides = array<i32>} : memref<80x128xf32, #tpu.memory_space<vmem>>, vector<1x16xf32>,
        %get3A_137 = vector.shape_cast %get3A_136 : vector<1x16xf32> to vector<16xf32>
        %add3A_138 = arith.addf %get3A_133, %get3A_137 : vector<16xf32>
        %max3A_139 = arith.constant 0.000000e+00 : f32
        %max3A_140 = vector.broadcast %max3A_139 : f32 to vector<16xf32>
        %max3A_141 = arith.maximumf %add3A_138, %max3A_140 : vector<16xf32>
        %swap3A_142 = arith.index_cast %scan3A_30 : i32 to index
        %swap3A_143 = arith.constant 96 : index
        %swap3A_144 = tpu.vector_load %arg9[%swap3A_142, %swap3A_143] {strides = array<i32>} : memref<80x128xf32, #tpu.memory_space<vmem>>, vector<1x16xf32>,
        %swap3A_145 = vector.shape_cast %swap3A_144 : vector<1x16xf32> to vector<16xf32>
        %swap3A_146 = vector.shape_cast %max3A_141 : vector<16xf32> to vector<1x16xf32>
        tpu.vector_store %arg9[%swap3A_142, %swap3A_143], %swap3A_146 {strides = array<i32>} : memref<80x128xf32, #tpu.memory_space<vmem>>, vector<1x16xf32>,
        %get3A_147 = arith.index_cast %scan3A_30 : i32 to index
        %get3A_148 = arith.constant 112 : index
        %get3A_149 = tpu.vector_load %arg9[%get3A_147, %get3A_148] {strides = array<i32>} : memref<80x128xf32, #tpu.memory_space<vmem>>, vector<1x16xf32>,
        %get3A_150 = vector.shape_cast %get3A_149 : vector<1x16xf32> to vector<16xf32>
        %get3A_151 = arith.index_cast %scan3A_30 : i32 to index
        %get3A_152 = arith.constant 112 : index
        %get3A_153 = tpu.vector_load %arg10[%get3A_151, %get3A_152] {strides = array<i32>} : memref<80x128xf32, #tpu.memory_space<vmem>>, vector<1x16xf32>,
        %get3A_154 = vector.shape_cast %get3A_153 : vector<1x16xf32> to vector<16xf32>
        %add3A_155 = arith.addf %get3A_150, %get3A_154 : vector<16xf32>
        %max3A_156 = arith.constant 0.000000e+00 : f32
        %max3A_157 = vector.broadcast %max3A_156 : f32 to vector<16xf32>
        %max3A_158 = arith.maximumf %add3A_155, %max3A_157 : vector<16xf32>
        %swap3A_159 = arith.index_cast %scan3A_30 : i32 to index
        %swap3A_160 = arith.constant 112 : index
        %swap3A_161 = tpu.vector_load %arg9[%swap3A_159, %swap3A_160] {strides = array<i32>} : memref<80x128xf32, #tpu.memory_space<vmem>>, vector<1x16xf32>,
        %swap3A_162 = vector.shape_cast %swap3A_161 : vector<1x16xf32> to vector<16xf32>
        %swap3A_163 = vector.shape_cast %max3A_158 : vector<16xf32> to vector<1x16xf32>
        tpu.vector_store %arg9[%swap3A_159, %swap3A_160], %swap3A_163 {strides = array<i32>} : memref<80x128xf32, #tpu.memory_space<vmem>>, vector<1x16xf32>,
      }
      %scan3A_28 = arith.constant 80 : i32
      %add3A_29 = arith.addi %mul3A_2, %mul3A_9 : i32
      "tpu.region"() ({
        %run_scoped3A = tpu.sem_alloc : memref<!tpu.dma_semaphore, #tpu.memory_space<semaphore_mem>>
        %dma_start3A_30 = arith.constant 0 : i32
        %dma_start3A_31 = tpu.memref_slice %arg6[%add3A_29, %dma_start3A_30] : memref<320000x128xf32, #tpu.memory_space<hbm>> -> memref<80x128xf32, #tpu.memory_space<hbm>>
        %dma_start3A_32 = arith.constant 0 : i32
        %dma_start3A_33 = tpu.memref_slice %arg6[%add3A_29, %dma_start3A_32] : memref<320000x128xf32, #tpu.memory_space<hbm>> -> memref<80x128xf32, #tpu.memory_space<hbm>>
        tpu.enqueue_dma source(%arg9 : memref<80x128xf32, #tpu.memory_space<vmem>>) target(%dma_start3A_33 : memref<80x128xf32, #tpu.memory_space<hbm>>) target_semaphore(%run_scoped3A : memref<!tpu.dma_semaphore, #tpu.memory_space<semaphore_mem>>)
        %dma_wait3A_34 = arith.constant 0 : i32
        %dma_wait3A_35 = tpu.memref_slice %arg6[%add3A_29, %dma_wait3A_34] : memref<320000x128xf32, #tpu.memory_space<hbm>> -> memref<80x128xf32, #tpu.memory_space<hbm>>
        %dma_wait3A_36 = arith.constant 0 : i32
        %dma_wait3A_37 = tpu.memref_slice %arg6[%add3A_29, %dma_wait3A_36] : memref<320000x128xf32, #tpu.memory_space<hbm>> -> memref<80x128xf32, #tpu.memory_space<hbm>>
        tpu.wait_dma2 semaphore(%run_scoped3A : memref<!tpu.dma_semaphore, #tpu.memory_space<semaphore_mem>>) src(%arg9 : memref<80x128xf32, #tpu.memory_space<vmem>>) dst(%dma_wait3A_37 : memref<80x128xf32, #tpu.memory_space<hbm>>)
        tpu.yield
      }) : () -> ()
    }
    %scan3A_6 = arith.constant 125 : i32
    return
  }
}

#map = affine_map<(d0, d1) -> (0, 0)>
#map1 = affine_map<(d0, d1) -> (0)>
module attributes {stable_mosaic.version = 14 : i64} {
  func.func @_sc_gather_relu(%arg0: i32, %arg1: i32, %arg2: memref<10000x128xf32, #tpu.memory_space<hbm>>, %arg3: memref<10000x128xf32, #tpu.memory_space<hbm>>, %arg4: memref<320000xi32, #tpu.memory_space<hbm>>, %arg5: memref<320000xi32, #tpu.memory_space<hbm>>, %arg6: memref<320000x128xf32, #tpu.memory_space<hbm>>, %arg7: memref<10000xi32, #tpu.memory_space<vmem>>, %arg8: memref<10000xi32, #tpu.memory_space<vmem>>, %arg9: memref<80x128xf32, #tpu.memory_space<vmem>>, %arg10: memref<80x128xf32, #tpu.memory_space<vmem>>, %arg11: memref<!tpu.dma_semaphore, #tpu.memory_space<semaphore_mem>>, %arg12: memref<!tpu.dma_semaphore, #tpu.memory_space<semaphore_mem>>) attributes {dimension_semantics = [#tpu.dimension_semantics<core_parallel>, #tpu.dimension_semantics<subcore_parallel>], iteration_bounds = array<i64: 2, 16>, scalar_prefetch = 0 : i64, scratch_operands = 6 : i64, tpu.core_type = #tpu.core_type<sc_vector_subcore>, window_params = [{transform_indices = #map}, {transform_indices = #map}, {transform_indices = #map1}, {transform_indices = #map1}, {transform_indices = #map}]} {
    %mul3A = arith.constant 2 : i32
    %mul3A_0 = arith.muli %arg1, %mul3A : i32
    %add3A = arith.addi %mul3A_0, %arg0 : i32
    %mul3A_1 = arith.constant 10000 : i32
    %mul3A_2 = arith.muli %add3A, %mul3A_1 : i32
    "tpu.region"() ({
      %run_scoped3A = tpu.sem_alloc : memref<!tpu.dma_semaphore, #tpu.memory_space<semaphore_mem>>
      %dma_start3A = tpu.memref_slice %arg4[%mul3A_2] : memref<320000xi32, #tpu.memory_space<hbm>> -> memref<10000xi32, #tpu.memory_space<hbm>>
      %dma_start3A_7 = tpu.memref_slice %arg4[%mul3A_2] : memref<320000xi32, #tpu.memory_space<hbm>> -> memref<10000xi32, #tpu.memory_space<hbm>>
      tpu.enqueue_dma source(%dma_start3A_7 : memref<10000xi32, #tpu.memory_space<hbm>>) target(%arg7 : memref<10000xi32, #tpu.memory_space<vmem>>) target_semaphore(%run_scoped3A : memref<!tpu.dma_semaphore, #tpu.memory_space<semaphore_mem>>)
      %dma_wait3A = tpu.memref_slice %arg4[%mul3A_2] : memref<320000xi32, #tpu.memory_space<hbm>> -> memref<10000xi32, #tpu.memory_space<hbm>>
      %dma_wait3A_8 = tpu.memref_slice %arg4[%mul3A_2] : memref<320000xi32, #tpu.memory_space<hbm>> -> memref<10000xi32, #tpu.memory_space<hbm>>
      tpu.wait_dma2 semaphore(%run_scoped3A : memref<!tpu.dma_semaphore, #tpu.memory_space<semaphore_mem>>) src(%dma_wait3A_8 : memref<10000xi32, #tpu.memory_space<hbm>>) dst(%arg7 : memref<10000xi32, #tpu.memory_space<vmem>>)
      tpu.yield
    }) : () -> ()
    "tpu.region"() ({
      %run_scoped3A = tpu.sem_alloc : memref<!tpu.dma_semaphore, #tpu.memory_space<semaphore_mem>>
      %dma_start3A = tpu.memref_slice %arg5[%mul3A_2] : memref<320000xi32, #tpu.memory_space<hbm>> -> memref<10000xi32, #tpu.memory_space<hbm>>
      %dma_start3A_7 = tpu.memref_slice %arg5[%mul3A_2] : memref<320000xi32, #tpu.memory_space<hbm>> -> memref<10000xi32, #tpu.memory_space<hbm>>
      tpu.enqueue_dma source(%dma_start3A_7 : memref<10000xi32, #tpu.memory_space<hbm>>) target(%arg8 : memref<10000xi32, #tpu.memory_space<vmem>>) target_semaphore(%run_scoped3A : memref<!tpu.dma_semaphore, #tpu.memory_space<semaphore_mem>>)
      %dma_wait3A = tpu.memref_slice %arg5[%mul3A_2] : memref<320000xi32, #tpu.memory_space<hbm>> -> memref<10000xi32, #tpu.memory_space<hbm>>
      %dma_wait3A_8 = tpu.memref_slice %arg5[%mul3A_2] : memref<320000xi32, #tpu.memory_space<hbm>> -> memref<10000xi32, #tpu.memory_space<hbm>>
      tpu.wait_dma2 semaphore(%run_scoped3A : memref<!tpu.dma_semaphore, #tpu.memory_space<semaphore_mem>>) src(%dma_wait3A_8 : memref<10000xi32, #tpu.memory_space<hbm>>) dst(%arg8 : memref<10000xi32, #tpu.memory_space<vmem>>)
      tpu.yield
    }) : () -> ()
    %scan3A = arith.constant 0 : i32
    %scan3A_3 = arith.constant 125 : i32
    %scan3A_4 = arith.addi %scan3A, %scan3A_3 : i32
    %scan3A_5 = arith.constant 1 : i32
    scf.for %scan3A_7 = %scan3A to %scan3A_4 step %scan3A_5  : i32 {
      %mul3A_8 = arith.constant 80 : i32
      %mul3A_9 = arith.muli %scan3A_7, %mul3A_8 : i32
      %dma_start3A = tpu.memref_slice %arg7[%mul3A_9] : memref<10000xi32, #tpu.memory_space<vmem>> -> memref<80xi32, #tpu.memory_space<vmem>>
      %dma_start3A_10 = arith.constant 0 : i32
      %dma_start3A_11 = arith.constant 0 : i32
      %dma_start3A_12 = tpu.memref_slice %arg2[%dma_start3A_10, %dma_start3A_11] : memref<10000x128xf32, #tpu.memory_space<hbm>> -> memref<10000x128xf32, #tpu.memory_space<hbm>>
      tpu.enqueue_indirect_dma source(%dma_start3A_12 : memref<10000x128xf32, #tpu.memory_space<hbm>>) target(%arg9 : memref<80x128xf32, #tpu.memory_space<vmem>>) offsets(%dma_start3A : memref<80xi32, #tpu.memory_space<vmem>>) semaphore(%arg11 : memref<!tpu.dma_semaphore, #tpu.memory_space<semaphore_mem>>)
      %dma_start3A_13 = tpu.memref_slice %arg8[%mul3A_9] : memref<10000xi32, #tpu.memory_space<vmem>> -> memref<80xi32, #tpu.memory_space<vmem>>
      %dma_start3A_14 = arith.constant 0 : i32
      %dma_start3A_15 = arith.constant 0 : i32
      %dma_start3A_16 = tpu.memref_slice %arg3[%dma_start3A_14, %dma_start3A_15] : memref<10000x128xf32, #tpu.memory_space<hbm>> -> memref<10000x128xf32, #tpu.memory_space<hbm>>
      tpu.enqueue_indirect_dma source(%dma_start3A_16 : memref<10000x128xf32, #tpu.memory_space<hbm>>) target(%arg10 : memref<80x128xf32, #tpu.memory_space<vmem>>) offsets(%dma_start3A_13 : memref<80xi32, #tpu.memory_space<vmem>>) semaphore(%arg12 : memref<!tpu.dma_semaphore, #tpu.memory_space<semaphore_mem>>)
      %dma_wait3A = tpu.memref_slice %arg7[%mul3A_9] : memref<10000xi32, #tpu.memory_space<vmem>> -> memref<80xi32, #tpu.memory_space<vmem>>
      %dma_wait3A_17 = arith.constant 0 : i32
      %dma_wait3A_18 = arith.constant 0 : i32
      %dma_wait3A_19 = tpu.memref_slice %arg2[%dma_wait3A_17, %dma_wait3A_18] : memref<10000x128xf32, #tpu.memory_space<hbm>> -> memref<10000x128xf32, #tpu.memory_space<hbm>>
      tpu.wait_indirect_dma semaphore(%arg11 : memref<!tpu.dma_semaphore, #tpu.memory_space<semaphore_mem>>) src(%dma_wait3A_19 : memref<10000x128xf32, #tpu.memory_space<hbm>>) dst(%arg9 : memref<80x128xf32, #tpu.memory_space<vmem>>)
      %dma_wait3A_20 = tpu.memref_slice %arg8[%mul3A_9] : memref<10000xi32, #tpu.memory_space<vmem>> -> memref<80xi32, #tpu.memory_space<vmem>>
      %dma_wait3A_21 = arith.constant 0 : i32
      %dma_wait3A_22 = arith.constant 0 : i32
      %dma_wait3A_23 = tpu.memref_slice %arg3[%dma_wait3A_21, %dma_wait3A_22] : memref<10000x128xf32, #tpu.memory_space<hbm>> -> memref<10000x128xf32, #tpu.memory_space<hbm>>
      tpu.wait_indirect_dma semaphore(%arg12 : memref<!tpu.dma_semaphore, #tpu.memory_space<semaphore_mem>>) src(%dma_wait3A_23 : memref<10000x128xf32, #tpu.memory_space<hbm>>) dst(%arg10 : memref<80x128xf32, #tpu.memory_space<vmem>>)
      %scan3A_24 = arith.constant 0 : i32
      %scan3A_25 = arith.constant 80 : i32
      %scan3A_26 = arith.addi %scan3A_24, %scan3A_25 : i32
      %scan3A_27 = arith.constant 1 : i32
      scf.for %scan3A_30 = %scan3A_24 to %scan3A_26 step %scan3A_27  : i32 {
        %get3A = arith.index_cast %scan3A_30 : i32 to index
        %get3A_31 = arith.constant 0 : index
        %get3A_32 = tpu.vector_load %arg9[%get3A, %get3A_31] {strides = array<i32>} : memref<80x128xf32, #tpu.memory_space<vmem>>, vector<1x16xf32>,
        %get3A_33 = vector.shape_cast %get3A_32 : vector<1x16xf32> to vector<16xf32>
        %get3A_34 = arith.index_cast %scan3A_30 : i32 to index
        %get3A_35 = arith.constant 0 : index
        %get3A_36 = tpu.vector_load %arg10[%get3A_34, %get3A_35] {strides = array<i32>} : memref<80x128xf32, #tpu.memory_space<vmem>>, vector<1x16xf32>,
        %get3A_37 = vector.shape_cast %get3A_36 : vector<1x16xf32> to vector<16xf32>
        %add3A_38 = arith.addf %get3A_33, %get3A_37 : vector<16xf32>
        %max3A = arith.constant 0.000000e+00 : f32
        %max3A_39 = vector.broadcast %max3A : f32 to vector<16xf32>
        %max3A_40 = arith.maximumf %add3A_38, %max3A_39 : vector<16xf32>
        %swap3A = arith.index_cast %scan3A_30 : i32 to index
        %swap3A_41 = arith.constant 0 : index
        %swap3A_42 = tpu.vector_load %arg9[%swap3A, %swap3A_41] {strides = array<i32>} : memref<80x128xf32, #tpu.memory_space<vmem>>, vector<1x16xf32>,
        %swap3A_43 = vector.shape_cast %swap3A_42 : vector<1x16xf32> to vector<16xf32>
        %swap3A_44 = vector.shape_cast %max3A_40 : vector<16xf32> to vector<1x16xf32>
        tpu.vector_store %arg9[%swap3A, %swap3A_41], %swap3A_44 {strides = array<i32>} : memref<80x128xf32, #tpu.memory_space<vmem>>, vector<1x16xf32>,
        %get3A_45 = arith.index_cast %scan3A_30 : i32 to index
        %get3A_46 = arith.constant 16 : index
        %get3A_47 = tpu.vector_load %arg9[%get3A_45, %get3A_46] {strides = array<i32>} : memref<80x128xf32, #tpu.memory_space<vmem>>, vector<1x16xf32>,
        %get3A_48 = vector.shape_cast %get3A_47 : vector<1x16xf32> to vector<16xf32>
        %get3A_49 = arith.index_cast %scan3A_30 : i32 to index
        %get3A_50 = arith.constant 16 : index
        %get3A_51 = tpu.vector_load %arg10[%get3A_49, %get3A_50] {strides = array<i32>} : memref<80x128xf32, #tpu.memory_space<vmem>>, vector<1x16xf32>,
        %get3A_52 = vector.shape_cast %get3A_51 : vector<1x16xf32> to vector<16xf32>
        %add3A_53 = arith.addf %get3A_48, %get3A_52 : vector<16xf32>
        %max3A_54 = arith.constant 0.000000e+00 : f32
        %max3A_55 = vector.broadcast %max3A_54 : f32 to vector<16xf32>
        %max3A_56 = arith.maximumf %add3A_53, %max3A_55 : vector<16xf32>
        %swap3A_57 = arith.index_cast %scan3A_30 : i32 to index
        %swap3A_58 = arith.constant 16 : index
        %swap3A_59 = tpu.vector_load %arg9[%swap3A_57, %swap3A_58] {strides = array<i32>} : memref<80x128xf32, #tpu.memory_space<vmem>>, vector<1x16xf32>,
        %swap3A_60 = vector.shape_cast %swap3A_59 : vector<1x16xf32> to vector<16xf32>
        %swap3A_61 = vector.shape_cast %max3A_56 : vector<16xf32> to vector<1x16xf32>
        tpu.vector_store %arg9[%swap3A_57, %swap3A_58], %swap3A_61 {strides = array<i32>} : memref<80x128xf32, #tpu.memory_space<vmem>>, vector<1x16xf32>,
        %get3A_62 = arith.index_cast %scan3A_30 : i32 to index
        %get3A_63 = arith.constant 32 : index
        %get3A_64 = tpu.vector_load %arg9[%get3A_62, %get3A_63] {strides = array<i32>} : memref<80x128xf32, #tpu.memory_space<vmem>>, vector<1x16xf32>,
        %get3A_65 = vector.shape_cast %get3A_64 : vector<1x16xf32> to vector<16xf32>
        %get3A_66 = arith.index_cast %scan3A_30 : i32 to index
        %get3A_67 = arith.constant 32 : index
        %get3A_68 = tpu.vector_load %arg10[%get3A_66, %get3A_67] {strides = array<i32>} : memref<80x128xf32, #tpu.memory_space<vmem>>, vector<1x16xf32>,
        %get3A_69 = vector.shape_cast %get3A_68 : vector<1x16xf32> to vector<16xf32>
        %add3A_70 = arith.addf %get3A_65, %get3A_69 : vector<16xf32>
        %max3A_71 = arith.constant 0.000000e+00 : f32
        %max3A_72 = vector.broadcast %max3A_71 : f32 to vector<16xf32>
        %max3A_73 = arith.maximumf %add3A_70, %max3A_72 : vector<16xf32>
        %swap3A_74 = arith.index_cast %scan3A_30 : i32 to index
        %swap3A_75 = arith.constant 32 : index
        %swap3A_76 = tpu.vector_load %arg9[%swap3A_74, %swap3A_75] {strides = array<i32>} : memref<80x128xf32, #tpu.memory_space<vmem>>, vector<1x16xf32>,
        %swap3A_77 = vector.shape_cast %swap3A_76 : vector<1x16xf32> to vector<16xf32>
        %swap3A_78 = vector.shape_cast %max3A_73 : vector<16xf32> to vector<1x16xf32>
        tpu.vector_store %arg9[%swap3A_74, %swap3A_75], %swap3A_78 {strides = array<i32>} : memref<80x128xf32, #tpu.memory_space<vmem>>, vector<1x16xf32>,
        %get3A_79 = arith.index_cast %scan3A_30 : i32 to index
        %get3A_80 = arith.constant 48 : index
        %get3A_81 = tpu.vector_load %arg9[%get3A_79, %get3A_80] {strides = array<i32>} : memref<80x128xf32, #tpu.memory_space<vmem>>, vector<1x16xf32>,
        %get3A_82 = vector.shape_cast %get3A_81 : vector<1x16xf32> to vector<16xf32>
        %get3A_83 = arith.index_cast %scan3A_30 : i32 to index
        %get3A_84 = arith.constant 48 : index
        %get3A_85 = tpu.vector_load %arg10[%get3A_83, %get3A_84] {strides = array<i32>} : memref<80x128xf32, #tpu.memory_space<vmem>>, vector<1x16xf32>,
        %get3A_86 = vector.shape_cast %get3A_85 : vector<1x16xf32> to vector<16xf32>
        %add3A_87 = arith.addf %get3A_82, %get3A_86 : vector<16xf32>
        %max3A_88 = arith.constant 0.000000e+00 : f32
        %max3A_89 = vector.broadcast %max3A_88 : f32 to vector<16xf32>
        %max3A_90 = arith.maximumf %add3A_87, %max3A_89 : vector<16xf32>
        %swap3A_91 = arith.index_cast %scan3A_30 : i32 to index
        %swap3A_92 = arith.constant 48 : index
        %swap3A_93 = tpu.vector_load %arg9[%swap3A_91, %swap3A_92] {strides = array<i32>} : memref<80x128xf32, #tpu.memory_space<vmem>>, vector<1x16xf32>,
        %swap3A_94 = vector.shape_cast %swap3A_93 : vector<1x16xf32> to vector<16xf32>
        %swap3A_95 = vector.shape_cast %max3A_90 : vector<16xf32> to vector<1x16xf32>
        tpu.vector_store %arg9[%swap3A_91, %swap3A_92], %swap3A_95 {strides = array<i32>} : memref<80x128xf32, #tpu.memory_space<vmem>>, vector<1x16xf32>,
        %get3A_96 = arith.index_cast %scan3A_30 : i32 to index
        %get3A_97 = arith.constant 64 : index
        %get3A_98 = tpu.vector_load %arg9[%get3A_96, %get3A_97] {strides = array<i32>} : memref<80x128xf32, #tpu.memory_space<vmem>>, vector<1x16xf32>,
        %get3A_99 = vector.shape_cast %get3A_98 : vector<1x16xf32> to vector<16xf32>
        %get3A_100 = arith.index_cast %scan3A_30 : i32 to index
        %get3A_101 = arith.constant 64 : index
        %get3A_102 = tpu.vector_load %arg10[%get3A_100, %get3A_101] {strides = array<i32>} : memref<80x128xf32, #tpu.memory_space<vmem>>, vector<1x16xf32>,
        %get3A_103 = vector.shape_cast %get3A_102 : vector<1x16xf32> to vector<16xf32>
        %add3A_104 = arith.addf %get3A_99, %get3A_103 : vector<16xf32>
        %max3A_105 = arith.constant 0.000000e+00 : f32
        %max3A_106 = vector.broadcast %max3A_105 : f32 to vector<16xf32>
        %max3A_107 = arith.maximumf %add3A_104, %max3A_106 : vector<16xf32>
        %swap3A_108 = arith.index_cast %scan3A_30 : i32 to index
        %swap3A_109 = arith.constant 64 : index
        %swap3A_110 = tpu.vector_load %arg9[%swap3A_108, %swap3A_109] {strides = array<i32>} : memref<80x128xf32, #tpu.memory_space<vmem>>, vector<1x16xf32>,
        %swap3A_111 = vector.shape_cast %swap3A_110 : vector<1x16xf32> to vector<16xf32>
        %swap3A_112 = vector.shape_cast %max3A_107 : vector<16xf32> to vector<1x16xf32>
        tpu.vector_store %arg9[%swap3A_108, %swap3A_109], %swap3A_112 {strides = array<i32>} : memref<80x128xf32, #tpu.memory_space<vmem>>, vector<1x16xf32>,
        %get3A_113 = arith.index_cast %scan3A_30 : i32 to index
        %get3A_114 = arith.constant 80 : index
        %get3A_115 = tpu.vector_load %arg9[%get3A_113, %get3A_114] {strides = array<i32>} : memref<80x128xf32, #tpu.memory_space<vmem>>, vector<1x16xf32>,
        %get3A_116 = vector.shape_cast %get3A_115 : vector<1x16xf32> to vector<16xf32>
        %get3A_117 = arith.index_cast %scan3A_30 : i32 to index
        %get3A_118 = arith.constant 80 : index
        %get3A_119 = tpu.vector_load %arg10[%get3A_117, %get3A_118] {strides = array<i32>} : memref<80x128xf32, #tpu.memory_space<vmem>>, vector<1x16xf32>,
        %get3A_120 = vector.shape_cast %get3A_119 : vector<1x16xf32> to vector<16xf32>
        %add3A_121 = arith.addf %get3A_116, %get3A_120 : vector<16xf32>
        %max3A_122 = arith.constant 0.000000e+00 : f32
        %max3A_123 = vector.broadcast %max3A_122 : f32 to vector<16xf32>
        %max3A_124 = arith.maximumf %add3A_121, %max3A_123 : vector<16xf32>
        %swap3A_125 = arith.index_cast %scan3A_30 : i32 to index
        %swap3A_126 = arith.constant 80 : index
        %swap3A_127 = tpu.vector_load %arg9[%swap3A_125, %swap3A_126] {strides = array<i32>} : memref<80x128xf32, #tpu.memory_space<vmem>>, vector<1x16xf32>,
        %swap3A_128 = vector.shape_cast %swap3A_127 : vector<1x16xf32> to vector<16xf32>
        %swap3A_129 = vector.shape_cast %max3A_124 : vector<16xf32> to vector<1x16xf32>
        tpu.vector_store %arg9[%swap3A_125, %swap3A_126], %swap3A_129 {strides = array<i32>} : memref<80x128xf32, #tpu.memory_space<vmem>>, vector<1x16xf32>,
        %get3A_130 = arith.index_cast %scan3A_30 : i32 to index
        %get3A_131 = arith.constant 96 : index
        %get3A_132 = tpu.vector_load %arg9[%get3A_130, %get3A_131] {strides = array<i32>} : memref<80x128xf32, #tpu.memory_space<vmem>>, vector<1x16xf32>,
        %get3A_133 = vector.shape_cast %get3A_132 : vector<1x16xf32> to vector<16xf32>
        %get3A_134 = arith.index_cast %scan3A_30 : i32 to index
        %get3A_135 = arith.constant 96 : index
        %get3A_136 = tpu.vector_load %arg10[%get3A_134, %get3A_135] {strides = array<i32>} : memref<80x128xf32, #tpu.memory_space<vmem>>, vector<1x16xf32>,
        %get3A_137 = vector.shape_cast %get3A_136 : vector<1x16xf32> to vector<16xf32>
        %add3A_138 = arith.addf %get3A_133, %get3A_137 : vector<16xf32>
        %max3A_139 = arith.constant 0.000000e+00 : f32
        %max3A_140 = vector.broadcast %max3A_139 : f32 to vector<16xf32>
        %max3A_141 = arith.maximumf %add3A_138, %max3A_140 : vector<16xf32>
        %swap3A_142 = arith.index_cast %scan3A_30 : i32 to index
        %swap3A_143 = arith.constant 96 : index
        %swap3A_144 = tpu.vector_load %arg9[%swap3A_142, %swap3A_143] {strides = array<i32>} : memref<80x128xf32, #tpu.memory_space<vmem>>, vector<1x16xf32>,
        %swap3A_145 = vector.shape_cast %swap3A_144 : vector<1x16xf32> to vector<16xf32>
        %swap3A_146 = vector.shape_cast %max3A_141 : vector<16xf32> to vector<1x16xf32>
        tpu.vector_store %arg9[%swap3A_142, %swap3A_143], %swap3A_146 {strides = array<i32>} : memref<80x128xf32, #tpu.memory_space<vmem>>, vector<1x16xf32>,
        %get3A_147 = arith.index_cast %scan3A_30 : i32 to index
        %get3A_148 = arith.constant 112 : index
        %get3A_149 = tpu.vector_load %arg9[%get3A_147, %get3A_148] {strides = array<i32>} : memref<80x128xf32, #tpu.memory_space<vmem>>, vector<1x16xf32>,
        %get3A_150 = vector.shape_cast %get3A_149 : vector<1x16xf32> to vector<16xf32>
        %get3A_151 = arith.index_cast %scan3A_30 : i32 to index
        %get3A_152 = arith.constant 112 : index
        %get3A_153 = tpu.vector_load %arg10[%get3A_151, %get3A_152] {strides = array<i32>} : memref<80x128xf32, #tpu.memory_space<vmem>>, vector<1x16xf32>,
        %get3A_154 = vector.shape_cast %get3A_153 : vector<1x16xf32> to vector<16xf32>
        %add3A_155 = arith.addf %get3A_150, %get3A_154 : vector<16xf32>
        %max3A_156 = arith.constant 0.000000e+00 : f32
        %max3A_157 = vector.broadcast %max3A_156 : f32 to vector<16xf32>
        %max3A_158 = arith.maximumf %add3A_155, %max3A_157 : vector<16xf32>
        %swap3A_159 = arith.index_cast %scan3A_30 : i32 to index
        %swap3A_160 = arith.constant 112 : index
        %swap3A_161 = tpu.vector_load %arg9[%swap3A_159, %swap3A_160] {strides = array<i32>} : memref<80x128xf32, #tpu.memory_space<vmem>>, vector<1x16xf32>,
        %swap3A_162 = vector.shape_cast %swap3A_161 : vector<1x16xf32> to vector<16xf32>
        %swap3A_163 = vector.shape_cast %max3A_158 : vector<16xf32> to vector<1x16xf32>
        tpu.vector_store %arg9[%swap3A_159, %swap3A_160], %swap3A_163 {strides = array<i32>} : memref<80x128xf32, #tpu.memory_space<vmem>>, vector<1x16xf32>,
      }
      %scan3A_28 = arith.constant 80 : i32
      %add3A_29 = arith.addi %mul3A_2, %mul3A_9 : i32
      "tpu.region"() ({
        %run_scoped3A = tpu.sem_alloc : memref<!tpu.dma_semaphore, #tpu.memory_space<semaphore_mem>>
        %dma_start3A_30 = arith.constant 0 : i32
        %dma_start3A_31 = tpu.memref_slice %arg6[%add3A_29, %dma_start3A_30] : memref<320000x128xf32, #tpu.memory_space<hbm>> -> memref<80x128xf32, #tpu.memory_space<hbm>>
        %dma_start3A_32 = arith.constant 0 : i32
        %dma_start3A_33 = tpu.memref_slice %arg6[%add3A_29, %dma_start3A_32] : memref<320000x128xf32, #tpu.memory_space<hbm>> -> memref<80x128xf32, #tpu.memory_space<hbm>>
        tpu.enqueue_dma source(%arg9 : memref<80x128xf32, #tpu.memory_space<vmem>>) target(%dma_start3A_33 : memref<80x128xf32, #tpu.memory_space<hbm>>) target_semaphore(%run_scoped3A : memref<!tpu.dma_semaphore, #tpu.memory_space<semaphore_mem>>)
        %dma_wait3A_34 = arith.constant 0 : i32
        %dma_wait3A_35 = tpu.memref_slice %arg6[%add3A_29, %dma_wait3A_34] : memref<320000x128xf32, #tpu.memory_space<hbm>> -> memref<80x128xf32, #tpu.memory_space<hbm>>
        %dma_wait3A_36 = arith.constant 0 : i32
        %dma_wait3A_37 = tpu.memref_slice %arg6[%add3A_29, %dma_wait3A_36] : memref<320000x128xf32, #tpu.memory_space<hbm>> -> memref<80x128xf32, #tpu.memory_space<hbm>>
        tpu.wait_dma2 semaphore(%run_scoped3A : memref<!tpu.dma_semaphore, #tpu.memory_space<semaphore_mem>>) src(%arg9 : memref<80x128xf32, #tpu.memory_space<vmem>>) dst(%dma_wait3A_37 : memref<80x128xf32, #tpu.memory_space<hbm>>)
        tpu.yield
      }) : () -> ()
    }
    %scan3A_6 = arith.constant 125 : i32
    return
  }
}

module attributes {stable_mosaic.version = 14 : i64} {
  func.func @_ab_body(%arg0: i32, %arg1: memref<1000x128xf32, #tpu.memory_space<vmem>>, %arg2: memref<128x128xf32, #tpu.memory_space<vmem>>, %arg3: memref<128x128xf32, #tpu.memory_space<vmem>>, %arg4: memref<1x128xf32, #tpu.memory_space<vmem>>, %arg5: memref<1000x128xf32, #tpu.memory_space<vmem>>, %arg6: memref<1000x128xf32, #tpu.memory_space<vmem>>) attributes {dimension_semantics = [#tpu.dimension_semantics<arbitrary>], iteration_bounds = array<i64: 10>, scalar_prefetch = 0 : i64, scratch_operands = 0 : i64, tpu.core_type = #tpu.core_type<tc>, window_params = [{transform_indices = @transform_0, window_bounds = array<i64: 1000, 128>}, {pipeline_mode = #tpu.pipeline_mode<synchronous>, transform_indices = @transform_1, window_bounds = array<i64: 128, 128>}, {pipeline_mode = #tpu.pipeline_mode<synchronous>, transform_indices = @transform_2, window_bounds = array<i64: 128, 128>}, {pipeline_mode = #tpu.pipeline_mode<synchronous>, transform_indices = @transform_3, window_bounds = array<i64: 1, 128>}, {transform_indices = @transform_4, window_bounds = array<i64: 1000, 128>}, {transform_indices = @transform_5, window_bounds = array<i64: 1000, 128>}]} {
    %get3A = arith.constant 0 : index
    %get3A_0 = arith.constant 0 : index
    %get3A_1 = vector.load %arg1[%get3A, %get3A_0] : memref<1000x128xf32, #tpu.memory_space<vmem>>, vector<1000x128xf32>
    %get3A_2 = arith.constant 0 : index
    %get3A_3 = arith.constant 0 : index
    %get3A_4 = vector.load %arg2[%get3A_2, %get3A_3] : memref<128x128xf32, #tpu.memory_space<vmem>>, vector<128x128xf32>
    %dot_general3A = arith.constant dense<0.000000e+00> : vector<1000x128xf32>
    %dot_general3A_5 = tpu.matmul %get3A_1, %get3A_4, %dot_general3A {dimension_numbers = #tpu.dot_dimension_numbers<[1], [0], [0], [1], [0, 0, 1, 1], [], []>, transpose_lhs_hint = false} : vector<1000x128xf32>, vector<128x128xf32>, vector<1000x128xf32> -> vector<1000x128xf32>
    %get3A_6 = arith.constant 0 : index
    %get3A_7 = arith.constant 0 : index
    %get3A_8 = vector.load %arg4[%get3A_6, %get3A_7] : memref<1x128xf32, #tpu.memory_space<vmem>>, vector<1x128xf32>
    %add3A = vector.broadcast %get3A_8 : vector<1x128xf32> to vector<1000x128xf32>
    %add3A_9 = arith.addf %dot_general3A_5, %add3A : vector<1000x128xf32>
    %swap3A = arith.constant 0 : index
    %swap3A_10 = arith.constant 0 : index
    %swap3A_11 = vector.load %arg5[%swap3A, %swap3A_10] : memref<1000x128xf32, #tpu.memory_space<vmem>>, vector<1000x128xf32>
    tpu.vector_store %arg5[%swap3A, %swap3A_10], %add3A_9 {strides = array<i32>} : memref<1000x128xf32, #tpu.memory_space<vmem>>, vector<1000x128xf32>,
    %get3A_12 = arith.constant 0 : index
    %get3A_13 = arith.constant 0 : index
    %get3A_14 = vector.load %arg3[%get3A_12, %get3A_13] : memref<128x128xf32, #tpu.memory_space<vmem>>, vector<128x128xf32>
    %dot_general3A_15 = arith.constant dense<0.000000e+00> : vector<1000x128xf32>
    %dot_general3A_16 = tpu.matmul %get3A_1, %get3A_14, %dot_general3A_15 {dimension_numbers = #tpu.dot_dimension_numbers<[1], [0], [0], [1], [0, 0, 1, 1], [], []>, transpose_lhs_hint = false} : vector<1000x128xf32>, vector<128x128xf32>, vector<1000x128xf32> -> vector<1000x128xf32>
    %swap3A_17 = arith.constant 0 : index
    %swap3A_18 = arith.constant 0 : index
    %swap3A_19 = vector.load %arg6[%swap3A_17, %swap3A_18] : memref<1000x128xf32, #tpu.memory_space<vmem>>, vector<1000x128xf32>
    tpu.vector_store %arg6[%swap3A_17, %swap3A_18], %dot_general3A_16 {strides = array<i32>} : memref<1000x128xf32, #tpu.memory_space<vmem>>, vector<1000x128xf32>,
    return
  }
  func.func @transform_0(%arg0: i32) -> (i32, i32) {
    %c0_i32 = arith.constant 0 : i32
    %c0_i32_0 = arith.constant 0 : i32
    return %arg0, %c0_i32 : i32, i32
  }
  func.func @transform_1(%arg0: i32) -> (i32, i32) {
    %c0_i32 = arith.constant 0 : i32
    %c0_i32_0 = arith.constant 0 : i32
    %c0_i32_1 = arith.constant 0 : i32
    return %c0_i32, %c0_i32_0 : i32, i32
  }
  func.func @transform_2(%arg0: i32) -> (i32, i32) {
    %c0_i32 = arith.constant 0 : i32
    %c0_i32_0 = arith.constant 0 : i32
    %c0_i32_1 = arith.constant 0 : i32
    return %c0_i32, %c0_i32_0 : i32, i32
  }
  func.func @transform_3(%arg0: i32) -> (i32, i32) {
    %c0_i32 = arith.constant 0 : i32
    %c0_i32_0 = arith.constant 0 : i32
    %c0_i32_1 = arith.constant 0 : i32
    return %c0_i32, %c0_i32_0 : i32, i32
  }
  func.func @transform_4(%arg0: i32) -> (i32, i32) {
    %c0_i32 = arith.constant 0 : i32
    %c0_i32_0 = arith.constant 0 : i32
    return %arg0, %c0_i32 : i32, i32
  }
  func.func @transform_5(%arg0: i32) -> (i32, i32) {
    %c0_i32 = arith.constant 0 : i32
    %c0_i32_0 = arith.constant 0 : i32
    return %arg0, %c0_i32 : i32, i32
  }
}

module attributes {stable_mosaic.version = 14 : i64} {
  func.func @_mlp2_body(%arg0: i32, %arg1: memref<2000x128xf32, #tpu.memory_space<vmem>>, %arg2: memref<128x128xf32, #tpu.memory_space<vmem>>, %arg3: memref<1x128xf32, #tpu.memory_space<vmem>>, %arg4: memref<2000x128xf32, #tpu.memory_space<vmem>>) attributes {dimension_semantics = [#tpu.dimension_semantics<arbitrary>], iteration_bounds = array<i64: 160>, scalar_prefetch = 0 : i64, scratch_operands = 0 : i64, tpu.core_type = #tpu.core_type<tc>, window_params = [{transform_indices = @transform_0, window_bounds = array<i64: 2000, 128>}, {pipeline_mode = #tpu.pipeline_mode<synchronous>, transform_indices = @transform_1, window_bounds = array<i64: 128, 128>}, {pipeline_mode = #tpu.pipeline_mode<synchronous>, transform_indices = @transform_2, window_bounds = array<i64: 1, 128>}, {transform_indices = @transform_3, window_bounds = array<i64: 2000, 128>}]} {
    %get3A = arith.constant 0 : index
    %get3A_0 = arith.constant 0 : index
    %get3A_1 = vector.load %arg1[%get3A, %get3A_0] : memref<2000x128xf32, #tpu.memory_space<vmem>>, vector<2000x128xf32>
    %get3A_2 = arith.constant 0 : index
    %get3A_3 = arith.constant 0 : index
    %get3A_4 = vector.load %arg2[%get3A_2, %get3A_3] : memref<128x128xf32, #tpu.memory_space<vmem>>, vector<128x128xf32>
    %dot_general3A = arith.constant dense<0.000000e+00> : vector<2000x128xf32>
    %dot_general3A_5 = tpu.matmul %get3A_1, %get3A_4, %dot_general3A {dimension_numbers = #tpu.dot_dimension_numbers<[1], [0], [0], [1], [0, 0, 1, 1], [], []>, transpose_lhs_hint = false} : vector<2000x128xf32>, vector<128x128xf32>, vector<2000x128xf32> -> vector<2000x128xf32>
    %get3A_6 = arith.constant 0 : index
    %get3A_7 = arith.constant 0 : index
    %get3A_8 = vector.load %arg3[%get3A_6, %get3A_7] : memref<1x128xf32, #tpu.memory_space<vmem>>, vector<1x128xf32>
    %add3A = vector.broadcast %get3A_8 : vector<1x128xf32> to vector<2000x128xf32>
    %add3A_9 = arith.addf %dot_general3A_5, %add3A : vector<2000x128xf32>
    %swap3A = arith.constant 0 : index
    %swap3A_10 = arith.constant 0 : index
    %swap3A_11 = vector.load %arg4[%swap3A, %swap3A_10] : memref<2000x128xf32, #tpu.memory_space<vmem>>, vector<2000x128xf32>
    tpu.vector_store %arg4[%swap3A, %swap3A_10], %add3A_9 {strides = array<i32>} : memref<2000x128xf32, #tpu.memory_space<vmem>>, vector<2000x128xf32>,
    return
  }
  func.func @transform_0(%arg0: i32) -> (i32, i32) {
    %c0_i32 = arith.constant 0 : i32
    %c0_i32_0 = arith.constant 0 : i32
    return %arg0, %c0_i32 : i32, i32
  }
  func.func @transform_1(%arg0: i32) -> (i32, i32) {
    %c0_i32 = arith.constant 0 : i32
    %c0_i32_0 = arith.constant 0 : i32
    %c0_i32_1 = arith.constant 0 : i32
    return %c0_i32, %c0_i32_0 : i32, i32
  }
  func.func @transform_2(%arg0: i32) -> (i32, i32) {
    %c0_i32 = arith.constant 0 : i32
    %c0_i32_0 = arith.constant 0 : i32
    %c0_i32_1 = arith.constant 0 : i32
    return %c0_i32, %c0_i32_0 : i32, i32
  }
  func.func @transform_3(%arg0: i32) -> (i32, i32) {
    %c0_i32 = arith.constant 0 : i32
    %c0_i32_0 = arith.constant 0 : i32
    return %arg0, %c0_i32 : i32, i32
  }
}

</mosaic_0001>

<sc_bundles>
// kernel: kernel.11.cloned.1.call-start
scs
__scs_entry_jumppad:
0x0: {  	(pc) =	sbr.rel $0x88, $3  }
0x1: {  	(tag) =	ssettag $0x0;
	lr =	simm.s32 $0x1  }
0x2: {  	[smem:$0x3F97] =	sst lr;
	_ =	strace $0xD0000000  }
0x3: {  	_ = 	snop  }
0x4: {  	_ = 	snop  }
0x5: {  	_ = 	snop  }
0x6: {  	_ = 	snop  }
0x7: {  	_ = 	snop  }
__scs_overlays_trampoline_lowered:
0x8: {  	[smem:$0x3FA6] =	sst s0  }
0x9: {  	[smem:$0x3FA7] =	sst s1  }
0xa: {  	[smem:$0x3FA8] =	sst s2  }
0xb: {  	[smem:$0x3FA9] =	sst s3  }
0xc: {  	[smem:$0x3FAA] =	sst s4  }
0xd: {  	[smem:$0x3FAB] =	sst s5  }
0xe: {  	[smem:$0x3FAC] =	sst s6  }
0xf: {  	[smem:$0x3FAD] =	sst s7  }
0x10: {  	[smem:$0x3FAE] =	sst s8  }
0x11: {  	[smem:$0x3FAF] =	sst s9;
	s0 =	simm.s32 @!p0 $0x0  }
0x12: {  	s1 =	sld [smem:$0x3F95];
	s0 =	simm.s32 @p0 $0x1  }
0x13: {  	[smem:$0x3FB0] =	sst s0;
	s0 =	simm.s32 @!p1 $0x0  }
0x14: {  	s2 =	sld [smem:$0x3F94];
	s0 =	simm.s32 @p1 $0x1  }
0x15: {  	[smem:$0x3FB1] =	sst s0;
	s0 =	simm.s32 @!p2 $0x0  }
0x16: {  	s3 =	sld [smem:$0x3FDB];
	s0 =	simm.s32 @p2 $0x1  }
0x17: {  	s4 =	simm.s32 $0x1BF5;
	[smem:$0x3FB3] =	sst s0  }
0x18: {  	s0 =	sld [smem:$0x3F96];
	_ =	swait.ge [sflag:s4], $0x0  }
0x19: {  	s7 =	sld [smem:$0x3F97]  }
0x1a: {  	s8 =	sadd.s32 $0xFFFFE003, lr  }
0x1b: {  	s9 =	sadd.s32 $0xFFFFFEF7, lr;
	s5 =	simm.s32 $0xFFFFFFFF;
	p2 =	slt.u32 s8, $0xFFFFF086  }
0x1c: {  	p1 =	slt.u32 s9, $0xF7A;
	s5 =	simm.s32 @!p2 $0x0  }
0x1d: {  	s5 =	simm.s32 @p1 $0x1;
	p0 =	seq.s32 s7, s2  }
0x1e: {  	s7 =	smul.u32 @!p0 $0xF7A, s2;
	p2 =	seq.s32 @!p0 s5, $0x0  }
0x1f: {  	s9 =	smul.u32 $0xF7A, s1;
	s8 =	simm.s32 @!p0 $0x1BF5;
	p2 =	por !p2, p0  }
0x20: {  	[sflag:s8] =	ssyncset.s32 @!p0 $0xFFFFF086;
	s6 =	sadd.s32 @!p0 s3, s7;
	s7 =	simm.s32 @!p0 $0x108  }
0x21: {  	s3 =	sadd.s32 s3, s9;
	s6 =	sadd.s32 @!p0 $0x88, s6;
	s7 =	simm.s32 @p2 $0x1082  }
0x22: {  	[simem:s7], [sflag:s8] =	dma.local @!p0 [hbm:s6], $0xF7A  }
0x23: {  	s9 =	sor.u32 $0xD0000000, s2;
	s6 =	simm.s32 $0x108;
	_ =	swait.ge @!p0 [sflag:s8], $0x0  }
0x24: {  	s3 =	sadd.s32 $0x88, s3;
	s6 =	simm.s32 @!p1 $0x1082;
	[sflag:s4] =	ssyncset.s32 $0xFFFFF086  }
0x25: {  	[simem:s6], [sflag:s4] =	dma.local [hbm:s3], $0xF7A  }
0x26: {  	[smem:$0x3F97] =	sst s1;
	(tag) =	ssettag s2;
	_ =	strace s9  }
0x27: {  	s1 =	sld [smem:$0x3FA7]  }
0x28: {  	s2 =	sld [smem:$0x3FA8]  }
0x29: {  	s4 =	sld [smem:$0x3FAA]  }
0x2a: {  	p0 =	seq.s32 s5, $0x0;
	s5 =	sld [smem:$0x3FAB]  }
0x2b: {  	s6 =	sld [smem:$0x3FAC]  }
0x2c: {  	s7 =	sld [smem:$0x3FAD]  }
0x2d: {  	s3 =	simm.s32 $0x108;
	s8 =	sld [smem:$0x3FAE]  }
0x2e: {  	s3 =	simm.s32 @!p0 $0x1082;
	s9 =	sld [smem:$0x3FAF]  }
0x2f: {  	lr =	sadd.s32 s0, s3;
	s0 =	sld [smem:$0x3FA6]  }
0x30: {  	s3 =	sld [smem:$0x3FA9]  }
0x31: {  	[smem:$0x3FB2] =	sst s10  }
0x32: {  	s10 =	sld [smem:$0x3FB0];
	_ =	sdelay $0x3  }
0x33: {  	p0 =	seq.s32 s10, $0x1;
	s10 =	sld [smem:$0x3FB2];
	_ =	sdelay $0x3  }
0x34: {  	[smem:$0x3FB2] =	sst s10  }
0x35: {  	s10 =	sld [smem:$0x3FB1];
	_ =	sdelay $0x3  }
0x36: {  	p1 =	seq.s32 s10, $0x1;
	s10 =	sld [smem:$0x3FB2];
	_ =	sdelay $0x3  }
0x37: {  	[smem:$0x3FB2] =	sst s10  }
0x38: {  	s10 =	sld [smem:$0x3FB3]  }
0x39: {  	_ = 	snop;
	(pc) =	sbr.ind lr, $3  }
0x3a: {  	_ = 	snop  }
0x3b: {  	_ = 	snop  }
0x3c: {  	p2 =	seq.s32 s10, $0x1;
	s10 =	sld [smem:$0x3FB2]  }
0x3d: {  	_ =	shalt  }
0x3e: {  	_ =	shalt  }
0x3f: {  	_ =	shalt  }
0x40: {  	_ =	shalt  }
0x41: {  	_ =	shalt  }
0x42: {  	_ =	shalt  }
0x43: {  	_ =	shalt  }
0x44: {  	_ =	shalt  }
0x45: {  	_ =	shalt  }
0x46: {  	_ =	shalt  }
0x47: {  	_ =	shalt  }
0x48: {  	_ =	shalt  }
0x49: {  	_ =	shalt  }
0x4a: {  	_ =	shalt  }
0x4b: {  	_ =	shalt  }
0x4c: {  	_ =	shalt  }
0x4d: {  	_ =	shalt  }
0x4e: {  	_ =	shalt  }
0x4f: {  	_ =	shalt  }
0x50: {  	_ =	shalt  }
0x51: {  	_ =	shalt  }
0x52: {  	_ =	shalt  }
0x53: {  	_ =	shalt  }
0x54: {  	_ =	shalt  }
0x55: {  	_ =	shalt  }
0x56: {  	_ =	shalt  }
0x57: {  	_ =	shalt  }
0x58: {  	_ =	shalt  }
0x59: {  	_ =	shalt  }
0x5a: {  	_ =	shalt  }
0x5b: {  	_ =	shalt  }
0x5c: {  	_ =	shalt  }
0x5d: {  	_ =	shalt  }
0x5e: {  	_ =	shalt  }
0x5f: {  	_ =	shalt  }
0x60: {  	_ =	shalt  }
0x61: {  	_ =	shalt  }
0x62: {  	_ =	shalt  }
0x63: {  	_ =	shalt  }
0x64: {  	_ =	shalt  }
0x65: {  	_ =	shalt  }
0x66: {  	_ =	shalt  }
0x67: {  	_ =	shalt  }
0x68: {  	_ =	shalt  }
0x69: {  	_ =	shalt  }
0x6a: {  	_ =	shalt  }
0x6b: {  	_ =	shalt  }
0x6c: {  	_ =	shalt  }
0x6d: {  	_ =	shalt  }
0x6e: {  	_ =	shalt  }
0x6f: {  	_ =	shalt  }
0x70: {  	_ =	shalt  }
0x71: {  	_ =	shalt  }
0x72: {  	_ =	shalt  }
0x73: {  	_ =	shalt  }
0x74: {  	_ =	shalt  }
0x75: {  	_ =	shalt  }
0x76: {  	_ =	shalt  }
0x77: {  	_ =	shalt  }
0x78: {  	_ =	shalt  }
0x79: {  	_ =	shalt  }
0x7a: {  	_ =	shalt  }
0x7b: {  	_ =	shalt  }
0x7c: {  	_ =	shalt  }
0x7d: {  	_ =	shalt  }
0x7e: {  	_ =	shalt  }
0x7f: {  	_ =	shalt  }
0x80: {  	_ =	shalt  }
0x81: {  	_ =	shalt  }
0x82: {  	_ =	shalt  }
0x83: {  	_ =	shalt  }
0x84: {  	_ =	shalt  }
0x85: {  	_ =	shalt  }
0x86: {  	_ =	shalt  }
0x87: {  	_ =	shalt  }
.Lfunc_end0:
.L_simem_size_0:
called_computation.3_lowered:
.L_overlay_start_0:
0x88: {  	s2 =	sld [smem:$0x3FD9]  }
0x89: {  	s3 =	sld [smem:$0x3FFE];
	_ =	sdelay $0x1  }
0x8a: {  	s1 =	srdreg.scid  }
0x8b: {  	s0 =	sand.u32 $0x1, s1  }
0x8c: {  	s16 =	sshll.u32 s0, $0xA;
	s2 =	sadd.s32 s3, s2  }
0x8d: {  	s2 =	sadd.s32 s2, s16  }
0x8e: {  	[smem:$0x3FBE] =	sst s2  }
0x8f: {  	_ = 	snop  }
0x90: {  	(tm) =	ssettm $0x1  }
0x91: {  	s17 =	sld [smem:$0x3FFB];
	_ =	sdelay $0x3  }
0x92: {  	_ =	strace s17  }
0x93: {  	s2 =	sld [smem:$0x3FFC];
	_ =	sdelay $0x3  }
0x94: {  	_ =	strace s2  }
0x95: {  	s2 =	sld [smem:$0x3FFD];
	_ =	sdelay $0x3  }
0x96: {  	_ =	strace s2  }
0x97: {  	_ =	strace $0x8FFFFFFF  }
0x98: {  	s18 =	sld [smem:$0x3FDB];
	_ =	sdelay $0x1  }
0x99: {  	s19 =	simm.s32 $_scs_section_size  }
0x9a: {  	s4 =	simm.s32 $_size__tile_overlayer_lowered;
	s5 =	simm.s32 $_tile_overlayer_lowered  }
0x9b: {  	s22 =	simm.s32 $0x1BFF;
	s21 =	sshll.u32 s5, $0x1;
	s2 =	sadd.s32 s19, s18  }
0x9c: {  	s6 =	simm.s32 $0x0;
	s20 =	sshll.u32 s4, $0x1;
	s4 =	sadd.s32 s21, s2  }
0x9d: {  	[timem:s6], [sflag:s22] =	dma.local [hbm:s4], s20  }
0x9e: {  	_ =	swait.ge [sflag:s22], s20  }
0x9f: {  	s3 =	ssub.s32 $0x0, s20;
	[sflag:s22] =	ssyncset.done $0x0  }
0xa0: {  	[sflag:s22] =	ssyncadd.s32 s3;
	_ =	sdelay $0x1  }
0xa1: {  	s23 =	simm.s32 $0x1B8B  }
0xa2: {  	_ =	swait.ge [sflag:s23], $0x1  }
0xa3: {  	[sflag:s23] =	ssyncset.done $0x0  }
0xa4: {  	s25 =	simm.s32 $0x1B8E;
	s24 =	sld [smem:$0x3FFE];
	[sflag:s23] =	ssyncadd.s32 $0xFFFFFFFF  }
0xa5: {  	s26 =	simm.s32 $execute0_lowered;
	[smem:$0x3FD2] =	sst s25  }
0xa6: {  	s4 =	sshll.u32 s26, $0x1;
	_ =	strace $0x8000004F;
	[dreg:$0x1] =	wrdreg $0xFFFFFFFF  }
0xa7: {  	s28 =	simm.s32 $_size_execute0_lowered;
	s2 =	sadd.s32 s2, s4;
	[dreg:$0x0] =	wrdreg $0x0  }
0xa8: {  	s4 =	sshll.u32 s28, $0x1;
	[dreg:$0x2] =	wrdreg s2  }
0xa9: {  	[dreg:$0x3] =	wrdreg s4  }
0xaa: {  	[dreg:$0x4] =	wrdreg $0xC0  }
0xab: {  	_ =	task [dreg:s6], $0x5FFFF  }
0xac: {  	[dreg:$0x1] =	wrdreg $0xFFFFFFFF  }
0xad: {  	[dreg:$0x0] =	wrdreg $0x60  }
0xae: {  	[dreg:$0x2] =	wrdreg s24  }
0xaf: {  	[dreg:$0x3] =	wrdreg $0x9  }
0xb0: {  	_ =	task.clear_ibuf [dreg:s6], $0x4FFFF;
	_ =	strace $0x9000004F  }
0xb1: {  	s29 =	simm.s32 $0x9;
	_ =	strace $0x80000051  }
0xb2: {  	_ =	swait.ge [sflag:s29], $0x1  }
0xb3: {  	[sflag:s29] =	ssyncadd.s32 $0xFFFFFFFF  }
0xb4: {  	_ =	strace $0x90000051  }
0xb5: {  	_ =	sfence  }
0xb6: {  	s30 =	sld [smem:$0x0];
	_ =	sdelay $0x2  }
0xb7: {  	s31 =	sshll.u32 s1, $0xD;
	s1 =	sshrl.u32 s1, $0x2  }
0xb8: {  	s3 =	sand.u32 $0x4000, s31;
	s1 =	sadd.s32 s1, s30  }
0xb9: {  	s0 =	sor.u32 s3, s0;
	s1 =	sshll.u32 s1, $0x11  }
0xba: {  	s0 =	sor.u32 s1, s0  }
0xbb: {  	s0 =	sadd.s32 $0x8F2B, s0  }
0xbc: {  	[sflag:s0] =	ssyncadd.remote.s32 $0x1  }
0xbd: {  	_ =	sfence.sel $0xFFFF  }
0xbe: {  	[dreg:$0x0] =	wrdreg $0xFFFFFFFF;
	(pc) =	sbr.abs _section_cstart, $3  }
0xbf: {  	[dreg:$0x1] =	wrdreg $0xFFFFFFFF  }
0xc0: {  	_ =	task.clear_ibuf [dreg:s6], $0x2FFFF;
	_ =	strace $0x9FFFFFFF  }
0xc1: {  	(tm) =	ssettm $0x7FFFFFFF  }
tec
execute0_lowered:
.L_overlay_start_1:
0x0: {  	(tag) =	ssettag $0x1  }
0x1: {  	s1 =	srdreg.scid  }
0x2: {  	s0 =	stileid.u32;
	s6 =	rddreg [dreg:$0x0]  }
0x3: {  	s2 =	simm.s32 $0x0;
	s10 =	simm.s32 $0x3;
	s11 =	simm.s32 $0x2780  }
0x4: {  	s12 =	simm.s32 $0x50;
	s13 =	simm.s32 $0x4F00;
	s14 =	simm.s32 $0x7700  }
0x5: {  	s15 =	simm.s32 $0x1;
	s7 =	sand.u32 $0x1, s1;
	s3 =	sshll.u32 s0, $0x1  }
0x6: {  	s16 =	simm.s32 $0x2;
	s17 =	simm.s32 $0x0;
	s3 =	sor.u32 s7, s3  }
0x7: {  	s1 =	rddreg [dreg:$0x1];
	s7 =	ssub.s32 $0x2, s7;
	s3 =	smul.u32 $0x2710, s3  }
0x8: {  	[smem:$0x7FF] =	sst s2;
	s4 =	sadd.s32 $0x14800, s6;
	s9 =	sshrl.u32 s7, $0x1  }
0x9: {  	s5 =	sadd.s32 $0x3BA00, s6;
	s9 =	ssub.s32 s7, s9;
	s8 =	sshrl.u32 s3, $0x3  }
0xa: {  	_ =	strace $0x80000050;
	s9 =	smax.u32 s9, $0x1;
	s8 =	sadd.s32 s8, s6  }
0xb: {  	s6 =	sadd.s32 $0x531600, s6;
	s7 =	sadd.s32 $0xAA00, s8;
	s8 =	sadd.s32 $0xC00, s8  }
.LBB2_1:
0xc: {  	[tilespmem:s2], [sflag:$0x3] =	stream.linear.gather [hbm4b:s7+s2], $0x2710, $0x38;
	[tilespmem:$0x9F00] =	vst v63  }
0xd: {  	_ =	swait.ge [sflag:s10], $0x2710  }
0xe: {  	[sflag:s10] =	ssyncset.done $0x0  }
0xf: {  	[sflag:s10] =	ssyncadd.s32 $0xFFFFD8F0  }
0x10: {  	[tilespmem:s11], [sflag:$0x3] =	stream.linear.gather [hbm4b:s8+s2], $0x2710, $0x38;
	[tilespmem:$0x9F00] =	vst v63  }
0x11: {  	_ =	swait.ge [sflag:s10], $0x2710  }
0x12: {  	[sflag:s10] =	ssyncset.done $0x0  }
0x13: {  	s18 =	simm.s32 $0x0;
	[sflag:s10] =	ssyncadd.s32 $0xFFFFD8F0  }
.LBB2_2:
0x14: {  	s19 =	smul.u32 $0x50, s18;
	_ =	sdelay $0x1  }
0x15: {  	[tilespmem:s13], [sflag:$0x1] =	stream.indirect.gather [hbm4b:s4+s12], $0x80, s19, s12, $0xb8;
	[tilespmem:$0x9F00] =	vst v63  }
0x16: {  	s20 =	sadd.s32 $0x2780, s19  }
0x17: {  	[tilespmem:s14], [sflag:$0x2] =	stream.indirect.gather [hbm4b:s5+s12], $0x80, s20, s12, $0xb8;
	[tilespmem:$0x9F00] =	vst v63  }
0x18: {  	_ =	swait.ge [sflag:s15], $0x2800  }
0x19: {  	[sflag:s15] =	ssyncset.done $0x0  }
0x1a: {  	[sflag:s15] =	ssyncadd.s32 $0xFFFFD800  }
0x1b: {  	_ =	swait.ge [sflag:s16], $0x2800  }
0x1c: {  	[sflag:s16] =	ssyncset.done $0x0  }
0x1d: {  	s20 =	simm.s32 $0x0;
	[sflag:s16] =	ssyncadd.s32 $0xFFFFD800  }
0x1e: {  	v6 =	vld [tilespmem:s20+$0x7700]  }
0x1f: {  	v11 =	vld [tilespmem:s20+$0x7710]  }
0x20: {  	v5 =	vld [tilespmem:s20+$0x7720]  }
0x21: {  	v4 =	vld [tilespmem:s20+$0x7730]  }
0x22: {  	v3 =	vld [tilespmem:s20+$0x7740]  }
0x23: {  	v2 =	vld [tilespmem:s20+$0x7750]  }
0x24: {  	v1 =	vld [tilespmem:s20+$0x7760]  }
0x25: {  	v0 =	vld [tilespmem:s20+$0x7770]  }
0x26: {  	v12 =	vld [tilespmem:s20+$0x4F00]  }
0x27: {  	v13 =	vld [tilespmem:s20+$0x4F10]  }
0x28: {  	v10 =	vld [tilespmem:s20+$0x4F20]  }
0x29: {  	v9 =	vld [tilespmem:s20+$0x4F30]  }
0x2a: {  	v8 =	vld [tilespmem:s20+$0x4F40]  }
0x2b: {  	v7 =	vld [tilespmem:s20+$0x4F50];
	v12 =	vadd.f32 v6, v12  }
0x2c: {  	s21 =	simm.s32 $0x200;
	v11 =	vadd.f32 v11, v13;
	v6 =	vld [tilespmem:s20+$0x4F60]  }
.LBB2_3:
0x2d: {  	s22 =	sshra.s32 s21, $0x2;
	p0 =	sne.s32 s21, $0x9E00;
	v12 =	vmax.f32 v12, $0.0e+00;
	v5 =	vadd.f32 v5, v10;
	v10 =	vld [tilespmem:s20+$0x4F70]  }
0x2e: {  	v13 =	vld [tilespmem:s22+$0x7700];
	[tilespmem:s20+$0x4F00] =	vst v12;
	v11 =	vmax.f32 v11, $0.0e+00;
	v4 =	vadd.f32 v4, v9  }
0x2f: {  	v14 =	vld [tilespmem:s22+$0x7710];
	[tilespmem:s20+$0x4F10] =	vst v11;
	v9 =	vmax.f32 v5, $0.0e+00;
	v3 =	vadd.f32 v3, v8  }
0x30: {  	v5 =	vld [tilespmem:s22+$0x7720];
	[tilespmem:s20+$0x4F20] =	vst v9;
	v8 =	vmax.f32 v4, $0.0e+00;
	v2 =	vadd.f32 v2, v7  }
0x31: {  	v4 =	vld [tilespmem:s22+$0x7730];
	[tilespmem:s20+$0x4F30] =	vst v8;
	v7 =	vmax.f32 v3, $0.0e+00;
	v1 =	vadd.f32 v1, v6  }
0x32: {  	v3 =	vld [tilespmem:s22+$0x7740];
	[tilespmem:s20+$0x4F40] =	vst v7;
	v6 =	vmax.f32 v2, $0.0e+00;
	v0 =	vadd.f32 v0, v10  }
0x33: {  	v2 =	vld [tilespmem:s22+$0x7750];
	[tilespmem:s20+$0x4F50] =	vst v6;
	v6 =	vmax.f32 v1, $0.0e+00  }
0x34: {  	v1 =	vld [tilespmem:s22+$0x7760];
	[tilespmem:s20+$0x4F60] =	vst v6;
	v6 =	vmax.f32 v0, $0.0e+00  }
0x35: {  	v0 =	vld [tilespmem:s22+$0x7770];
	[tilespmem:s20+$0x4F70] =	vst v6;
	s20 =	smov.u32 s22  }
0x36: {  	v6 =	vld [tilespmem:s20+$0x4F00]  }
0x37: {  	v11 =	vld [tilespmem:s20+$0x4F10]  }
.Ltmp0:
0x38: {  	v10 =	vld [tilespmem:s20+$0x4F20];
	(pc) =	sbr.rel @p0 .LBB2_3-.Ltmp0, $4  }
0x39: {  	v9 =	vld [tilespmem:s20+$0x4F30]  }
0x3a: {  	v8 =	vld [tilespmem:s20+$0x4F40]  }
0x3b: {  	v12 =	vadd.f32 v13, v6;
	v7 =	vld [tilespmem:s20+$0x4F50]  }
0x3c: {  	s21 =	sadd.s32 $0x200, s21;
	v11 =	vadd.f32 v14, v11;
	v6 =	vld [tilespmem:s20+$0x4F60]  }
0x3d: {  	v12 =	vmax.f32 v12, $0.0e+00;
	v5 =	vadd.f32 v5, v10;
	v63 =	vld [tilespmem:s20+$0x4F70]  }
0x3e: {  	[tilespmem:s20+$0x4F00] =	vst v12;
	v11 =	vmax.f32 v11, $0.0e+00;
	v4 =	vadd.f32 v4, v9  }
0x3f: {  	[tilespmem:s20+$0x4F10] =	vst v11;
	v5 =	vmax.f32 v5, $0.0e+00;
	v3 =	vadd.f32 v3, v8  }
0x40: {  	[tilespmem:s20+$0x4F20] =	vst v5;
	v4 =	vmax.f32 v4, $0.0e+00;
	v2 =	vadd.f32 v2, v7  }
0x41: {  	[tilespmem:s20+$0x4F30] =	vst v4;
	v3 =	vmax.f32 v3, $0.0e+00;
	v1 =	vadd.f32 v1, v6  }
0x42: {  	[tilespmem:s20+$0x4F40] =	vst v3;
	v2 =	vmax.f32 v2, $0.0e+00;
	v0 =	vadd.f32 v0, v63  }
0x43: {  	s19 =	sadd.s32 s3, s19;
	s18 =	sadd.s32 $0x1, s18;
	[tilespmem:s20+$0x4F50] =	vst v2;
	v1 =	vmax.f32 v1, $0.0e+00  }
0x44: {  	s19 =	sshll.u32 s19, $0x4;
	p0 =	sne.s32 s18, $0x7D;
	[tilespmem:s20+$0x4F60] =	vst v1;
	v0 =	vmax.f32 v0, $0.0e+00  }
.Ltmp1:
0x45: {  	s19 =	sadd.s32 s6, s19;
	[tilespmem:s20+$0x4F70] =	vst v0;
	(pc) =	sbr.rel @p0 .LBB2_2-.Ltmp1, $4  }
0x46: {  	[hbm4b:s19+s2] =	stream.linear.scatter [tilespmem:s13], [sflag:$0x3], $0x2800, $0x38;
	[tilespmem:$0x9F00] =	vst v63  }
0x47: {  	_ =	swait.ge [sflag:s10], $0x2800  }
0x48: {  	[sflag:s10] =	ssyncset.done $0x0  }
0x49: {  	[sflag:s10] =	ssyncadd.s32 $0xFFFFD800  }
0x4a: {  	s17 =	sadd.s32 $0x1, s17  }
0x4b: {  	p0 =	sne.s32 s17, s9  }
.Ltmp2:
0x4c: {  	_ = 	snop;
	(pc) =	sbr.rel @p0 .LBB2_1-.Ltmp2, $1  }
0x4d: {  	_ =	sdelay $0x3  }
0x4e: {  	_ =	sfence.sel $0x180000  }
0x4f: {  	[bflag:$0x0] =	sbarrier.arrive $0xFFFF  }
0x50: {  	p0 =	sne.s32 s0, $0x0;
	_ =	strace $0x90000050  }
0x51: {  	s0 =	sadd.s32 @!p0 $0x100000, s1;
	[bflag:$0x2] =	sbarrier.arrive $0xFFFF  }
0x52: {  	[sflag:s0] =	ssyncadd.tile.s32 @!p0 $0x1;
	_ =	shalt  }
.Lfunc_end2:
_tile_overlayer_lowered:
.L_overlay_start_2:
0x53: {  	(tag) =	ssettag $0x2  }
0x54: {  	s0 =	rddreg [dreg:$0x0];
	s2 =	stileid.u32  }
0x55: {  	s1 =	rddreg [dreg:$0x1];
	p0 =	sne.s32 s2, $0x0  }
0x56: {  	s3 =	rddreg [dreg:$0x2];
	[bflag:$0x3] =	sbarrier.arrive $0xFFFF;
	s2 =	simm.s32 @!p0 $0x1C03  }
0x57: {  	[timem:s3], [sflag:s2] =	dma.local @!p0 [hbm:s0], s1  }
0x58: {  	s0 =	simm.s32 @!p0 $0x3  }
0x59: {  	_ =	swait.ge @!p0 [sflag:s0], s1  }
0x5a: {  	s1 =	ssub.s32 @!p0 $0x0, s1;
	[sflag:s0] =	ssyncset.done @!p0 $0x0  }
0x5b: {  	[sflag:s0] =	ssyncadd.s32 @!p0 s1  }
0x5c: {  	[bflag:$0x3] =	sbarrier.arrive $0xFFFF  }
0x5d: {  	_ =	shalt  }

// kernel: kernel.8.cloned.1.call-start
scs
__scs_entry_jumppad:
0x0: {  	(pc) =	sbr.rel $0x88, $3  }
0x1: {  	(tag) =	ssettag $0x0;
	lr =	simm.s32 $0x1  }
0x2: {  	[smem:$0x3F97] =	sst lr;
	_ =	strace $0xD0000000  }
0x3: {  	_ = 	snop  }
0x4: {  	_ = 	snop  }
0x5: {  	_ = 	snop  }
0x6: {  	_ = 	snop  }
0x7: {  	_ = 	snop  }
__scs_overlays_trampoline_lowered:
0x8: {  	[smem:$0x3FA6] =	sst s0  }
0x9: {  	[smem:$0x3FA7] =	sst s1  }
0xa: {  	[smem:$0x3FA8] =	sst s2  }
0xb: {  	[smem:$0x3FA9] =	sst s3  }
0xc: {  	[smem:$0x3FAA] =	sst s4  }
0xd: {  	[smem:$0x3FAB] =	sst s5  }
0xe: {  	[smem:$0x3FAC] =	sst s6  }
0xf: {  	[smem:$0x3FAD] =	sst s7  }
0x10: {  	[smem:$0x3FAE] =	sst s8  }
0x11: {  	[smem:$0x3FAF] =	sst s9;
	s0 =	simm.s32 @!p0 $0x0  }
0x12: {  	s1 =	sld [smem:$0x3F95];
	s0 =	simm.s32 @p0 $0x1  }
0x13: {  	[smem:$0x3FB0] =	sst s0;
	s0 =	simm.s32 @!p1 $0x0  }
0x14: {  	s2 =	sld [smem:$0x3F94];
	s0 =	simm.s32 @p1 $0x1  }
0x15: {  	[smem:$0x3FB1] =	sst s0;
	s0 =	simm.s32 @!p2 $0x0  }
0x16: {  	s3 =	sld [smem:$0x3FDB];
	s0 =	simm.s32 @p2 $0x1  }
0x17: {  	s4 =	simm.s32 $0x1BF5;
	[smem:$0x3FB3] =	sst s0  }
0x18: {  	s0 =	sld [smem:$0x3F96];
	_ =	swait.ge [sflag:s4], $0x0  }
0x19: {  	s7 =	sld [smem:$0x3F97]  }
0x1a: {  	s8 =	sadd.s32 $0xFFFFE003, lr  }
0x1b: {  	s9 =	sadd.s32 $0xFFFFFEF7, lr;
	s5 =	simm.s32 $0xFFFFFFFF;
	p2 =	slt.u32 s8, $0xFFFFF086  }
0x1c: {  	p1 =	slt.u32 s9, $0xF7A;
	s5 =	simm.s32 @!p2 $0x0  }
0x1d: {  	s5 =	simm.s32 @p1 $0x1;
	p0 =	seq.s32 s7, s2  }
0x1e: {  	s7 =	smul.u32 @!p0 $0xF7A, s2;
	p2 =	seq.s32 @!p0 s5, $0x0  }
0x1f: {  	s9 =	smul.u32 $0xF7A, s1;
	s8 =	simm.s32 @!p0 $0x1BF5;
	p2 =	por !p2, p0  }
0x20: {  	[sflag:s8] =	ssyncset.s32 @!p0 $0xFFFFF086;
	s6 =	sadd.s32 @!p0 s3, s7;
	s7 =	simm.s32 @!p0 $0x108  }
0x21: {  	s3 =	sadd.s32 s3, s9;
	s6 =	sadd.s32 @!p0 $0x88, s6;
	s7 =	simm.s32 @p2 $0x1082  }
0x22: {  	[simem:s7], [sflag:s8] =	dma.local @!p0 [hbm:s6], $0xF7A  }
0x23: {  	s9 =	sor.u32 $0xD0000000, s2;
	s6 =	simm.s32 $0x108;
	_ =	swait.ge @!p0 [sflag:s8], $0x0  }
0x24: {  	s3 =	sadd.s32 $0x88, s3;
	s6 =	simm.s32 @!p1 $0x1082;
	[sflag:s4] =	ssyncset.s32 $0xFFFFF086  }
0x25: {  	[simem:s6], [sflag:s4] =	dma.local [hbm:s3], $0xF7A  }
0x26: {  	[smem:$0x3F97] =	sst s1;
	(tag) =	ssettag s2;
	_ =	strace s9  }
0x27: {  	s1 =	sld [smem:$0x3FA7]  }
0x28: {  	s2 =	sld [smem:$0x3FA8]  }
0x29: {  	s4 =	sld [smem:$0x3FAA]  }
0x2a: {  	p0 =	seq.s32 s5, $0x0;
	s5 =	sld [smem:$0x3FAB]  }
0x2b: {  	s6 =	sld [smem:$0x3FAC]  }
0x2c: {  	s7 =	sld [smem:$0x3FAD]  }
0x2d: {  	s3 =	simm.s32 $0x108;
	s8 =	sld [smem:$0x3FAE]  }
0x2e: {  	s3 =	simm.s32 @!p0 $0x1082;
	s9 =	sld [smem:$0x3FAF]  }
0x2f: {  	lr =	sadd.s32 s0, s3;
	s0 =	sld [smem:$0x3FA6]  }
0x30: {  	s3 =	sld [smem:$0x3FA9]  }
0x31: {  	[smem:$0x3FB2] =	sst s10  }
0x32: {  	s10 =	sld [smem:$0x3FB0];
	_ =	sdelay $0x3  }
0x33: {  	p0 =	seq.s32 s10, $0x1;
	s10 =	sld [smem:$0x3FB2];
	_ =	sdelay $0x3  }
0x34: {  	[smem:$0x3FB2] =	sst s10  }
0x35: {  	s10 =	sld [smem:$0x3FB1];
	_ =	sdelay $0x3  }
0x36: {  	p1 =	seq.s32 s10, $0x1;
	s10 =	sld [smem:$0x3FB2];
	_ =	sdelay $0x3  }
0x37: {  	[smem:$0x3FB2] =	sst s10  }
0x38: {  	s10 =	sld [smem:$0x3FB3]  }
0x39: {  	_ = 	snop;
	(pc) =	sbr.ind lr, $3  }
0x3a: {  	_ = 	snop  }
0x3b: {  	_ = 	snop  }
0x3c: {  	p2 =	seq.s32 s10, $0x1;
	s10 =	sld [smem:$0x3FB2]  }
0x3d: {  	_ =	shalt  }
0x3e: {  	_ =	shalt  }
0x3f: {  	_ =	shalt  }
0x40: {  	_ =	shalt  }
0x41: {  	_ =	shalt  }
0x42: {  	_ =	shalt  }
0x43: {  	_ =	shalt  }
0x44: {  	_ =	shalt  }
0x45: {  	_ =	shalt  }
0x46: {  	_ =	shalt  }
0x47: {  	_ =	shalt  }
0x48: {  	_ =	shalt  }
0x49: {  	_ =	shalt  }
0x4a: {  	_ =	shalt  }
0x4b: {  	_ =	shalt  }
0x4c: {  	_ =	shalt  }
0x4d: {  	_ =	shalt  }
0x4e: {  	_ =	shalt  }
0x4f: {  	_ =	shalt  }
0x50: {  	_ =	shalt  }
0x51: {  	_ =	shalt  }
0x52: {  	_ =	shalt  }
0x53: {  	_ =	shalt  }
0x54: {  	_ =	shalt  }
0x55: {  	_ =	shalt  }
0x56: {  	_ =	shalt  }
0x57: {  	_ =	shalt  }
0x58: {  	_ =	shalt  }
0x59: {  	_ =	shalt  }
0x5a: {  	_ =	shalt  }
0x5b: {  	_ =	shalt  }
0x5c: {  	_ =	shalt  }
0x5d: {  	_ =	shalt  }
0x5e: {  	_ =	shalt  }
0x5f: {  	_ =	shalt  }
0x60: {  	_ =	shalt  }
0x61: {  	_ =	shalt  }
0x62: {  	_ =	shalt  }
0x63: {  	_ =	shalt  }
0x64: {  	_ =	shalt  }
0x65: {  	_ =	shalt  }
0x66: {  	_ =	shalt  }
0x67: {  	_ =	shalt  }
0x68: {  	_ =	shalt  }
0x69: {  	_ =	shalt  }
0x6a: {  	_ =	shalt  }
0x6b: {  	_ =	shalt  }
0x6c: {  	_ =	shalt  }
0x6d: {  	_ =	shalt  }
0x6e: {  	_ =	shalt  }
0x6f: {  	_ =	shalt  }
0x70: {  	_ =	shalt  }
0x71: {  	_ =	shalt  }
0x72: {  	_ =	shalt  }
0x73: {  	_ =	shalt  }
0x74: {  	_ =	shalt  }
0x75: {  	_ =	shalt  }
0x76: {  	_ =	shalt  }
0x77: {  	_ =	shalt  }
0x78: {  	_ =	shalt  }
0x79: {  	_ =	shalt  }
0x7a: {  	_ =	shalt  }
0x7b: {  	_ =	shalt  }
0x7c: {  	_ =	shalt  }
0x7d: {  	_ =	shalt  }
0x7e: {  	_ =	shalt  }
0x7f: {  	_ =	shalt  }
0x80: {  	_ =	shalt  }
0x81: {  	_ =	shalt  }
0x82: {  	_ =	shalt  }
0x83: {  	_ =	shalt  }
0x84: {  	_ =	shalt  }
0x85: {  	_ =	shalt  }
0x86: {  	_ =	shalt  }
0x87: {  	_ =	shalt  }
.Lfunc_end0:
.L_simem_size_0:
called_computation.2_lowered:
.L_overlay_start_0:
0x88: {  	s2 =	sld [smem:$0x3FD9]  }
0x89: {  	s3 =	sld [smem:$0x3FFE];
	_ =	sdelay $0x1  }
0x8a: {  	s1 =	srdreg.scid  }
0x8b: {  	s0 =	sand.u32 $0x1, s1  }
0x8c: {  	s17 =	sshll.u32 s0, $0xA;
	s2 =	sadd.s32 s3, s2  }
0x8d: {  	s2 =	sadd.s32 s2, s17  }
0x8e: {  	[smem:$0x3FBE] =	sst s2  }
0x8f: {  	_ = 	snop  }
0x90: {  	s2 =	sld [smem:$0x3FD0];
	(tm) =	ssettm $0x1  }
0x91: {  	s18 =	sld [smem:$0x3FFB];
	_ =	sdelay $0x3  }
0x92: {  	_ =	strace s18  }
0x93: {  	s3 =	sld [smem:$0x3FFC];
	_ =	sdelay $0x3  }
0x94: {  	_ =	strace s3  }
0x95: {  	s3 =	sld [smem:$0x3FFD];
	_ =	sdelay $0x3  }
0x96: {  	_ =	strace s3  }
0x97: {  	_ =	strace $0x8FFFFFFF  }
0x98: {  	s19 =	sld [smem:$0x3FDB];
	_ =	sdelay $0x1  }
0x99: {  	s4 =	simm.s32 $_scs_section_size  }
0x9a: {  	s5 =	simm.s32 $_size__tile_overlayer_lowered;
	s6 =	simm.s32 $_tile_overlayer_lowered  }
0x9b: {  	s22 =	simm.s32 $0x1BFF;
	s21 =	sshll.u32 s6, $0x1;
	s3 =	sadd.s32 s4, s19  }
0x9c: {  	s7 =	simm.s32 $0x0;
	s20 =	sshll.u32 s5, $0x1;
	s5 =	sadd.s32 s21, s3  }
0x9d: {  	[timem:s7], [sflag:s22] =	dma.local [hbm:s5], s20  }
0x9e: {  	_ =	swait.ge [sflag:s22], s20  }
0x9f: {  	s4 =	ssub.s32 $0x0, s20;
	[sflag:s22] =	ssyncset.done $0x0  }
0xa0: {  	[sflag:s22] =	ssyncadd.s32 s4;
	_ =	sdelay $0x1  }
0xa1: {  	s23 =	simm.s32 $0x1B8B  }
0xa2: {  	_ =	swait.ge [sflag:s23], $0x1  }
0xa3: {  	[sflag:s23] =	ssyncset.done $0x0  }
0xa4: {  	s25 =	simm.s32 $0x1B8E;
	s24 =	sld [smem:$0x3FFE];
	[sflag:s23] =	ssyncadd.s32 $0xFFFFFFFF  }
0xa5: {  	s26 =	simm.s32 $execute0_lowered;
	[smem:$0x3FD2] =	sst s25  }
0xa6: {  	s5 =	sshll.u32 s26, $0x1;
	_ =	strace $0x80000046;
	[dreg:$0x1] =	wrdreg $0xFFFFFFFF  }
0xa7: {  	s28 =	simm.s32 $_size_execute0_lowered;
	s3 =	sadd.s32 s3, s5;
	[dreg:$0x0] =	wrdreg $0x0  }
0xa8: {  	s5 =	sshll.u32 s28, $0x1;
	[dreg:$0x2] =	wrdreg s3  }
0xa9: {  	[dreg:$0x3] =	wrdreg s5  }
0xaa: {  	[dreg:$0x4] =	wrdreg $0xC0  }
0xab: {  	_ =	task [dreg:s7], $0x5FFFF  }
0xac: {  	[dreg:$0x1] =	wrdreg $0xFFFFFFFF  }
0xad: {  	[dreg:$0x0] =	wrdreg $0x60  }
0xae: {  	[dreg:$0x2] =	wrdreg s2  }
0xaf: {  	[dreg:$0x3] =	wrdreg s24  }
0xb0: {  	[dreg:$0x4] =	wrdreg $0x9  }
0xb1: {  	_ =	task.clear_ibuf [dreg:s7], $0x5FFFF;
	_ =	strace $0x90000046  }
0xb2: {  	s29 =	simm.s32 $0x9;
	_ =	strace $0x80000048  }
0xb3: {  	_ =	swait.ge [sflag:s29], $0x1  }
0xb4: {  	[sflag:s29] =	ssyncadd.s32 $0xFFFFFFFF  }
0xb5: {  	_ =	strace $0x90000048  }
0xb6: {  	_ =	sfence  }
0xb7: {  	s30 =	sld [smem:$0x0];
	_ =	sdelay $0x2  }
0xb8: {  	s31 =	sshll.u32 s1, $0xD;
	s1 =	sshrl.u32 s1, $0x2  }
0xb9: {  	s3 =	sand.u32 $0x4000, s31;
	s1 =	sadd.s32 s1, s30  }
0xba: {  	s0 =	sor.u32 s3, s0;
	s1 =	sshll.u32 s1, $0x11  }
0xbb: {  	s0 =	sor.u32 s1, s0  }
0xbc: {  	s0 =	sadd.s32 $0x8F2B, s0  }
0xbd: {  	[sflag:s0] =	ssyncadd.remote.s32 $0x1  }
0xbe: {  	_ =	sfence.sel $0xFFFF  }
0xbf: {  	[dreg:$0x0] =	wrdreg $0xFFFFFFFF;
	(pc) =	sbr.abs _section_cstart, $3  }
0xc0: {  	[dreg:$0x1] =	wrdreg $0xFFFFFFFF  }
0xc1: {  	_ =	task.clear_ibuf [dreg:s7], $0x2FFFF;
	_ =	strace $0x9FFFFFFF  }
0xc2: {  	(tm) =	ssettm $0x7FFFFFFF  }
0xc3: {  	_ =	shalt  }
tec
execute0_lowered:
.L_overlay_start_1:
0x0: {  	(tag) =	ssettag $0x1  }
0x1: {  	s2 =	rddreg [dreg:$0x0]  }
0x2: {  	s1 =	srdreg.scid;
	s0 =	stileid.u32  }
0x3: {  	s6 =	rddreg [dreg:$0x1];
	s3 =	simm.s32 $0x0;
	s10 =	simm.s32 $0x3  }
0x4: {  	s11 =	simm.s32 $0x2780;
	s12 =	simm.s32 $0x50;
	s13 =	simm.s32 $0x4F00  }
0x5: {  	s14 =	simm.s32 $0x7700;
	s7 =	sand.u32 $0x1, s1;
	s4 =	sshll.u32 s0, $0x1  }
0x6: {  	s15 =	simm.s32 $0x1;
	s16 =	simm.s32 $0x2;
	s4 =	sor.u32 s7, s4  }
0x7: {  	s1 =	rddreg [dreg:$0x2];
	s7 =	ssub.s32 $0x2, s7;
	s4 =	smul.u32 $0x2710, s4  }
0x8: {  	s17 =	simm.s32 $0x0;
	[smem:$0x7FF] =	sst s3;
	s9 =	sshrl.u32 s7, $0x1  }
0x9: {  	s5 =	sadd.s32 $0x14800, s6;
	s9 =	ssub.s32 s7, s9;
	s8 =	sshrl.u32 s4, $0x3  }
0xa: {  	_ =	strace $0x80000047;
	s9 =	smax.u32 s9, $0x1;
	s8 =	sadd.s32 s8, s6  }
0xb: {  	s6 =	sadd.s32 $0x3BA00, s6;
	s7 =	sadd.s32 $0xAA00, s8;
	s8 =	sadd.s32 $0xC00, s8  }
.LBB2_1:
0xc: {  	[tilespmem:s3], [sflag:$0x3] =	stream.linear.gather [hbm4b:s7+s3], $0x2710, $0x38;
	[tilespmem:$0x9F00] =	vst v63  }
0xd: {  	_ =	swait.ge [sflag:s10], $0x2710  }
0xe: {  	[sflag:s10] =	ssyncset.done $0x0  }
0xf: {  	[sflag:s10] =	ssyncadd.s32 $0xFFFFD8F0  }
0x10: {  	[tilespmem:s11], [sflag:$0x3] =	stream.linear.gather [hbm4b:s8+s3], $0x2710, $0x38;
	[tilespmem:$0x9F00] =	vst v63  }
0x11: {  	_ =	swait.ge [sflag:s10], $0x2710  }
0x12: {  	[sflag:s10] =	ssyncset.done $0x0  }
0x13: {  	s18 =	simm.s32 $0x0;
	[sflag:s10] =	ssyncadd.s32 $0xFFFFD8F0  }
.LBB2_2:
0x14: {  	s19 =	smul.u32 $0x50, s18;
	_ =	sdelay $0x1  }
0x15: {  	[tilespmem:s13], [sflag:$0x1] =	stream.indirect.gather [hbm4b:s2+s12], $0x80, s19, s12, $0xb8;
	[tilespmem:$0x9F00] =	vst v63  }
0x16: {  	s20 =	sadd.s32 $0x2780, s19  }
0x17: {  	[tilespmem:s14], [sflag:$0x2] =	stream.indirect.gather [hbm4b:s5+s12], $0x80, s20, s12, $0xb8;
	[tilespmem:$0x9F00] =	vst v63  }
0x18: {  	_ =	swait.ge [sflag:s15], $0x2800  }
0x19: {  	[sflag:s15] =	ssyncset.done $0x0  }
0x1a: {  	[sflag:s15] =	ssyncadd.s32 $0xFFFFD800  }
0x1b: {  	_ =	swait.ge [sflag:s16], $0x2800  }
0x1c: {  	[sflag:s16] =	ssyncset.done $0x0  }
0x1d: {  	s20 =	simm.s32 $0x0;
	[sflag:s16] =	ssyncadd.s32 $0xFFFFD800  }
0x1e: {  	v6 =	vld [tilespmem:s20+$0x7700]  }
0x1f: {  	v11 =	vld [tilespmem:s20+$0x7710]  }
0x20: {  	v5 =	vld [tilespmem:s20+$0x7720]  }
0x21: {  	v4 =	vld [tilespmem:s20+$0x7730]  }
0x22: {  	v3 =	vld [tilespmem:s20+$0x7740]  }
0x23: {  	v2 =	vld [tilespmem:s20+$0x7750]  }
0x24: {  	v1 =	vld [tilespmem:s20+$0x7760]  }
0x25: {  	v0 =	vld [tilespmem:s20+$0x7770]  }
0x26: {  	v12 =	vld [tilespmem:s20+$0x4F00]  }
0x27: {  	v13 =	vld [tilespmem:s20+$0x4F10]  }
0x28: {  	v10 =	vld [tilespmem:s20+$0x4F20]  }
0x29: {  	v9 =	vld [tilespmem:s20+$0x4F30]  }
0x2a: {  	v8 =	vld [tilespmem:s20+$0x4F40]  }
0x2b: {  	v7 =	vld [tilespmem:s20+$0x4F50];
	v12 =	vadd.f32 v6, v12  }
0x2c: {  	s21 =	simm.s32 $0x200;
	v11 =	vadd.f32 v11, v13;
	v6 =	vld [tilespmem:s20+$0x4F60]  }
.LBB2_3:
0x2d: {  	s22 =	sshra.s32 s21, $0x2;
	p0 =	sne.s32 s21, $0x9E00;
	v12 =	vmax.f32 v12, $0.0e+00;
	v5 =	vadd.f32 v5, v10;
	v10 =	vld [tilespmem:s20+$0x4F70]  }
0x2e: {  	v13 =	vld [tilespmem:s22+$0x7700];
	[tilespmem:s20+$0x4F00] =	vst v12;
	v11 =	vmax.f32 v11, $0.0e+00;
	v4 =	vadd.f32 v4, v9  }
0x2f: {  	v14 =	vld [tilespmem:s22+$0x7710];
	[tilespmem:s20+$0x4F10] =	vst v11;
	v9 =	vmax.f32 v5, $0.0e+00;
	v3 =	vadd.f32 v3, v8  }
0x30: {  	v5 =	vld [tilespmem:s22+$0x7720];
	[tilespmem:s20+$0x4F20] =	vst v9;
	v8 =	vmax.f32 v4, $0.0e+00;
	v2 =	vadd.f32 v2, v7  }
0x31: {  	v4 =	vld [tilespmem:s22+$0x7730];
	[tilespmem:s20+$0x4F30] =	vst v8;
	v7 =	vmax.f32 v3, $0.0e+00;
	v1 =	vadd.f32 v1, v6  }
0x32: {  	v3 =	vld [tilespmem:s22+$0x7740];
	[tilespmem:s20+$0x4F40] =	vst v7;
	v6 =	vmax.f32 v2, $0.0e+00;
	v0 =	vadd.f32 v0, v10  }
0x33: {  	v2 =	vld [tilespmem:s22+$0x7750];
	[tilespmem:s20+$0x4F50] =	vst v6;
	v6 =	vmax.f32 v1, $0.0e+00  }
0x34: {  	v1 =	vld [tilespmem:s22+$0x7760];
	[tilespmem:s20+$0x4F60] =	vst v6;
	v6 =	vmax.f32 v0, $0.0e+00  }
0x35: {  	v0 =	vld [tilespmem:s22+$0x7770];
	[tilespmem:s20+$0x4F70] =	vst v6;
	s20 =	smov.u32 s22  }
0x36: {  	v6 =	vld [tilespmem:s20+$0x4F00]  }
0x37: {  	v11 =	vld [tilespmem:s20+$0x4F10]  }
.Ltmp0:
0x38: {  	v10 =	vld [tilespmem:s20+$0x4F20];
	(pc) =	sbr.rel @p0 .LBB2_3-.Ltmp0, $4  }
0x39: {  	v9 =	vld [tilespmem:s20+$0x4F30]  }
0x3a: {  	v8 =	vld [tilespmem:s20+$0x4F40]  }
0x3b: {  	v12 =	vadd.f32 v13, v6;
	v7 =	vld [tilespmem:s20+$0x4F50]  }
0x3c: {  	s21 =	sadd.s32 $0x200, s21;
	v11 =	vadd.f32 v14, v11;
	v6 =	vld [tilespmem:s20+$0x4F60]  }
0x3d: {  	v12 =	vmax.f32 v12, $0.0e+00;
	v5 =	vadd.f32 v5, v10;
	v63 =	vld [tilespmem:s20+$0x4F70]  }
0x3e: {  	[tilespmem:s20+$0x4F00] =	vst v12;
	v11 =	vmax.f32 v11, $0.0e+00;
	v4 =	vadd.f32 v4, v9  }
0x3f: {  	[tilespmem:s20+$0x4F10] =	vst v11;
	v5 =	vmax.f32 v5, $0.0e+00;
	v3 =	vadd.f32 v3, v8  }
0x40: {  	[tilespmem:s20+$0x4F20] =	vst v5;
	v4 =	vmax.f32 v4, $0.0e+00;
	v2 =	vadd.f32 v2, v7  }
0x41: {  	[tilespmem:s20+$0x4F30] =	vst v4;
	v3 =	vmax.f32 v3, $0.0e+00;
	v1 =	vadd.f32 v1, v6  }
0x42: {  	[tilespmem:s20+$0x4F40] =	vst v3;
	v2 =	vmax.f32 v2, $0.0e+00;
	v0 =	vadd.f32 v0, v63  }
0x43: {  	s19 =	sadd.s32 s4, s19;
	s18 =	sadd.s32 $0x1, s18;
	[tilespmem:s20+$0x4F50] =	vst v2;
	v1 =	vmax.f32 v1, $0.0e+00  }
0x44: {  	s19 =	sshll.u32 s19, $0x4;
	p0 =	sne.s32 s18, $0x7D;
	[tilespmem:s20+$0x4F60] =	vst v1;
	v0 =	vmax.f32 v0, $0.0e+00  }
.Ltmp1:
0x45: {  	s19 =	sadd.s32 s6, s19;
	[tilespmem:s20+$0x4F70] =	vst v0;
	(pc) =	sbr.rel @p0 .LBB2_2-.Ltmp1, $4  }
0x46: {  	[hbm4b:s19+s3] =	stream.linear.scatter [tilespmem:s13], [sflag:$0x3], $0x2800, $0x38;
	[tilespmem:$0x9F00] =	vst v63  }
0x47: {  	_ =	swait.ge [sflag:s10], $0x2800  }
0x48: {  	[sflag:s10] =	ssyncset.done $0x0  }
0x49: {  	[sflag:s10] =	ssyncadd.s32 $0xFFFFD800  }
0x4a: {  	s17 =	sadd.s32 $0x1, s17  }
0x4b: {  	p0 =	sne.s32 s17, s9  }
.Ltmp2:
0x4c: {  	_ = 	snop;
	(pc) =	sbr.rel @p0 .LBB2_1-.Ltmp2, $1  }
0x4d: {  	_ =	sdelay $0x3  }
0x4e: {  	_ =	sfence.sel $0x180000  }
0x4f: {  	[bflag:$0x0] =	sbarrier.arrive $0xFFFF  }
0x50: {  	p0 =	sne.s32 s0, $0x0;
	_ =	strace $0x90000047  }
0x51: {  	s0 =	sadd.s32 @!p0 $0x100000, s1;
	[bflag:$0x2] =	sbarrier.arrive $0xFFFF  }
0x52: {  	[sflag:s0] =	ssyncadd.tile.s32 @!p0 $0x1;
	_ =	shalt  }
.Lfunc_end2:
_tile_overlayer_lowered:
.L_overlay_start_2:
0x53: {  	(tag) =	ssettag $0x2  }
0x54: {  	s0 =	rddreg [dreg:$0x0];
	s2 =	stileid.u32  }
0x55: {  	s1 =	rddreg [dreg:$0x1];
	p0 =	sne.s32 s2, $0x0  }
0x56: {  	s3 =	rddreg [dreg:$0x2];
	[bflag:$0x3] =	sbarrier.arrive $0xFFFF;
	s2 =	simm.s32 @!p0 $0x1C03  }
0x57: {  	[timem:s3], [sflag:s2] =	dma.local @!p0 [hbm:s0], s1  }
0x58: {  	s0 =	simm.s32 @!p0 $0x3  }
0x59: {  	_ =	swait.ge @!p0 [sflag:s0], s1  }
0x5a: {  	s1 =	ssub.s32 @!p0 $0x0, s1;
	[sflag:s0] =	ssyncset.done @!p0 $0x0  }
0x5b: {  	[sflag:s0] =	ssyncadd.s32 @!p0 s1  }
0x5c: {  	[bflag:$0x3] =	sbarrier.arrive $0xFFFF  }
0x5d: {  	_ =	shalt  }

// kernel: scatter_offload_async_start.1
scs
__scs_entry_jumppad:
0x0: {  	(pc) =	sbr.rel $0x88, $3  }
0x1: {  	(tag) =	ssettag $0x0;
	lr =	simm.s32 $0x1  }
0x2: {  	[smem:$0x3F97] =	sst lr;
	_ =	strace $0xD0000000  }
0x3: {  	_ = 	snop  }
0x4: {  	_ = 	snop  }
0x5: {  	_ = 	snop  }
0x6: {  	_ = 	snop  }
0x7: {  	_ = 	snop  }
__scs_overlays_trampoline_lowered:
0x8: {  	[smem:$0x3FA6] =	sst s0  }
0x9: {  	[smem:$0x3FA7] =	sst s1  }
0xa: {  	[smem:$0x3FA8] =	sst s2  }
0xb: {  	[smem:$0x3FA9] =	sst s3  }
0xc: {  	[smem:$0x3FAA] =	sst s4  }
0xd: {  	[smem:$0x3FAB] =	sst s5  }
0xe: {  	[smem:$0x3FAC] =	sst s6  }
0xf: {  	[smem:$0x3FAD] =	sst s7  }
0x10: {  	[smem:$0x3FAE] =	sst s8  }
0x11: {  	[smem:$0x3FAF] =	sst s9;
	s0 =	simm.s32 @!p0 $0x0  }
0x12: {  	s1 =	sld [smem:$0x3F95];
	s0 =	simm.s32 @p0 $0x1  }
0x13: {  	[smem:$0x3FB0] =	sst s0;
	s0 =	simm.s32 @!p1 $0x0  }
0x14: {  	s2 =	sld [smem:$0x3F94];
	s0 =	simm.s32 @p1 $0x1  }
0x15: {  	[smem:$0x3FB1] =	sst s0;
	s0 =	simm.s32 @!p2 $0x0  }
0x16: {  	s3 =	sld [smem:$0x3FDB];
	s0 =	simm.s32 @p2 $0x1  }
0x17: {  	s4 =	simm.s32 $0x1BF5;
	[smem:$0x3FB3] =	sst s0  }
0x18: {  	s0 =	sld [smem:$0x3F96];
	_ =	swait.ge [sflag:s4], $0x0  }
0x19: {  	s7 =	sld [smem:$0x3F97]  }
0x1a: {  	s8 =	sadd.s32 $0xFFFFE003, lr  }
0x1b: {  	s9 =	sadd.s32 $0xFFFFFEF7, lr;
	s5 =	simm.s32 $0xFFFFFFFF;
	p2 =	slt.u32 s8, $0xFFFFF086  }
0x1c: {  	p1 =	slt.u32 s9, $0xF7A;
	s5 =	simm.s32 @!p2 $0x0  }
0x1d: {  	s5 =	simm.s32 @p1 $0x1;
	p0 =	seq.s32 s7, s2  }
0x1e: {  	s7 =	smul.u32 @!p0 $0xF7A, s2;
	p2 =	seq.s32 @!p0 s5, $0x0  }
0x1f: {  	s9 =	smul.u32 $0xF7A, s1;
	s8 =	simm.s32 @!p0 $0x1BF5;
	p2 =	por !p2, p0  }
0x20: {  	[sflag:s8] =	ssyncset.s32 @!p0 $0xFFFFF086;
	s6 =	sadd.s32 @!p0 s3, s7;
	s7 =	simm.s32 @!p0 $0x108  }
0x21: {  	s3 =	sadd.s32 s3, s9;
	s6 =	sadd.s32 @!p0 $0x88, s6;
	s7 =	simm.s32 @p2 $0x1082  }
0x22: {  	[simem:s7], [sflag:s8] =	dma.local @!p0 [hbm:s6], $0xF7A  }
0x23: {  	s9 =	sor.u32 $0xD0000000, s2;
	s6 =	simm.s32 $0x108;
	_ =	swait.ge @!p0 [sflag:s8], $0x0  }
0x24: {  	s3 =	sadd.s32 $0x88, s3;
	s6 =	simm.s32 @!p1 $0x1082;
	[sflag:s4] =	ssyncset.s32 $0xFFFFF086  }
0x25: {  	[simem:s6], [sflag:s4] =	dma.local [hbm:s3], $0xF7A  }
0x26: {  	[smem:$0x3F97] =	sst s1;
	(tag) =	ssettag s2;
	_ =	strace s9  }
0x27: {  	s1 =	sld [smem:$0x3FA7]  }
0x28: {  	s2 =	sld [smem:$0x3FA8]  }
0x29: {  	s4 =	sld [smem:$0x3FAA]  }
0x2a: {  	p0 =	seq.s32 s5, $0x0;
	s5 =	sld [smem:$0x3FAB]  }
0x2b: {  	s6 =	sld [smem:$0x3FAC]  }
0x2c: {  	s7 =	sld [smem:$0x3FAD]  }
0x2d: {  	s3 =	simm.s32 $0x108;
	s8 =	sld [smem:$0x3FAE]  }
0x2e: {  	s3 =	simm.s32 @!p0 $0x1082;
	s9 =	sld [smem:$0x3FAF]  }
0x2f: {  	lr =	sadd.s32 s0, s3;
	s0 =	sld [smem:$0x3FA6]  }
0x30: {  	s3 =	sld [smem:$0x3FA9]  }
0x31: {  	[smem:$0x3FB2] =	sst s10  }
0x32: {  	s10 =	sld [smem:$0x3FB0];
	_ =	sdelay $0x3  }
0x33: {  	p0 =	seq.s32 s10, $0x1;
	s10 =	sld [smem:$0x3FB2];
	_ =	sdelay $0x3  }
0x34: {  	[smem:$0x3FB2] =	sst s10  }
0x35: {  	s10 =	sld [smem:$0x3FB1];
	_ =	sdelay $0x3  }
0x36: {  	p1 =	seq.s32 s10, $0x1;
	s10 =	sld [smem:$0x3FB2];
	_ =	sdelay $0x3  }
0x37: {  	[smem:$0x3FB2] =	sst s10  }
0x38: {  	s10 =	sld [smem:$0x3FB3]  }
0x39: {  	_ = 	snop;
	(pc) =	sbr.ind lr, $3  }
0x3a: {  	_ = 	snop  }
0x3b: {  	_ = 	snop  }
0x3c: {  	p2 =	seq.s32 s10, $0x1;
	s10 =	sld [smem:$0x3FB2]  }
0x3d: {  	_ =	shalt  }
0x3e: {  	_ =	shalt  }
0x3f: {  	_ =	shalt  }
0x40: {  	_ =	shalt  }
0x41: {  	_ =	shalt  }
0x42: {  	_ =	shalt  }
0x43: {  	_ =	shalt  }
0x44: {  	_ =	shalt  }
0x45: {  	_ =	shalt  }
0x46: {  	_ =	shalt  }
0x47: {  	_ =	shalt  }
0x48: {  	_ =	shalt  }
0x49: {  	_ =	shalt  }
0x4a: {  	_ =	shalt  }
0x4b: {  	_ =	shalt  }
0x4c: {  	_ =	shalt  }
0x4d: {  	_ =	shalt  }
0x4e: {  	_ =	shalt  }
0x4f: {  	_ =	shalt  }
0x50: {  	_ =	shalt  }
0x51: {  	_ =	shalt  }
0x52: {  	_ =	shalt  }
0x53: {  	_ =	shalt  }
0x54: {  	_ =	shalt  }
0x55: {  	_ =	shalt  }
0x56: {  	_ =	shalt  }
0x57: {  	_ =	shalt  }
0x58: {  	_ =	shalt  }
0x59: {  	_ =	shalt  }
0x5a: {  	_ =	shalt  }
0x5b: {  	_ =	shalt  }
0x5c: {  	_ =	shalt  }
0x5d: {  	_ =	shalt  }
0x5e: {  	_ =	shalt  }
0x5f: {  	_ =	shalt  }
0x60: {  	_ =	shalt  }
0x61: {  	_ =	shalt  }
0x62: {  	_ =	shalt  }
0x63: {  	_ =	shalt  }
0x64: {  	_ =	shalt  }
0x65: {  	_ =	shalt  }
0x66: {  	_ =	shalt  }
0x67: {  	_ =	shalt  }
0x68: {  	_ =	shalt  }
0x69: {  	_ =	shalt  }
0x6a: {  	_ =	shalt  }
0x6b: {  	_ =	shalt  }
0x6c: {  	_ =	shalt  }
0x6d: {  	_ =	shalt  }
0x6e: {  	_ =	shalt  }
0x6f: {  	_ =	shalt  }
0x70: {  	_ =	shalt  }
0x71: {  	_ =	shalt  }
0x72: {  	_ =	shalt  }
0x73: {  	_ =	shalt  }
0x74: {  	_ =	shalt  }
0x75: {  	_ =	shalt  }
0x76: {  	_ =	shalt  }
0x77: {  	_ =	shalt  }
0x78: {  	_ =	shalt  }
0x79: {  	_ =	shalt  }
0x7a: {  	_ =	shalt  }
0x7b: {  	_ =	shalt  }
0x7c: {  	_ =	shalt  }
0x7d: {  	_ =	shalt  }
0x7e: {  	_ =	shalt  }
0x7f: {  	_ =	shalt  }
0x80: {  	_ =	shalt  }
0x81: {  	_ =	shalt  }
0x82: {  	_ =	shalt  }
0x83: {  	_ =	shalt  }
0x84: {  	_ =	shalt  }
0x85: {  	_ =	shalt  }
0x86: {  	_ =	shalt  }
0x87: {  	_ =	shalt  }
.Lfunc_end0:
.L_simem_size_0:
called_computation.1_lowered:
.L_overlay_start_0:
0x88: {  	s2 =	sld [smem:$0x3FD9]  }
0x89: {  	s3 =	sld [smem:$0x3FFE];
	_ =	sdelay $0x1  }
0x8a: {  	s1 =	srdreg.scid  }
0x8b: {  	s0 =	sand.u32 $0x1, s1  }
0x8c: {  	s16 =	sshll.u32 s0, $0xA;
	s2 =	sadd.s32 s3, s2  }
0x8d: {  	s2 =	sadd.s32 s2, s16  }
0x8e: {  	[smem:$0x3FBE] =	sst s2  }
0x8f: {  	_ = 	snop  }
0x90: {  	s2 =	sld [smem:$0x3FD0];
	(tm) =	ssettm $0x1  }
0x91: {  	s17 =	sld [smem:$0x3FFB];
	_ =	sdelay $0x3  }
0x92: {  	_ =	strace s17  }
0x93: {  	s3 =	sld [smem:$0x3FFC];
	_ =	sdelay $0x3  }
0x94: {  	_ =	strace s3  }
0x95: {  	s3 =	sld [smem:$0x3FFD];
	_ =	sdelay $0x3  }
0x96: {  	_ =	strace s3  }
0x97: {  	_ =	strace $0x8FFFFFFF  }
0x98: {  	s18 =	sld [smem:$0x3FDB];
	_ =	sdelay $0x1  }
0x99: {  	s4 =	simm.s32 $_scs_section_size  }
0x9a: {  	s5 =	simm.s32 $_size__tile_overlayer_lowered;
	s6 =	simm.s32 $_tile_overlayer_lowered  }
0x9b: {  	s21 =	simm.s32 $0x1BFF;
	s20 =	sshll.u32 s6, $0x1;
	s3 =	sadd.s32 s4, s18  }
0x9c: {  	s7 =	simm.s32 $0x0;
	s19 =	sshll.u32 s5, $0x1;
	s5 =	sadd.s32 s20, s3  }
0x9d: {  	[timem:s7], [sflag:s21] =	dma.local [hbm:s5], s19  }
0x9e: {  	_ =	swait.ge [sflag:s21], s19  }
0x9f: {  	s4 =	ssub.s32 $0x0, s19;
	[sflag:s21] =	ssyncset.done $0x0  }
0xa0: {  	[sflag:s21] =	ssyncadd.s32 s4;
	_ =	sdelay $0x1  }
0xa1: {  	s22 =	simm.s32 $0x1B8B  }
0xa2: {  	_ =	swait.ge [sflag:s22], $0x1  }
0xa3: {  	[sflag:s22] =	ssyncset.done $0x0  }
0xa4: {  	s23 =	sld [smem:$0x3FFE];
	[sflag:s22] =	ssyncadd.s32 $0xFFFFFFFF  }
0xa5: {  	s25 =	simm.s32 $0x1B8E;
	s24 =	sld [smem:$0x0]  }
0xa6: {  	s26 =	simm.s32 $execute0_lowered;
	[smem:$0x3FD2] =	sst s25  }
0xa7: {  	s6 =	sshll.u32 s26, $0x1;
	_ =	strace $0x80000052;
	[dreg:$0x1] =	wrdreg $0xFFFFFFFF  }
0xa8: {  	s28 =	simm.s32 $_size_execute0_lowered;
	s3 =	sadd.s32 s3, s6;
	[dreg:$0x0] =	wrdreg $0x0  }
0xa9: {  	s6 =	sshll.u32 s28, $0x1;
	[dreg:$0x2] =	wrdreg s3  }
0xaa: {  	[dreg:$0x3] =	wrdreg s6  }
0xab: {  	[dreg:$0x4] =	wrdreg $0xC0  }
0xac: {  	_ =	task [dreg:s7], $0x5FFFF  }
0xad: {  	[dreg:$0x1] =	wrdreg $0xFFFFFFFF  }
0xae: {  	[dreg:$0x0] =	wrdreg $0x60  }
0xaf: {  	[dreg:$0x2] =	wrdreg s2  }
0xb0: {  	[dreg:$0x3] =	wrdreg s23  }
0xb1: {  	[dreg:$0x4] =	wrdreg s1  }
0xb2: {  	[dreg:$0x5] =	wrdreg s24  }
0xb3: {  	[dreg:$0x6] =	wrdreg $0x9  }
0xb4: {  	_ =	task.clear_ibuf [dreg:s7], $0x7FFFF;
	_ =	strace $0x90000052  }
0xb5: {  	s29 =	simm.s32 $0x9;
	_ =	strace $0x80000054  }
0xb6: {  	_ =	swait.ge [sflag:s29], $0x1  }
0xb7: {  	[sflag:s29] =	ssyncadd.s32 $0xFFFFFFFF  }
0xb8: {  	_ =	strace $0x90000054  }
0xb9: {  	_ =	sfence  }
0xba: {  	s30 =	sld [smem:$0x0];
	_ =	sdelay $0x2  }
0xbb: {  	s31 =	sshll.u32 s1, $0xD;
	s1 =	sshrl.u32 s1, $0x2  }
0xbc: {  	s3 =	sand.u32 $0x4000, s31;
	s1 =	sadd.s32 s1, s30  }
0xbd: {  	s0 =	sor.u32 s3, s0;
	s1 =	sshll.u32 s1, $0x11  }
0xbe: {  	s0 =	sor.u32 s1, s0  }
0xbf: {  	s0 =	sadd.s32 $0x8F2B, s0  }
0xc0: {  	[sflag:s0] =	ssyncadd.remote.s32 $0x1  }
0xc1: {  	_ =	sfence.sel $0xFFFF  }
0xc2: {  	[dreg:$0x0] =	wrdreg $0xFFFFFFFF;
	(pc) =	sbr.abs _section_cstart, $3  }
0xc3: {  	[dreg:$0x1] =	wrdreg $0xFFFFFFFF  }
0xc4: {  	_ =	task.clear_ibuf [dreg:s7], $0x2FFFF;
	_ =	strace $0x9FFFFFFF  }
0xc5: {  	(tm) =	ssettm $0x7FFFFFFF  }
tec
execute0_lowered:
.L_overlay_start_1:
0x0: {  	(tag) =	ssettag $0x1  }
0x1: {  	s1 =	rddreg [dreg:$0x0]  }
0x2: {  	s2 =	rddreg [dreg:$0x1]  }
0x3: {  	s3 =	rddreg [dreg:$0x2];
	_ =	strace $0x80000053;
	s0 =	simm.s32 $0x1  }
0x4: {  	v0 =	vimm.s32 $0x0;
	[sflag:s0] =	ssyncpa.u1 $0x0;
	s0 =	simm.s32 $0x108  }
0x5: {  	[tilespmem:s0+$0x70] =	vst v0  }
0x6: {  	[tilespmem:s0+$0x60] =	vst v0  }
0x7: {  	[tilespmem:s0+$0x50] =	vst v0  }
0x8: {  	[tilespmem:s0+$0x40] =	vst v0  }
0x9: {  	[tilespmem:s0+$0x30] =	vst v0  }
0xa: {  	s15 =	sadd.s32 $0x51DA00, s2;
	s6 =	sadd.s32 $0xC00, s2;
	[tilespmem:s0+$0x20] =	vst v0  }
0xb: {  	s14 =	sadd.s32 $0x527800, s2;
	s5 =	sand.u32 $0x1, s3;
	s3 =	simm.s32 $0x40;
	[tilespmem:s0+$0x10] =	vst v0  }
.LBB2_1:
0xc: {  	s3 =	sadd.s32 $0x40, s3;
	[tilespmem:s0+$0x0] =	vst v0;
	s0 =	sadd.s32 $0x80, s0  }
0xd: {  	p0 =	slt.u32 s3, $0x3C40;
	[tilespmem:s0+$0x70] =	vst v0  }
0xe: {  	[tilespmem:s0+$0x60] =	vst v0  }
.Ltmp0:
0xf: {  	[tilespmem:s0+$0x50] =	vst v0;
	(pc) =	sbr.rel @p0 .LBB2_1-.Ltmp0, $4  }
0x10: {  	[tilespmem:s0+$0x40] =	vst v0  }
0x11: {  	[tilespmem:s0+$0x30] =	vst v0  }
0x12: {  	[tilespmem:s0+$0x20] =	vst v0  }
0x13: {  	[tilespmem:s0+$0x10] =	vst v0  }
0x14: {  	s9 =	stileid.u32  }
0x15: {  	s2 =	smul.u32 $0x29, s9  }
0x16: {  	s3 =	smin.u32 s9, $0xB  }
0x17: {  	s2 =	sadd.s32 s3, s2  }
0x18: {  	p0 =	slt.u32 s9, $0xB;
	s7 =	smul.u32 $0xF0, s2;
	s2 =	simm.s32 $0x2760  }
0x19: {  	s2 =	simm.s32 @!p0 $0x2670  }
0x1a: {  	s2 =	sadd.s32 s2, s7  }
0x1b: {  	s8 =	smin.u32 s2, $0x27100  }
0x1c: {  	s2 =	ssub.s32 s8, s7  }
0x1d: {  	p0 =	sgt.s32 s2, $0x0  }
0x1e: {  	s29 =	simm.s32 $0x2;
	s10 =	simm.s32 $0x9;
	s2 =	simm.s32 @!p0 $0x0  }
0x1f: {  	s4 =	simm.s32 $0xA;
	s11 =	simm.s32 $0xB;
	s28 =	smulhi.u32 $0x88888889, s2  }
0x20: {  	[dreg:$0x5] =	wrdreg s5;
	s31 =	smul.u32 $0x4E20, s5;
	s12 =	simm.s32 $0x1  }
0x21: {  	s22 =	simm.s32 $0x0;
	s18 =	simm.s32 $0xC;
	s30 =	sshrl.u32 s28, $0x7  }
0x22: {  	s20 =	simm.s32 $0x0;
	s21 =	simm.s32 $0x0;
	s3 =	smul.u32 $0xF0, s30  }
.Ltmp1:
0x23: {  	[tilespmem:s0+$0x0] =	vst v0;
	v0 =	vimm.s32 $0xFFFFFFFF;
	[sflag:s29] =	ssyncpa.u1 $0x0;
	s16 =	sshll.u32 s9, $0x8;
	(pc) =	sbr.rel .LBB2_3-.Ltmp1, $4  }
0x24: {  	[tilespmem:$0xF208] =	vst v0;
	[sflag:s10] =	ssyncpa.u1 $0x0;
	p0 =	sne.s32 s2, s3;
	s2 =	simm.s32 $0x1  }
0x25: {  	s14 =	sadd.s32 s31, s14;
	[sflag:s4] =	ssyncpa.u1 $0x0;
	s2 =	simm.s32 @!p0 $0x0  }
0x26: {  	s15 =	sadd.s32 s31, s15;
	[sflag:s11] =	ssyncpa.u1 $0x0;
	s13 =	sadd.s32 s2, s30  }
0x27: {  	v0 =	vlaneseq.u32;
	s19 =	smov.u32 s7;
	p0 =	por $0x0, $0x0;
	s17 =	sadd.s32 $0x1, s13  }
.LBB2_18:
0x28: {  	s0 =	sshrl.u32 s31, $0x2  }
.LBB2_20:
0x29: {  	_ =	swait.ge [sflag:s18], s0  }
0x2a: {  	s31 =	ssub.s32 $0x0, s0;
	v1 =	vmov s24;
	vm0 =	veq.s32 v0, $0x0;
	[sflag:s18] =	ssyncset.done $0x0  }
0x2b: {  	vm15 =	veq.s32 v0, $0x2;
	v1 =	vsel vm0, s30, v1;
	[sflag:s18] =	ssyncadd.s32 s31  }
0x2c: {  	v1 =	vsel vm15, s22, v1;
	[sflag:s18] =	ssyncpa.u1 $0x1  }
0x2d: {  	[tilespmem:$0xF208] =	vst v1  }
.LBB2_21:
0x2e: {  	s0 =	sadd.s32 $0xF0, s19  }
0x2f: {  	s2 =	smov.u32 s7;
	p1 =	slt.s32 s0, s8  }
0x30: {  	s2 =	smov.u32 @p1 s0;
	p1 =	sne.s32 s21, s17  }
.Ltmp2:
0x31: {  	_ = 	snop;
	(pc) =	sbr.rel @!p1 .LBB2_22-.Ltmp2, $3  }
0x32: {  	_ =	sdelay $0x1  }
0x33: {  	s22 =	smov.u32 s20;
	s31 =	sadd.s32 $0x1, s21;
	s20 =	smov.u32 s19  }
0x34: {  	p0 =	por !p0, !p0;
	s21 =	smov.u32 s31;
	s19 =	smov.u32 s2  }
.LBB2_3:
0x35: {  	p1 =	sge.u32 s21, s13  }
0x36: {  	s0 =	smulhi.u32 @!p1 $0xAAAAAAAB, s21  }
0x37: {  	s2 =	smov.u32 s19;
	p2 =	sgt.s32 @!p1 s19, $0x27010  }
0x38: {  	s3 =	sshra.s32 @!p1 s19, $0x1F;
	p2 =	por !p2, p1;
	s0 =	sshrl.u32 @!p1 s0, $0x1  }
0x39: {  	s3 =	sand.u32 @!p1 s3, s19;
	s2 =	simm.s32 @p2 $0x27010;
	s0 =	smul.u32 @!p1 $0x3, s0  }
0x3a: {  	s2 =	ssub.s32 @!p1 s2, s3  }
0x3b: {  	s2 =	sadd.s32 @!p1 $0xFFFD8FF0, s2;
	s0 =	ssub.s32 @!p1 s21, s0  }
0x3c: {  	s3 =	sshll.u32 @!p1 s2, $0x2;
	p2 =	sgt.s32 @!p1 s2, $0xEF;
	s0 =	smul.u32 @!p1 $0x3C0, s0  }
0x3d: {  	s4 =	sand.u32 @!p1 $0x7, s19;
	s2 =	ssub.s32 @!p1 $0x3C0, s3;
	p2 =	por !p2, p1  }
0x3e: {  	s3 =	sshrl.u32 @!p1 s19, $0x3;
	s2 =	sshrl.u32 @!p1 s2, $0x2;
	s0 =	sshrl.u32 @!p1 s0, $0x2  }
0x3f: {  	s3 =	sadd.s32 @!p1 s3, s14;
	s2 =	simm.s32 @!p2 $0x0;
	s0 =	sadd.s32 @!p1 $0x10248, s0  }
0x40: {  	[tilespmem:s0], [sflag:$0xA] =	stream.linear.gather @!p1 [hbm4b:s3+s4], s2, $0x38;
	[tilespmem:$0x1F6F8] =	vst v63  }
0x41: {  	s0 =	sadd.s32 $0xFFFFFFFF, s21  }
0x42: {  	p1 =	sge.u32 s0, s13  }
0x43: {  	p2 =	sgt.s32 @!p1 s20, $0x27010  }
0x44: {  	s2 =	smov.u32 s20;
	s3 =	sshra.s32 @!p1 s20, $0x1F;
	p2 =	por !p2, p1  }
0x45: {  	s3 =	sand.u32 @!p1 s3, s20;
	s2 =	simm.s32 @p2 $0x27010  }
0x46: {  	s2 =	ssub.s32 @!p1 s2, s3  }
0x47: {  	s2 =	sadd.s32 @!p1 $0xFFFD8FF0, s2  }
0x48: {  	s4 =	sand.u32 @!p1 $0x1, s0;
	s3 =	sshll.u32 @!p1 s2, $0x2  }
0x49: {  	p2 =	sgt.s32 @!p1 s2, $0xEF;
	s2 =	ssub.s32 @!p1 $0x3C0, s3;
	s3 =	smulhi.u32 @!p1 $0xAAAAAAAB, s0  }
0x4a: {  	s23 =	smul.u32 @!p1 $0x3C0, s4;
	p2 =	por !p2, p1;
	s2 =	sshrl.u32 @!p1 s2, $0x2  }
0x4b: {  	s5 =	simm.s32 @!p1 $0xA;
	s2 =	simm.s32 @!p2 $0x0;
	s3 =	sshrl.u32 @!p1 s3, $0x1  }
0x4c: {  	s23 =	sshrl.u32 @!p1 s23, $0x2;
	_ =	swait.ge @!p1 [sflag:s5], s2;
	s3 =	smul.u32 @!p1 $0x3, s3  }
0x4d: {  	s23 =	sadd.s32 @!p1 $0x10518, s23;
	s24 =	ssub.s32 @!p1 $0x0, s2;
	[sflag:s5] =	ssyncset.done @!p1 $0x0  }
0x4e: {  	[sflag:s5] =	ssyncadd.s32 @!p1 s24;
	s5 =	sshrl.u32 @!p1 s20, $0x3;
	s0 =	ssub.s32 @!p1 s0, s3  }
0x4f: {  	s24 =	sand.u32 @!p1 $0x7, s20;
	s5 =	sadd.s32 @!p1 s5, s15;
	s0 =	smul.u32 @!p1 $0x3C0, s0  }
0x50: {  	[tilespmem:s23], [sflag:$0xB] =	stream.linear.gather @!p1 [hbm4b:s5+s24], s2, $0x38;
	[tilespmem:$0x1F6F8] =	vst v63  }
0x51: {  	s3 =	ssub.s32 @!p1 $0x27100, s20;
	s2 =	smul.u32 @!p1 $0x1E000, s4  }
0x52: {  	p2 =	slt.s32 @!p1 s3, $0xF0  }
0x53: {  	p2 =	por !p2, p1;
	s0 =	sshrl.u32 @!p1 s0, $0x2;
	s2 =	sshrl.u32 @!p1 s2, $0x2  }
0x54: {  	s3 =	simm.s32 @p2 $0xF0;
	s0 =	sadd.s32 @!p1 $0x10248, s0;
	s2 =	sor.u32 @!p1 $0x106F8, s2  }
0x55: {  	[tilespmem:s2], [sflag:$0x9] =	stream.indirect.gather @!p1 [hbm4b:s6+s3], $0x80, s0, s3, $0xb8;
	[tilespmem:$0x1F6F8] =	vst v63  }
0x56: {  	p1 =	slt.u32 s21, $0x2  }
.Ltmp3:
0x57: {  	_ = 	snop;
	(pc) =	sbr.rel @p1 .LBB2_21-.Ltmp3, $1  }
0x58: {  	_ =	sdelay $0x3  }
0x59: {  	p1 =	sgt.s32 s22, $0x27010  }
0x5a: {  	s0 =	smov.u32 s22;
	s2 =	sshra.s32 s22, $0x1F;
	s3 =	ssub.s32 $0x27100, s22  }
0x5b: {  	s0 =	simm.s32 @!p1 $0x27010;
	s2 =	sand.u32 s2, s22;
	p1 =	slt.s32 s3, $0xF0  }
0x5c: {  	s0 =	ssub.s32 s0, s2;
	s3 =	simm.s32 @!p1 $0xF0  }
0x5d: {  	s0 =	sadd.s32 $0xFFFD8FF0, s0;
	s25 =	sshll.u32 s3, $0x7  }
0x5e: {  	s26 =	sshll.u32 s0, $0x2;
	s2 =	sand.u32 $0x3FFFFF80, s25  }
0x5f: {  	p1 =	sgt.s32 s0, $0xEF;
	s29 =	ssub.s32 $0x3C0, s26;
	_ =	swait.ge [sflag:s10], s2  }
0x60: {  	s2 =	ssub.s32 $0x0, s2;
	[sflag:s10] =	ssyncset.done $0x0;
	s0 =	sshrl.u32 s29, $0x2  }
0x61: {  	[sflag:s10] =	ssyncadd.s32 s2;
	s0 =	simm.s32 @p1 $0x0  }
0x62: {  	_ =	swait.ge [sflag:s11], s0  }
0x63: {  	s0 =	ssub.s32 $0x0, s0;
	[sflag:s11] =	ssyncset.done $0x0  }
0x64: {  	[sflag:s11] =	ssyncadd.s32 s0  }
0x65: {  	v1 =	vld [tilespmem:$0xF208];
	_ =	sdelay $0x4  }
0x66: {  	(v2sf) =	vpush v1, $0x0  }
0x67: {  	(v2sf) =	vpush v1, $0x1  }
0x68: {  	(v2sf) =	vpush v1, $0x2;
	_ =	sdelay $0x3  }
0x69: {  	s0 =	sadd.s32 $0xF0, s22  }
0x6a: {  	s2 =	ssub.s32 $0x4E200, s22;
	p1 =	slt.s32 s8, s0  }
0x6b: {  	s0 =	smov.u32 @p1 s8;
	p1 =	sgt.s32 s2, $0x0  }
0x6c: {  	s26 =	ssub.s32 s0, s22;
	s2 =	simm.s32 @!p1 $0x0  }
0x6d: {  	p1 =	slt.s32 s2, s26  }
0x6e: {  	s26 =	smov.u32 @p1 s2  }
0x6f: {  	s25 =	simm.s32 $0x1;
	p1 =	slt.s32 s26, $0x1  }
.Ltmp4:
0x70: {  	s25 =	simm.s32 @!p0 $0x0;
	(pc) =	sbr.rel @p1 .LBB2_8-.Ltmp4, $4  }
0x71: {  	s31 =	smul.u32 $0x3C0, s25  }
0x72: {  	s28 =	spop (v2sf)  }
0x73: {  	s0 =	sshrl.u32 s31, $0x2;
	s30 =	spop (v2sf)  }
0x74: {  	s23 =	sadd.s32 $0x10518, s0;
	s22 =	spop (v2sf)  }
0x75: {  	s0 =	smin.u32 s26, $0x10  }
0x76: {  	v1 =	vmov s0  }
0x77: {  	p2 =	sgt.s32 s26, $0x10;
	vm1 =	vgt.u32 v1, v0  }
.Ltmp5:
0x78: {  	_ = 	snop;
	(pc) =	sbr.rel @!p2 .LBB2_7-.Ltmp5, $2  }
0x79: {  	_ =	sdelay $0x2  }
0x7a: {  	s4 =	simm.s32 $0x10;
	s24 =	sadd.s32 $0xFFFFFFF0, s26;
	s0 =	smov.u32 s23;
	vm0 =	vmmov vm1  }
.LBB2_6:
0x7b: {  	s2 =	smin.u32 s24, $0x10;
	s4 =	sadd.s32 $0x10, s4;
	v1 =	vld.msk [tilespmem:s0+$0x0 ss:$0x1], vm1  }
0x7c: {  	v2 =	vmov s2;
	p2 =	slt.s32 s4, s26  }
0x7d: {  	vm1 =	vgt.u32 v2, v0  }
.Ltmp6:
0x7e: {  	(pc) =	sbr.rel @p2 .LBB2_6-.Ltmp6, $3  }
0x7f: {  	_ =	sdelay $0x1  }
0x80: {  	v1 =	vshll.u32 v1, $0x4  }
0x81: {  	s24 =	sadd.s32 $0xFFFFFFF0, s24;
	[tilespmem:s0+$0x0] =	vst.msk vm0, v1;
	s0 =	sadd.s32 $0x10, s0;
	vm0 =	vmmov vm1  }
.LBB2_7:
0x82: {  	_ =	sdelay $0x4  }
0x83: {  	v1 =	vld.msk [tilespmem:s0+$0x0 ss:$0x1], vm1;
	_ =	sdelay $0x4  }
0x84: {  	v1 =	vshll.u32 v1, $0x4  }
0x85: {  	[tilespmem:s0+$0x0] =	vst.msk vm0, v1  }
.LBB2_8:
0x86: {  	s0 =	sand.u32 $0x1, s21  }
0x87: {  	s2 =	smul.u32 $0x7800, s0  }
0x88: {  	p2 =	sne.s32 s30, $0xFFFFFFFF  }
0x89: {  	v1 =	vld @!p2 [tilespmem:s2+$0x106F8];
	_ =	sdelay $0x2  }
0x8a: {  	s0 =	smul.u32 $0xF0, s0;
	_ =	sdelay $0x1  }
0x8b: {  	v2 =	vld.msk @!p2 [tilespmem:s0+$0x10518], $0x1;
	[tilespmem:$0x108] =	vst @!p2 v1  }
0x8c: {  	v1 =	vld @!p2 [tilespmem:s2+$0x10708];
	_ =	sdelay $0x4  }
0x8d: {  	[tilespmem:$0x118] =	vst @!p2 v1  }
0x8e: {  	v1 =	vld @!p2 [tilespmem:s2+$0x10718];
	_ =	sdelay $0x4  }
0x8f: {  	[tilespmem:$0x128] =	vst @!p2 v1  }
0x90: {  	v1 =	vld @!p2 [tilespmem:s2+$0x10728];
	_ =	sdelay $0x4  }
0x91: {  	[tilespmem:$0x138] =	vst @!p2 v1  }
0x92: {  	v1 =	vld @!p2 [tilespmem:s2+$0x10738];
	_ =	sdelay $0x4  }
0x93: {  	[tilespmem:$0x148] =	vst @!p2 v1  }
0x94: {  	(v2sf) =	vpush @!p2 v2, $0x0;
	v1 =	vld @!p2 [tilespmem:s2+$0x10748];
	_ =	sdelay $0x4  }
0x95: {  	[tilespmem:$0x158] =	vst @!p2 v1  }
0x96: {  	v1 =	vld @!p2 [tilespmem:s2+$0x10758];
	_ =	sdelay $0x4  }
0x97: {  	[tilespmem:$0x168] =	vst @!p2 v1  }
0x98: {  	v1 =	vld @!p2 [tilespmem:s2+$0x10768]  }
.Ltmp7:
0x99: {  	_ = 	snop;
	(pc) =	sbr.rel @p1 .LBB2_19-.Ltmp7, $4  }
0x9a: {  	_ = 	snop  }
0x9b: {  	s29 =	spop @!p2 (v2sf)  }
0x9c: {  	s22 =	simm.s32 @!p2 $0x0;
	s24 =	smov.u32 s29  }
0x9d: {  	s29 =	smov.u32 @p2 s28;
	s24 =	smov.u32 @p2 s30;
	[tilespmem:$0x178] =	vst @!p2 v1;
	[sflag:s18] =	ssyncpa.u1 $0x0  }
0x9e: {  	v1 =	vld.msk [tilespmem:s23+$0x0], $0x1;
	_ =	sdelay $0x4  }
0x9f: {  	(v2sf) =	vpush v1, $0x0;
	_ =	sdelay $0xe  }
0xa0: {  	s2 =	smul.u32 $0x1E000, s25;
	s0 =	spop (v2sf)  }
0xa1: {  	s26 =	ssub.s32 $0x0, s26;
	p1 =	seq.s32 s29, s0  }
0xa2: {  	s30 =	sadd.s32 $0x1, s26;
	s2 =	sshrl.u32 s2, $0x2;
	p2 =	sgt.s32 @!p1 s29, $0x0  }
0xa3: {  	s25 =	sor.u32 $0x10738, s2;
	s2 =	smov.u32 s29;
	p2 =	por !p2, p1  }
0xa4: {  	s2 =	simm.s32 @p2 $0x0;
	p2 =	seq.s32 s30, $0x0  }
.Ltmp8:
0xa5: {  	_ = 	snop;
	(pc) =	sbr.rel @p2 .LBB2_11-.Ltmp8, $4  }
0xa6: {  	_ = 	snop  }
0xa7: {  	s28 =	simm.s32 $0x0;
	s31 =	sadd.s32 $0x1, s23;
	s2 =	smin.u32 @!p1 s2, $0x270F0  }
0xa8: {  	s4 =	simm.s32 @!p1 $0x1;
	s5 =	simm.s32 @!p1 $0x7988;
	s3 =	sand.u32 @!p1 $0x3FFF8, s2  }
0xa9: {  	s4 =	smov.u32 @p1 s28;
	s2 =	sand.u32 @!p1 $0x7, s2;
	s3 =	sadd.s32 @!p1 s1, s3  }
.LBB2_10:
0xaa: {  	s9 =	smov.u32 s4  }
0xab: {  	[tilespmem:s5], [sflag:$0x2] =	stream.linear.gather @!p1 [hbm4b:s3+s2], $0x80, $0x38;
	[tilespmem:$0x1F6F8] =	vst v63  }
0xac: {  	s30 =	sadd.s32 $0x1, s30;
	s2 =	smov.u32 s0;
	v1 =	vld.msk [tilespmem:s31+$0x0], $0x1  }
0xad: {  	p2 =	seq.s32 s30, $0x0;
	_ =	sdelay $0x3  }
0xae: {  	(v2sf) =	vpush v1, $0x0;
	_ =	sdelay $0xe  }
0xaf: {  	s0 =	spop (v2sf)  }
0xb0: {  	p1 =	seq.s32 s2, s0  }
0xb1: {  	p3 =	sgt.s32 @!p1 s2, $0x0;
	s3 =	sshll.u32 @!p1 s4, $0x9;
	s4 =	sadd.s32 @!p1 $0x1, s4  }
.Ltmp9:
0xb2: {  	p3 =	por !p3, p1;
	s3 =	sshra.s32 @!p1 s3, $0x2;
	(pc) =	sbr.rel @!p2 .LBB2_10-.Ltmp9, $4  }
0xb3: {  	s4 =	smov.u32 @p1 s9;
	s2 =	simm.s32 @p3 $0x0;
	s5 =	sadd.s32 @!p1 $0x7988, s3  }
0xb4: {  	s2 =	smin.u32 @!p1 s2, $0x270F0  }
0xb5: {  	s3 =	sand.u32 @!p1 $0x3FFF8, s2;
	s2 =	sand.u32 @!p1 $0x7, s2  }
0xb6: {  	s31 =	sadd.s32 $0x1, s31;
	s3 =	sadd.s32 @!p1 s1, s3  }
.LBB2_11:
0xb7: {  	[tilespmem:s5], [sflag:$0x2] =	stream.linear.gather @!p1 [hbm4b:s3+s2], $0x80, $0x38;
	[tilespmem:$0x1F6F8] =	vst v63  }
.Ltmp10:
0xb8: {  	s0 =	sshll.u32 s4, $0x7;
	(pc) =	sbr.rel .LBB2_12-.Ltmp10, $4  }
0xb9: {  	s30 =	simm.s32 $0x2;
	s0 =	sand.u32 $0x3FFFFF80, s0  }
0xba: {  	_ =	swait.ge [sflag:s30], s0  }
0xbb: {  	s0 =	ssub.s32 $0x0, s0;
	[sflag:s30] =	ssyncset.done $0x0  }
0xbc: {  	s31 =	simm.s32 $0x0;
	[sflag:s30] =	ssyncadd.s32 s0  }
.LBB2_13:
0xbd: {  	s0 =	sshra.s32 s0, $0x2;
	v1 =	vld [tilespmem:s25+$0xFFFFFFC0]  }
0xbe: {  	v2 =	vld [tilespmem:s0+$0x108];
	_ =	sdelay $0x4  }
0xbf: {  	v1 =	vmax.f32 v1, v2  }
0xc0: {  	v2 =	vld [tilespmem:s0+$0x118];
	[tilespmem:s0+$0x108] =	vst v1  }
0xc1: {  	v1 =	vld [tilespmem:s25+$0xFFFFFFD0];
	_ =	sdelay $0x4  }
0xc2: {  	v1 =	vmax.f32 v1, v2  }
0xc3: {  	v2 =	vld [tilespmem:s0+$0x128];
	[tilespmem:s0+$0x118] =	vst v1  }
0xc4: {  	v1 =	vld [tilespmem:s25+$0xFFFFFFE0];
	_ =	sdelay $0x4  }
0xc5: {  	v1 =	vmax.f32 v1, v2  }
0xc6: {  	v2 =	vld [tilespmem:s0+$0x138];
	[tilespmem:s0+$0x128] =	vst v1  }
0xc7: {  	v1 =	vld [tilespmem:s25+$0xFFFFFFF0];
	_ =	sdelay $0x4  }
0xc8: {  	v1 =	vmax.f32 v1, v2  }
0xc9: {  	v2 =	vld [tilespmem:s0+$0x148];
	[tilespmem:s0+$0x138] =	vst v1  }
0xca: {  	v1 =	vld [tilespmem:s25+$0x0];
	_ =	sdelay $0x4  }
0xcb: {  	v1 =	vmax.f32 v1, v2  }
0xcc: {  	v2 =	vld [tilespmem:s0+$0x158];
	[tilespmem:s0+$0x148] =	vst v1  }
0xcd: {  	v1 =	vld [tilespmem:s25+$0x10];
	_ =	sdelay $0x4  }
0xce: {  	v1 =	vmax.f32 v1, v2  }
0xcf: {  	v2 =	vld [tilespmem:s0+$0x168];
	[tilespmem:s0+$0x158] =	vst v1  }
0xd0: {  	v1 =	vld [tilespmem:s25+$0x20];
	_ =	sdelay $0x4  }
0xd1: {  	v1 =	vmax.f32 v1, v2  }
0xd2: {  	v2 =	vld [tilespmem:s0+$0x178];
	[tilespmem:s0+$0x168] =	vst v1  }
0xd3: {  	v1 =	vld [tilespmem:s25+$0x30];
	_ =	sdelay $0x4  }
0xd4: {  	v1 =	vmax.f32 v1, v2  }
0xd5: {  	[tilespmem:s0+$0x178] =	vst v1  }
.LBB2_17:
0xd6: {  	s26 =	sadd.s32 $0x1, s26  }
0xd7: {  	p1 =	seq.s32 s26, $0x0  }
.Ltmp11:
0xd8: {  	_ = 	snop;
	(pc) =	sbr.rel @p1 .LBB2_18-.Ltmp11, $2  }
0xd9: {  	_ =	sdelay $0x2  }
0xda: {  	s23 =	sadd.s32 $0x1, s23;
	s25 =	sadd.s32 $0x80, s25;
	s29 =	smov.u32 s30  }
.LBB2_12:
0xdb: {  	v1 =	vld.msk [tilespmem:s23+$0x0], $0x1;
	_ =	sdelay $0x4  }
0xdc: {  	(v2sf) =	vpush v1, $0x0;
	_ =	sdelay $0xe  }
0xdd: {  	s30 =	spop (v2sf)  }
0xde: {  	p1 =	sne.s32 s29, s30  }
.Ltmp12:
0xdf: {  	_ = 	snop;
	(pc) =	sbr.rel @!p1 .LBB2_13-.Ltmp12, $2  }
0xe0: {  	_ =	sdelay $0x2  }
0xe1: {  	s0 =	sshll.u32 s22, $0x9  }
0xe2: {  	p1 =	seq.s32 s29, s24  }
.Ltmp13:
0xe3: {  	_ = 	snop;
	(pc) =	sbr.rel @!p1 .LBB2_15-.Ltmp13, $1  }
0xe4: {  	_ =	sdelay $0x3  }
0xe5: {  	s0 =	sshra.s32 s0, $0x2  }
.Ltmp14:
0xe6: {  	s0 =	sadd.s32 $0x108, s0;
	(pc) =	sbr.rel .LBB2_16-.Ltmp14, $4  }
0xe7: {  	[spmem:s16] =	stream.linear.scatter [tilespmem:s0], [sflag:$0x1], $0x80, $0x38;
	[tilespmem:$0x1F6F8] =	vst v63  }
0xe8: {  	_ =	swait.ge [sflag:s12], $0x80  }
0xe9: {  	[sflag:s12] =	ssyncset.done $0x0  }
0xea: {  	[sflag:s12] =	ssyncadd.s32 $0xFFFFFF80  }
.LBB2_15:
0xeb: {  	s2 =	sshll.u32 s28, $0x9;
	s0 =	sshra.s32 s0, $0x2  }
0xec: {  	s2 =	sshra.s32 s2, $0x2;
	v2 =	vld [tilespmem:s0+$0x108]  }
0xed: {  	v1 =	vld [tilespmem:s2+$0x7988];
	_ =	sdelay $0x4  }
0xee: {  	v1 =	vmax.f32 v1, v2  }
0xef: {  	v2 =	vld [tilespmem:s0+$0x118];
	[tilespmem:s0+$0x108] =	vst v1  }
0xf0: {  	v1 =	vld [tilespmem:s2+$0x7998];
	_ =	sdelay $0x4  }
0xf1: {  	v1 =	vmax.f32 v1, v2  }
0xf2: {  	v2 =	vld [tilespmem:s0+$0x128];
	[tilespmem:s0+$0x118] =	vst v1  }
0xf3: {  	v1 =	vld [tilespmem:s2+$0x79A8];
	_ =	sdelay $0x4  }
0xf4: {  	v1 =	vmax.f32 v1, v2  }
0xf5: {  	v2 =	vld [tilespmem:s0+$0x138];
	[tilespmem:s0+$0x128] =	vst v1  }
0xf6: {  	v1 =	vld [tilespmem:s2+$0x79B8];
	_ =	sdelay $0x4  }
0xf7: {  	v1 =	vmax.f32 v1, v2  }
0xf8: {  	v2 =	vld [tilespmem:s0+$0x148];
	[tilespmem:s0+$0x138] =	vst v1  }
0xf9: {  	v1 =	vld [tilespmem:s2+$0x79C8];
	_ =	sdelay $0x4  }
0xfa: {  	v1 =	vmax.f32 v1, v2  }
0xfb: {  	v2 =	vld [tilespmem:s0+$0x158];
	[tilespmem:s0+$0x148] =	vst v1  }
0xfc: {  	v1 =	vld [tilespmem:s2+$0x79D8];
	_ =	sdelay $0x4  }
0xfd: {  	v1 =	vmax.f32 v1, v2  }
0xfe: {  	v2 =	vld [tilespmem:s0+$0x168];
	[tilespmem:s0+$0x158] =	vst v1  }
0xff: {  	v1 =	vld [tilespmem:s2+$0x79E8];
	_ =	sdelay $0x4  }
0x100: {  	v1 =	vmax.f32 v1, v2  }
0x101: {  	v2 =	vld [tilespmem:s0+$0x178];
	[tilespmem:s0+$0x168] =	vst v1  }
0x102: {  	v1 =	vld [tilespmem:s2+$0x79F8];
	_ =	sdelay $0x3  }
0x103: {  	p1 =	sgt.u32 s29, $0x270F0  }
0x104: {  	s2 =	sand.u32 @!p1 $0x3FFF8, s29;
	v1 =	vmax.f32 v1, v2  }
0x105: {  	s3 =	sadd.s32 $0x108, s0;
	[tilespmem:s0+$0x178] =	vst v1;
	s0 =	sadd.s32 @!p1 s1, s2;
	s2 =	sand.u32 @!p1 $0x7, s29  }
0x106: {  	[hbm4b:s0+s2] =	stream.linear.scatter @!p1 [tilespmem:s3], [sflag:$0xC], $0x80, $0x38;
	[tilespmem:$0x1F6F8] =	vst v63  }
0x107: {  	s0 =	simm.s32 $0x0  }
0x108: {  	s0 =	simm.s32 @!p1 $0x200  }
0x109: {  	s31 =	sadd.s32 s0, s31  }
.LBB2_16:
0x10a: {  	s0 =	sadd.s32 $0x1, s22  }
0x10b: {  	s2 =	smulhi.u32 $0x88888889, s0;
	_ =	sdelay $0x1  }
0x10c: {  	v1 =	vld [tilespmem:s25+$0xFFFFFFC0];
	s2 =	sshrl.u32 s2, $0x7  }
0x10d: {  	s2 =	smul.u32 $0xF0, s2;
	_ =	sdelay $0x1  }
0x10e: {  	s22 =	ssub.s32 s0, s2  }
0x10f: {  	s0 =	sshll.u32 s22, $0x7  }
0x110: {  	[tilespmem:s0+$0x108] =	vst v1  }
0x111: {  	v1 =	vld [tilespmem:s25+$0xFFFFFFD0];
	_ =	sdelay $0x4  }
0x112: {  	[tilespmem:s0+$0x118] =	vst v1  }
0x113: {  	v1 =	vld [tilespmem:s25+$0xFFFFFFE0];
	_ =	sdelay $0x4  }
0x114: {  	[tilespmem:s0+$0x128] =	vst v1  }
0x115: {  	v1 =	vld [tilespmem:s25+$0xFFFFFFF0];
	_ =	sdelay $0x4  }
0x116: {  	[tilespmem:s0+$0x138] =	vst v1  }
0x117: {  	v1 =	vld [tilespmem:s25+$0x0];
	_ =	sdelay $0x4  }
0x118: {  	[tilespmem:s0+$0x148] =	vst v1  }
0x119: {  	v1 =	vld [tilespmem:s25+$0x10];
	_ =	sdelay $0x4  }
0x11a: {  	[tilespmem:s0+$0x158] =	vst v1  }
0x11b: {  	v1 =	vld [tilespmem:s25+$0x20];
	_ =	sdelay $0x4  }
0x11c: {  	[tilespmem:s0+$0x168] =	vst v1  }
0x11d: {  	v1 =	vld [tilespmem:s25+$0x30]  }
.Ltmp15:
0x11e: {  	_ = 	snop;
	(pc) =	sbr.rel .LBB2_17-.Ltmp15, $2  }
0x11f: {  	_ =	sdelay $0x2  }
0x120: {  	s28 =	sadd.s32 $0x1, s28;
	[tilespmem:s0+$0x178] =	vst v1  }
.LBB2_19:
.Ltmp16:
0x121: {  	(pc) =	sbr.rel .LBB2_20-.Ltmp16, $4  }
0x122: {  	_ = 	snop  }
0x123: {  	s0 =	simm.s32 $0x2  }
0x124: {  	_ =	swait.ge [sflag:s0], $0x0  }
0x125: {  	s30 =	smov.u32 s29;
	[sflag:s0] =	ssyncset.done $0x0;
	s0 =	simm.s32 $0x0  }
.LBB2_22:
0x126: {  	_ =	sfence.sel $0x180000  }
0x127: {  	s0 =	simm.s32 $0x9;
	[bflag:$0x0] =	sbarrier.arrive $0xFFFF  }
0x128: {  	s24 =	simm.s32 $0xA;
	[sflag:s0] =	ssyncpa.u1 $0x1  }
0x129: {  	s25 =	simm.s32 $0xB;
	[sflag:s24] =	ssyncpa.u1 $0x1  }
0x12a: {  	s26 =	simm.s32 $0x2;
	[sflag:s25] =	ssyncpa.u1 $0x1  }
0x12b: {  	[sflag:s26] =	ssyncpa.u1 $0x1  }
0x12c: {  	v0 =	vld [tilespmem:$0xF208];
	_ =	sdelay $0x4  }
0x12d: {  	(v2sf) =	vpush v0, $0x0  }
0x12e: {  	(v2sf) =	vpush v0, $0x1;
	_ =	sdelay $0x1  }
0x12f: {  	(v2sf) =	vpush v0, $0x2;
	_ =	sdelay $0xb  }
0x130: {  	s0 =	spop (v2sf)  }
0x131: {  	s2 =	spop (v2sf)  }
0x132: {  	s3 =	smov.u32 s0;
	p0 =	sne.s32 s0, s2  }
0x133: {  	s4 =	spop (v2sf);
	s3 =	simm.s32 @!p0 $0xFFFFFFFF  }
0x134: {  	v2 =	vimm.s32 $0x1;
	v3 =	vlaneseq.u32;
	p0 =	seq.s32 s4, $0xFFFFFFFF;
	v1 =	vmov s3  }
0x135: {  	s16 =	stileid.u32;
	v0 =	vperm.xlane v0, v2;
	p1 =	sne.s32 @!p0 s0, s2;
	v1 =	vperm.xlane v1, v3  }
0x136: {  	vm0 =	vcmask $0x3F04;
	s6 =	simm.s32 $0xF208;
	s0 =	simm.s32 @!p0 $0x1;
	p1 =	por !p1, p0  }
0x137: {  	s3 =	sshll.u32 s16, $0x1;
	s2 =	sshll.u32 @!p0 s4, $0x9;
	s0 =	simm.s32 @p1 $0x0;
	v0 =	vsel vm0, v1, v0  }
0x138: {  	s5 =	sor.u32 $0x1000, s3;
	s2 =	sshra.s32 @!p0 s2, $0x2;
	s0 =	sor.u32 @!p0 s0, s3;
	[tilespmem:$0xF208] =	vst v0  }
0x139: {  	[spmem:s5] =	stream.linear.scatter [tilespmem:s6], [sflag:$0x1], $0x2, $0x38;
	[tilespmem:$0x1F6F8] =	vst v63  }
0x13a: {  	s2 =	sadd.s32 @!p0 $0x108, s2;
	s0 =	sshll.u32 @!p0 s0, $0x7  }
0x13b: {  	[spmem:s0] =	stream.linear.scatter @!p0 [tilespmem:s2], [sflag:$0x1], $0x80, $0x38;
	[tilespmem:$0x1F6F8] =	vst v63  }
0x13c: {  	s0 =	simm.s32 @!p0 $0x82  }
0x13d: {  	s28 =	simm.s32 $0x1;
	s0 =	simm.s32 @p0 $0x2  }
0x13e: {  	_ =	swait.ge [sflag:s28], s0  }
0x13f: {  	s0 =	ssub.s32 $0x0, s0;
	[sflag:s28] =	ssyncset.done $0x0  }
0x140: {  	p0 =	sne.s32 s16, $0x0;
	[sflag:s28] =	ssyncadd.s32 s0  }
.Ltmp17:
0x141: {  	_ =	sfence.stream.spmem;
	(pc) =	sbr.rel @p0 .LBB2_39-.Ltmp17, $4  }
0x142: {  	s29 =	simm.s32 $0x3;
	[bflag:$0x0] =	sbarrier.arrive $0xFFFF  }
0x143: {  	s30 =	simm.s32 $0x4;
	[sflag:s29] =	ssyncpa.u1 $0x1  }
0x144: {  	s31 =	simm.s32 $0x3C;
	[sflag:s30] =	ssyncpa.u1 $0x1  }
0x145: {  	s15 =	rddreg [dreg:$0x5];
	[sflag:s31] =	ssyncpa.u1 $0x1  }
0x146: {  	_ =	sfence.stream.spmem;
	s0 =	simm.s32 $0x5  }
0x147: {  	s2 =	simm.s32 $0x1000;
	s3 =	simm.s32 $0xF218;
	[sflag:s0] =	ssyncpa.u1 $0x0  }
0x148: {  	[tilespmem:s3], [sflag:$0x5] =	stream.linear.gather [spmem:s2], $0x20, $0x38;
	[tilespmem:$0x1F6F8] =	vst v63  }
0x149: {  	s26 =	simm.s32 $0x0;
	s28 =	simm.s32 $0xF238  }
0x14a: {  	[tilespmem:s28], [sflag:$0x5] =	stream.linear.gather [spmem:s26], $0x1000, $0x38;
	[tilespmem:$0x1F6F8] =	vst v63  }
0x14b: {  	_ =	swait.ge [sflag:s0], $0x1020  }
0x14c: {  	[sflag:s0] =	ssyncset.done $0x0  }
0x14d: {  	s29 =	simm.s32 $0x0;
	[sflag:s0] =	ssyncadd.s32 $0xFFFFEFE0  }
0x14e: {  	v0 =	vld.msk [tilespmem:s29+$0xF218], $0x1;
	_ =	sdelay $0x1  }
0x14f: {  	s30 =	simm.s32 $0x1  }
0x150: {  	v1 =	vld.msk [tilespmem:s30+$0xF218], $0x1;
	_ =	sdelay $0x1  }
0x151: {  	(v2sf) =	vpush v0, $0x0;
	_ =	sdelay $0x2  }
0x152: {  	(v2sf) =	vpush v1, $0x0;
	_ =	sdelay $0x2  }
0x153: {  	s31 =	simm.s32 $0x2  }
0x154: {  	v0 =	vld.msk [tilespmem:s31+$0xF218], $0x1;
	_ =	sdelay $0x2  }
0x155: {  	s4 =	simm.s32 $0xFFFFFFFF;
	s5 =	simm.s32 $0xFFFFFFFF;
	s0 =	simm.s32 $0xC  }
.LBB2_24:
0x156: {  	s2 =	smov.u32 s5;
	s3 =	smov.u32 s4  }
0x157: {  	s4 =	sshra.s32 s0, $0x2;
	p1 =	sne.s32 s0, $0x7C;
	s0 =	sadd.s32 $0x4, s0;
	(v2sf) =	vpush v0, $0x0  }
0x158: {  	v0 =	vld.msk [tilespmem:s4+$0xF218], $0x1  }
.Ltmp18:
0x159: {  	(pc) =	sbr.rel @p1 .LBB2_24-.Ltmp18, $4  }
0x15a: {  	s5 =	spop (v2sf)  }
0x15b: {  	p2 =	sne.s32 s3, $0xFFFFFFFF;
	s4 =	smov.u32 s5  }
0x15c: {  	p3 =	seq.s32 s5, $0xFFFFFFFF;
	s4 =	smov.u32 @p2 s3  }
0x15d: {  	s5 =	smov.u32 @p3 s2;
	s4 =	smov.u32 @p3 s3  }
0x15e: {  	(v2sf) =	vpush v0, $0x0;
	_ =	sdelay $0x8  }
0x15f: {  	s0 =	spop (v2sf)  }
0x160: {  	p1 =	sne.s32 s4, $0xFFFFFFFF;
	s2 =	smov.u32 s0  }
0x161: {  	s9 =	simm.s32 $0x6;
	p2 =	seq.s32 s0, $0xFFFFFFFF;
	s2 =	smov.u32 @p1 s4  }
0x162: {  	s6 =	simm.s32 $0x0;
	s2 =	smov.u32 @p2 s4;
	s3 =	spop (v2sf)  }
0x163: {  	s0 =	smov.u32 @p2 s5;
	p1 =	sne.s32 s2, $0xFFFFFFFF;
	s4 =	smov.u32 s3  }
.Ltmp19:
0x164: {  	p2 =	seq.s32 s3, $0xFFFFFFFF;
	s4 =	smov.u32 @p1 s2;
	(pc) =	sbr.rel .LBB2_26-.Ltmp19, $4  }
0x165: {  	s10 =	simm.s32 $0xF188;
	s4 =	smov.u32 @p2 s2;
	s7 =	spop (v2sf)  }
0x166: {  	s11 =	simm.s32 $0x0;
	p1 =	sne.s32 s4, $0xFFFFFFFF;
	s8 =	smov.u32 s7  }
0x167: {  	s3 =	smov.u32 @p2 s0;
	p2 =	seq.s32 s7, $0xFFFFFFFF;
	s8 =	smov.u32 @p1 s4  }
0x168: {  	[sflag:s9] =	ssyncpa.u1 $0x0;
	s7 =	smov.u32 @p2 s3;
	s8 =	smov.u32 @p2 s4  }
.LBB2_32:
0x169: {  	p1 =	sgt.u32 s12, $0x270F0  }
0x16a: {  	p2 =	seq.s32 @!p1 s12, s8  }
0x16b: {  	p1 =	por p1, p2  }
0x16c: {  	p2 =	sne.s32 @!p1 s12, s7  }
0x16d: {  	p1 =	por p1, !p2  }
0x16e: {  	s0 =	sshll.u32 @p1 s11, $0x9  }
0x16f: {  	s0 =	sand.u32 @!p1 $0x3FFF8, s12  }
0x170: {  	s2 =	sand.u32 @!p1 $0x7, s12;
	s0 =	sadd.s32 @!p1 s1, s0  }
0x171: {  	[tilespmem:s10], [sflag:$0x6] =	stream.linear.gather @!p1 [hbm4b:s0+s2], $0x80, $0x38;
	[tilespmem:$0x1F6F8] =	vst v63  }
0x172: {  	_ =	swait.ge @!p1 [sflag:s9], $0x80  }
0x173: {  	[sflag:s9] =	ssyncset.done @!p1 $0x0  }
0x174: {  	s0 =	sshll.u32 @!p1 s11, $0x9;
	[sflag:s9] =	ssyncadd.s32 @!p1 $0xFFFFFF80  }
0x175: {  	s2 =	sshrl.u32 @!p1 s0, $0x2;
	v1 =	vld @!p1 [tilespmem:$0xF188]  }
0x176: {  	v2 =	vld @!p1 [tilespmem:s2+$0xF238];
	_ =	sdelay $0x4  }
0x177: {  	v1 =	vmax.f32 @!p1 v1, v2  }
0x178: {  	v2 =	vld @!p1 [tilespmem:s2+$0xF248];
	[tilespmem:s2+$0xF238] =	vst @!p1 v1  }
0x179: {  	v1 =	vld @!p1 [tilespmem:$0xF198];
	_ =	sdelay $0x4  }
0x17a: {  	v1 =	vmax.f32 @!p1 v1, v2  }
0x17b: {  	v2 =	vld @!p1 [tilespmem:s2+$0xF258];
	[tilespmem:s2+$0xF248] =	vst @!p1 v1  }
0x17c: {  	v1 =	vld @!p1 [tilespmem:$0xF1A8];
	_ =	sdelay $0x4  }
0x17d: {  	v1 =	vmax.f32 @!p1 v1, v2  }
0x17e: {  	v2 =	vld @!p1 [tilespmem:s2+$0xF268];
	[tilespmem:s2+$0xF258] =	vst @!p1 v1  }
0x17f: {  	v1 =	vld @!p1 [tilespmem:$0xF1B8];
	_ =	sdelay $0x4  }
0x180: {  	v1 =	vmax.f32 @!p1 v1, v2  }
0x181: {  	v2 =	vld @!p1 [tilespmem:s2+$0xF278];
	[tilespmem:s2+$0xF268] =	vst @!p1 v1  }
0x182: {  	v1 =	vld @!p1 [tilespmem:$0xF1C8];
	_ =	sdelay $0x4  }
0x183: {  	v1 =	vmax.f32 @!p1 v1, v2  }
0x184: {  	v2 =	vld @!p1 [tilespmem:s2+$0xF288];
	[tilespmem:s2+$0xF278] =	vst @!p1 v1  }
0x185: {  	v1 =	vld @!p1 [tilespmem:$0xF1D8];
	_ =	sdelay $0x4  }
0x186: {  	v1 =	vmax.f32 @!p1 v1, v2  }
0x187: {  	v2 =	vld @!p1 [tilespmem:s2+$0xF298];
	[tilespmem:s2+$0xF288] =	vst @!p1 v1  }
0x188: {  	v1 =	vld @!p1 [tilespmem:$0xF1E8];
	_ =	sdelay $0x4  }
0x189: {  	v1 =	vmax.f32 @!p1 v1, v2  }
0x18a: {  	v2 =	vld @!p1 [tilespmem:s2+$0xF2A8];
	[tilespmem:s2+$0xF298] =	vst @!p1 v1  }
0x18b: {  	v1 =	vld @!p1 [tilespmem:$0xF1F8];
	_ =	sdelay $0x4  }
0x18c: {  	v1 =	vmax.f32 @!p1 v1, v2  }
0x18d: {  	[tilespmem:s2+$0xF2A8] =	vst @!p1 v1  }
0x18e: {  	s0 =	sshrl.u32 s0, $0x2;
	[tilespmem:s6+$0xF218] =	vst.msk $0x1, v0  }
0x18f: {  	v0 =	vld [tilespmem:s0+$0xF238];
	_ =	sdelay $0x2  }
0x190: {  	s31 =	sshll.u32 s6, $0x9  }
0x191: {  	s2 =	sshra.s32 s31, $0x2  }
0x192: {  	[tilespmem:s2+$0xF238] =	vst v0  }
0x193: {  	v0 =	vld [tilespmem:s0+$0xF248];
	_ =	sdelay $0x4  }
0x194: {  	[tilespmem:s2+$0xF248] =	vst v0  }
0x195: {  	v0 =	vld [tilespmem:s0+$0xF258];
	_ =	sdelay $0x4  }
0x196: {  	[tilespmem:s2+$0xF258] =	vst v0  }
0x197: {  	v0 =	vld [tilespmem:s0+$0xF268];
	_ =	sdelay $0x4  }
0x198: {  	[tilespmem:s2+$0xF268] =	vst v0  }
0x199: {  	v0 =	vld [tilespmem:s0+$0xF278];
	_ =	sdelay $0x4  }
0x19a: {  	[tilespmem:s2+$0xF278] =	vst v0  }
0x19b: {  	v0 =	vld [tilespmem:s0+$0xF288];
	_ =	sdelay $0x4  }
0x19c: {  	[tilespmem:s2+$0xF288] =	vst v0  }
0x19d: {  	v0 =	vld [tilespmem:s0+$0xF298];
	_ =	sdelay $0x4  }
0x19e: {  	[tilespmem:s2+$0xF298] =	vst v0  }
0x19f: {  	v0 =	vld [tilespmem:s0+$0xF2A8];
	_ =	sdelay $0x4  }
0x1a0: {  	s6 =	sadd.s32 $0x1, s6;
	[tilespmem:s2+$0xF2A8] =	vst v0  }
.LBB2_33:
0x1a1: {  	s11 =	sadd.s32 $0x1, s11  }
0x1a2: {  	p1 =	sne.s32 s11, $0x20  }
.Ltmp20:
0x1a3: {  	_ = 	snop;
	(pc) =	sbr.rel @!p1 .LBB2_34-.Ltmp20, $1  }
0x1a4: {  	_ =	sdelay $0x3  }
.LBB2_26:
0x1a5: {  	v0 =	vld.msk [tilespmem:s11+$0xF218], $0x1;
	_ =	sdelay $0x4  }
0x1a6: {  	(v2sf) =	vpush v0, $0x0;
	_ =	sdelay $0xe  }
0x1a7: {  	s12 =	spop (v2sf)  }
0x1a8: {  	p1 =	seq.s32 s12, $0xFFFFFFFF  }
.Ltmp21:
0x1a9: {  	_ = 	snop;
	(pc) =	sbr.rel @p1 .LBB2_33-.Ltmp21, $1  }
0x1aa: {  	_ =	sdelay $0x3  }
0x1ab: {  	p1 =	slt.s32 s6, $0x1  }
.Ltmp22:
0x1ac: {  	_ = 	snop;
	(pc) =	sbr.rel @p1 .LBB2_32-.Ltmp22, $1  }
0x1ad: {  	_ =	sdelay $0x3  }
0x1ae: {  	s13 =	simm.s32 $0xF218;
	p1 =	por $0x0, $0x0  }
0x1af: {  	v1 =	vld.msk @!p1 [tilespmem:s13+$0x0], $0x1;
	_ =	sdelay $0x4  }
0x1b0: {  	(v2sf) =	vpush @!p1 v1, $0x0;
	_ =	sdelay $0xd  }
0x1b1: {  	p3 =	sne.s32 s6, $0x1  }
.Ltmp23:
0x1b2: {  	s0 =	spop @!p1 (v2sf);
	(pc) =	sbr.rel @!p3 .LBB2_30-.Ltmp23, $4  }
0x1b3: {  	p2 =	seq.s32 @!p1 s12, s0  }
0x1b4: {  	s14 =	simm.s32 $0x0;
	p2 =	por !p2, p1  }
0x1b5: {  	s2 =	simm.s32 $0xFFFFFFFF;
	s14 =	simm.s32 @p2 $0xFFFFFFFF  }
0x1b6: {  	s0 =	simm.s32 $0x1;
	s14 =	smov.u32 @p1 s2  }
.LBB2_29:
0x1b7: {  	s2 =	smov.u32 s14;
	p1 =	sne.s32 s14, $0xFFFFFFFF  }
0x1b8: {  	s13 =	sadd.s32 $0x1, s13;
	s14 =	smov.u32 s0;
	s0 =	sadd.s32 $0x1, s0  }
0x1b9: {  	p2 =	sne.s32 s6, s0;
	v1 =	vld.msk @!p1 [tilespmem:s13+$0x0], $0x1;
	_ =	sdelay $0x4  }
0x1ba: {  	(v2sf) =	vpush @!p1 v1, $0x0;
	_ =	sdelay $0xe  }
.Ltmp24:
0x1bb: {  	s3 =	spop @!p1 (v2sf);
	(pc) =	sbr.rel @p2 .LBB2_29-.Ltmp24, $4  }
0x1bc: {  	p3 =	seq.s32 @!p1 s12, s3  }
0x1bd: {  	p3 =	por !p3, p1  }
0x1be: {  	s14 =	simm.s32 @p3 $0xFFFFFFFF  }
0x1bf: {  	s14 =	smov.u32 @p1 s2  }
.LBB2_30:
0x1c0: {  	p1 =	seq.s32 s14, $0xFFFFFFFF  }
.Ltmp25:
0x1c1: {  	_ = 	snop;
	(pc) =	sbr.rel @p1 .LBB2_32-.Ltmp25, $1  }
0x1c2: {  	_ =	sdelay $0x3  }
0x1c3: {  	s0 =	sshll.u32 s11, $0x7  }
0x1c4: {  	s2 =	sshll.u32 s14, $0x9;
	s0 =	sand.u32 $0x3FFFFF80, s0  }
0x1c5: {  	s2 =	sshra.s32 s2, $0x2;
	v0 =	vld [tilespmem:s0+$0xF238]  }
0x1c6: {  	v1 =	vld [tilespmem:s2+$0xF238];
	_ =	sdelay $0x4  }
0x1c7: {  	v0 =	vmax.f32 v0, v1  }
0x1c8: {  	v57 =	vld [tilespmem:s2+$0xF248];
	[tilespmem:s2+$0xF238] =	vst v0  }
0x1c9: {  	v0 =	vld [tilespmem:s0+$0xF248];
	_ =	sdelay $0x4  }
0x1ca: {  	v0 =	vmax.f32 v0, v57  }
0x1cb: {  	v58 =	vld [tilespmem:s2+$0xF258];
	[tilespmem:s2+$0xF248] =	vst v0  }
0x1cc: {  	v0 =	vld [tilespmem:s0+$0xF258];
	_ =	sdelay $0x4  }
0x1cd: {  	v0 =	vmax.f32 v0, v58  }
0x1ce: {  	v59 =	vld [tilespmem:s2+$0xF268];
	[tilespmem:s2+$0xF258] =	vst v0  }
0x1cf: {  	v0 =	vld [tilespmem:s0+$0xF268];
	_ =	sdelay $0x4  }
0x1d0: {  	v0 =	vmax.f32 v0, v59  }
0x1d1: {  	v60 =	vld [tilespmem:s2+$0xF278];
	[tilespmem:s2+$0xF268] =	vst v0  }
0x1d2: {  	v0 =	vld [tilespmem:s0+$0xF278];
	_ =	sdelay $0x4  }
0x1d3: {  	v0 =	vmax.f32 v0, v60  }
0x1d4: {  	v61 =	vld [tilespmem:s2+$0xF288];
	[tilespmem:s2+$0xF278] =	vst v0  }
0x1d5: {  	v0 =	vld [tilespmem:s0+$0xF288];
	_ =	sdelay $0x4  }
0x1d6: {  	v0 =	vmax.f32 v0, v61  }
0x1d7: {  	v62 =	vld [tilespmem:s2+$0xF298];
	[tilespmem:s2+$0xF288] =	vst v0  }
0x1d8: {  	v0 =	vld [tilespmem:s0+$0xF298];
	_ =	sdelay $0x4  }
0x1d9: {  	v0 =	vmax.f32 v0, v62  }
0x1da: {  	v63 =	vld [tilespmem:s2+$0xF2A8];
	[tilespmem:s2+$0xF298] =	vst v0  }
0x1db: {  	v0 =	vld [tilespmem:s0+$0xF2A8];
	_ =	sdelay $0x1  }
.Ltmp26:
0x1dc: {  	_ = 	snop;
	(pc) =	sbr.rel .LBB2_33-.Ltmp26, $3  }
0x1dd: {  	_ =	sdelay $0x1  }
0x1de: {  	v0 =	vmax.f32 v0, v63  }
0x1df: {  	[tilespmem:s2+$0xF2A8] =	vst v0  }
.LBB2_34:
0x1e0: {  	s0 =	simm.s32 $0x6;
	p1 =	seq.s32 s6, $0x0  }
0x1e1: {  	[sflag:s0] =	ssyncpa.u1 $0x1;
	v0 =	vimm.s32 @p1 $0xFFFFFFFF  }
0x1e2: {  	s9 =	sadd.s32 $0xFFFFFFFF, s6;
	[tilespmem:$0x10238] =	vst @p1 v0  }
0x1e3: {  	v0 =	vld.msk @!p1 [tilespmem:s9+$0xF218], $0x1;
	_ =	sdelay $0x1  }
0x1e4: {  	v1 =	vld.msk @!p1 [tilespmem:$0xF218], $0x1;
	_ =	sdelay $0x2  }
0x1e5: {  	p2 =	seq.s32 @!p1 s9, $0x0;
	v0 =	vbroadcast @!p1 v0, $0x0  }
0x1e6: {  	vm0 =	vmmov @!p1 $0x1;
	p2 =	por !p2, p1  }
0x1e7: {  	v1 =	vnsel @!p1 vm0, $0xFFFFFFFF, v1;
	vm0 =	vcmask @!p1 $0x308;
	v0 =	vpsel !p2, $0xFFFFFFFF, v0  }
0x1e8: {  	p2 =	sne.s32 @!p1 s8, s7;
	v0 =	vsel @!p1 vm0, v1, v0  }
0x1e9: {  	s0 =	simm.s32 @!p1 $0xF238;
	s2 =	simm.s32 @!p1 $0x0;
	p3 =	por !p2, p1;
	[tilespmem:$0x10238] =	vst @!p1 v0  }
0x1ea: {  	[spmem:s2] =	stream.linear.scatter @!p1 [tilespmem:s0], [sflag:$0x1], $0x80, $0x38;
	[tilespmem:$0x1F6F8] =	vst v63  }
0x1eb: {  	s0 =	sshll.u32 @!p3 s9, $0x9  }
0x1ec: {  	s0 =	sshra.s32 @!p3 s0, $0x2  }
0x1ed: {  	s2 =	simm.s32 @!p3 $0x80;
	s0 =	sadd.s32 @!p3 $0xF238, s0  }
0x1ee: {  	[spmem:s2] =	stream.linear.scatter @!p3 [tilespmem:s0], [sflag:$0x1], $0x80, $0x38;
	[tilespmem:$0x1F6F8] =	vst v63  }
0x1ef: {  	s0 =	simm.s32 @!p3 $0x1  }
0x1f0: {  	_ =	swait.ge @!p3 [sflag:s0], $0x100  }
0x1f1: {  	p1 =	por p2, p1;
	[sflag:s0] =	ssyncset.done @!p3 $0x0  }
0x1f2: {  	[sflag:s0] =	ssyncadd.s32 @!p3 $0xFFFFFF00;
	s0 =	simm.s32 @!p1 $0x1  }
0x1f3: {  	_ =	swait.ge @!p1 [sflag:s0], $0x80  }
0x1f4: {  	s29 =	simm.s32 $0x10238;
	[sflag:s0] =	ssyncset.done @!p1 $0x0  }
0x1f5: {  	s30 =	simm.s32 $0x1000;
	s31 =	simm.s32 $0x1;
	[sflag:s0] =	ssyncadd.s32 @!p1 $0xFFFFFF80  }
0x1f6: {  	[spmem:s30] =	stream.linear.scatter [tilespmem:s29], [sflag:$0x1], $0x10, $0x38;
	[tilespmem:$0x1F6F8] =	vst v63  }
0x1f7: {  	_ =	swait.ge [sflag:s31], $0x10  }
0x1f8: {  	[sflag:s31] =	ssyncset.done $0x0  }
0x1f9: {  	p1 =	seq.s32 s15, $0x0;
	s8 =	rddreg [dreg:$0x2];
	[sflag:s31] =	ssyncadd.s32 $0xFFFFFFF0  }
0x1fa: {  	s2 =	sshll.u32 @p1 s8, $0xE;
	s7 =	rddreg [dreg:$0x3]  }
0x1fb: {  	s0 =	sadd.s32 @p1 $0x15C3C, s2;
	s2 =	sshll.u32 @p1 s7, $0x11  }
0x1fc: {  	_ =	sfence.stream.spmem;
	s0 =	sor.u32 @p1 s2, s0  }
0x1fd: {  	[sflag:s0] =	ssyncadd.remote.s32 @p1 $0x1;
	s0 =	simm.s32 @p1 $0x4  }
0x1fe: {  	s3 =	simm.s32 @!p1 $0x3C;
	s2 =	sand.u32 $0xFFFFFFFE, s8;
	_ =	swait.ge @p1 [sflag:s0], $0x22  }
0x1ff: {  	s4 =	simm.s32 @!p1 $0x0;
	s2 =	sadd.s32 @!p1 $0x4, s2;
	[sflag:s0] =	ssyncset.done @p1 $0x0  }
0x200: {  	s5 =	simm.s32 @!p1 $0x100;
	[sflag:s0] =	ssyncadd.s32 @p1 $0xFFFFFFDE;
	s0 =	sshll.u32 @!p1 s2, $0x1A  }
0x201: {  	s2 =	sshll.u32 @!p1 s2, $0xD;
	s0 =	sor.u32 @!p1 s0, s7;
	_ =	swait.eq @!p1 [sflag:s3], $0x1  }
0x202: {  	s2 =	sor.u32 @!p1 $0x1C04, s2;
	s3 =	simm.s32 @!p1 $0x1C03;
	s0 =	sor.u32 @!p1 $0x80004000, s0  }
0x203: {  	[spmem:s5], [sflag:s2] =	dma.general @!p1 [spmem:s4], [sflag:s3], length:$0x20, [dreg:$0x0], stride_count:$0x0, ici_dest:s0, dma_misc:DstOpCode:WRITE  }
0x204: {  	p2 =	slt.s32 s9, $0x2;
	s4 =	simm.s32 @!p1 $0x200;
	s5 =	simm.s32 @!p1 $0x202  }
0x205: {  	[spmem:s5], [sflag:s2] =	dma.general @!p1 [spmem:s4], [sflag:s3], length:$0x2, [dreg:$0x0], stride_count:$0x0, ici_dest:s0, dma_misc:DstOpCode:WRITE  }
.Ltmp27:
0x206: {  	s0 =	simm.s32 @!p1 $0x3;
	(pc) =	sbr.rel @p2 .LBB2_38-.Ltmp27, $4  }
0x207: {  	s2 =	sshll.u32 @!p1 s8, $0xE;
	_ =	swait.ge @!p1 [sflag:s0], $0x22  }
0x208: {  	s3 =	sshll.u32 @!p1 s7, $0x11;
	s2 =	sadd.s32 @!p1 $0x11C3C, s2;
	[sflag:s0] =	ssyncset.done @!p1 $0x0  }
0x209: {  	[sflag:s0] =	ssyncadd.s32 @!p1 $0xFFFFFFDE;
	s0 =	sor.u32 @!p1 s3, s2  }
0x20a: {  	[sflag:s0] =	ssyncadd.remote.s32 @!p1 $0xFFFFFFFF;
	s0 =	simm.s32 $0x0  }
0x20b: {  	s0 =	simm.s32 $0xF219  }
0x20c: {  	v0 =	vld.msk [tilespmem:s0+$0x0], $0x1;
	_ =	sdelay $0x4  }
0x20d: {  	(v2sf) =	vpush v0, $0x0;
	_ =	sdelay $0xb  }
0x20e: {  	s31 =	sadd.s32 $0xFFFFFFFE, s6  }
0x20f: {  	s0 =	sadd.s32 $0xFFFFFFFF, s31  }
0x210: {  	p2 =	sne.s32 s0, $0x0  }
.Ltmp28:
0x211: {  	s2 =	spop (v2sf);
	(pc) =	sbr.rel @!p2 .LBB2_37-.Ltmp28, $4  }
0x212: {  	s4 =	simm.s32 $0xF2B8;
	s7 =	simm.s32 $0x0;
	p1 =	sgt.u32 s2, $0x270F0  }
0x213: {  	s5 =	simm.s32 $0x0;
	s6 =	simm.s32 $0xF21A;
	s3 =	sand.u32 @!p1 $0x3FFF8, s2  }
0x214: {  	s2 =	sand.u32 @!p1 $0x7, s2;
	s7 =	simm.s32 @!p1 $0x200;
	s3 =	sadd.s32 @!p1 s1, s3  }
0x215: {  	[hbm4b:s3+s2] =	stream.linear.scatter @!p1 [tilespmem:s4], [sflag:$0x5], $0x80, $0x38;
	[tilespmem:$0x1F6F8] =	vst v63  }
.LBB2_36:
0x216: {  	v0 =	vld.msk [tilespmem:s6+$0x0], $0x1;
	s0 =	sadd.s32 $0xFFFFFFFF, s0;
	s5 =	sadd.s32 s5, s7  }
0x217: {  	p1 =	sne.s32 s0, $0x0;
	_ =	sdelay $0x3  }
0x218: {  	(v2sf) =	vpush v0, $0x0;
	_ =	sdelay $0xe  }
.Ltmp29:
0x219: {  	s2 =	spop (v2sf);
	(pc) =	sbr.rel @p1 .LBB2_36-.Ltmp29, $4  }
0x21a: {  	s7 =	simm.s32 $0x0;
	p2 =	sgt.u32 s2, $0x270F0  }
0x21b: {  	s4 =	sadd.s32 $0x80, s4;
	s7 =	simm.s32 @!p2 $0x200;
	s3 =	sand.u32 @!p2 $0x3FFF8, s2  }
0x21c: {  	s6 =	sadd.s32 $0x1, s6;
	s2 =	sand.u32 @!p2 $0x7, s2;
	s3 =	sadd.s32 @!p2 s1, s3  }
0x21d: {  	[hbm4b:s3+s2] =	stream.linear.scatter @!p2 [tilespmem:s4], [sflag:$0x5], $0x80, $0x38;
	[tilespmem:$0x1F6F8] =	vst v63  }
.LBB2_37:
0x21e: {  	s0 =	sadd.s32 s5, s7  }
0x21f: {  	s0 =	sshrl.u32 s0, $0x2  }
.LBB2_38:
0x220: {  	s2 =	simm.s32 $0x5  }
0x221: {  	_ =	swait.ge [sflag:s2], s0  }
0x222: {  	s31 =	ssub.s32 $0x0, s0;
	[sflag:s2] =	ssyncset.done $0x0  }
0x223: {  	[sflag:s2] =	ssyncadd.s32 s31  }
0x224: {  	[sflag:s2] =	ssyncpa.u1 $0x1  }
.LBB2_39:
0x225: {  	s0 =	sor.u32 s15, s16  }
0x226: {  	p1 =	sne.s32 s0, $0x0  }
.Ltmp30:
0x227: {  	_ = 	snop;
	(pc) =	sbr.rel @p1 .LBB2_54-.Ltmp30, $3  }
0x228: {  	_ =	sdelay $0x1  }
0x229: {  	[bflag:$0x0] =	sbarrier.arrive $0xFFFF  }
0x22a: {  	_ =	sfence  }
0x22b: {  	s0 =	simm.s32 $0x7  }
0x22c: {  	s2 =	simm.s32 $0x1000;
	s3 =	simm.s32 $0xF218;
	[sflag:s0] =	ssyncpa.u1 $0x0  }
0x22d: {  	[tilespmem:s3], [sflag:$0x7] =	stream.linear.gather [spmem:s2], $0x20, $0x38;
	[tilespmem:$0x1F6F8] =	vst v63  }
0x22e: {  	s30 =	simm.s32 $0xF238;
	s2 =	simm.s32 $0x0  }
0x22f: {  	[tilespmem:s30], [sflag:$0x7] =	stream.linear.gather [spmem:s2], $0x1000, $0x38;
	[tilespmem:$0x1F6F8] =	vst v63  }
.Ltmp31:
0x230: {  	_ = 	snop;
	(pc) =	sbr.rel .LBB2_41-.Ltmp31, $4  }
0x231: {  	_ =	swait.ge [sflag:s0], $0x1020  }
0x232: {  	[sflag:s0] =	ssyncset.done $0x0  }
0x233: {  	s31 =	simm.s32 $0x8;
	[sflag:s0] =	ssyncadd.s32 $0xFFFFEFE0  }
0x234: {  	s3 =	simm.s32 $0x0;
	[sflag:s31] =	ssyncpa.u1 $0x0  }
.LBB2_47:
0x235: {  	p1 =	slt.u32 s4, $0x270F1  }
0x236: {  	s0 =	sand.u32 @p1 $0x3FFF8, s4  }
0x237: {  	s4 =	sand.u32 @p1 $0x7, s4;
	s5 =	simm.s32 @p1 $0xF188;
	s0 =	sadd.s32 @p1 s1, s0  }
0x238: {  	[tilespmem:s5], [sflag:$0x8] =	stream.linear.gather @p1 [hbm4b:s0+s4], $0x80, $0x38;
	[tilespmem:$0x1F6F8] =	vst v63  }
0x239: {  	s0 =	simm.s32 @p1 $0x8  }
0x23a: {  	_ =	swait.ge @p1 [sflag:s0], $0x80  }
0x23b: {  	[sflag:s0] =	ssyncset.done @p1 $0x0  }
0x23c: {  	[sflag:s0] =	ssyncadd.s32 @p1 $0xFFFFFF80;
	s0 =	sshll.u32 @p1 s3, $0x9  }
0x23d: {  	s4 =	sshrl.u32 @p1 s0, $0x2;
	v1 =	vld @p1 [tilespmem:$0xF188]  }
0x23e: {  	v2 =	vld @p1 [tilespmem:s4+$0xF238];
	_ =	sdelay $0x4  }
0x23f: {  	v1 =	vmax.f32 @p1 v1, v2  }
0x240: {  	v2 =	vld @p1 [tilespmem:s4+$0xF248];
	[tilespmem:s4+$0xF238] =	vst @p1 v1  }
0x241: {  	v1 =	vld @p1 [tilespmem:$0xF198];
	_ =	sdelay $0x4  }
0x242: {  	v1 =	vmax.f32 @p1 v1, v2  }
0x243: {  	v2 =	vld @p1 [tilespmem:s4+$0xF258];
	[tilespmem:s4+$0xF248] =	vst @p1 v1  }
0x244: {  	v1 =	vld @p1 [tilespmem:$0xF1A8];
	_ =	sdelay $0x4  }
0x245: {  	v1 =	vmax.f32 @p1 v1, v2  }
0x246: {  	v2 =	vld @p1 [tilespmem:s4+$0xF268];
	[tilespmem:s4+$0xF258] =	vst @p1 v1  }
0x247: {  	v1 =	vld @p1 [tilespmem:$0xF1B8];
	_ =	sdelay $0x4  }
0x248: {  	v1 =	vmax.f32 @p1 v1, v2  }
0x249: {  	v2 =	vld @p1 [tilespmem:s4+$0xF278];
	[tilespmem:s4+$0xF268] =	vst @p1 v1  }
0x24a: {  	v1 =	vld @p1 [tilespmem:$0xF1C8];
	_ =	sdelay $0x4  }
0x24b: {  	v1 =	vmax.f32 @p1 v1, v2  }
0x24c: {  	v2 =	vld @p1 [tilespmem:s4+$0xF288];
	[tilespmem:s4+$0xF278] =	vst @p1 v1  }
0x24d: {  	v1 =	vld @p1 [tilespmem:$0xF1D8];
	_ =	sdelay $0x4  }
0x24e: {  	v1 =	vmax.f32 @p1 v1, v2  }
0x24f: {  	v2 =	vld @p1 [tilespmem:s4+$0xF298];
	[tilespmem:s4+$0xF288] =	vst @p1 v1  }
0x250: {  	v1 =	vld @p1 [tilespmem:$0xF1E8];
	_ =	sdelay $0x4  }
0x251: {  	v1 =	vmax.f32 @p1 v1, v2  }
0x252: {  	v2 =	vld @p1 [tilespmem:s4+$0xF2A8];
	[tilespmem:s4+$0xF298] =	vst @p1 v1  }
0x253: {  	v1 =	vld @p1 [tilespmem:$0xF1F8];
	_ =	sdelay $0x4  }
0x254: {  	s5 =	sshll.u32 @!p1 s3, $0x9;
	v1 =	vmax.f32 @p1 v1, v2  }
0x255: {  	s5 =	smov.u32 @p1 s0;
	[tilespmem:s4+$0xF2A8] =	vst @p1 v1  }
0x256: {  	s0 =	sshrl.u32 s5, $0x2;
	[tilespmem:s2+$0xF218] =	vst.msk $0x1, v0  }
0x257: {  	v0 =	vld [tilespmem:s0+$0xF238];
	_ =	sdelay $0x2  }
0x258: {  	s31 =	sshll.u32 s2, $0x9  }
0x259: {  	s4 =	sshra.s32 s31, $0x2  }
0x25a: {  	[tilespmem:s4+$0xF238] =	vst v0  }
0x25b: {  	v0 =	vld [tilespmem:s0+$0xF248];
	_ =	sdelay $0x4  }
0x25c: {  	[tilespmem:s4+$0xF248] =	vst v0  }
0x25d: {  	v0 =	vld [tilespmem:s0+$0xF258];
	_ =	sdelay $0x4  }
0x25e: {  	[tilespmem:s4+$0xF258] =	vst v0  }
0x25f: {  	v0 =	vld [tilespmem:s0+$0xF268];
	_ =	sdelay $0x4  }
0x260: {  	[tilespmem:s4+$0xF268] =	vst v0  }
0x261: {  	v0 =	vld [tilespmem:s0+$0xF278];
	_ =	sdelay $0x4  }
0x262: {  	[tilespmem:s4+$0xF278] =	vst v0  }
0x263: {  	v0 =	vld [tilespmem:s0+$0xF288];
	_ =	sdelay $0x4  }
0x264: {  	[tilespmem:s4+$0xF288] =	vst v0  }
0x265: {  	v0 =	vld [tilespmem:s0+$0xF298];
	_ =	sdelay $0x4  }
0x266: {  	[tilespmem:s4+$0xF298] =	vst v0  }
0x267: {  	v0 =	vld [tilespmem:s0+$0xF2A8];
	_ =	sdelay $0x4  }
0x268: {  	s2 =	sadd.s32 $0x1, s2;
	[tilespmem:s4+$0xF2A8] =	vst v0  }
.LBB2_48:
0x269: {  	s3 =	sadd.s32 $0x1, s3  }
0x26a: {  	p1 =	sne.s32 s3, $0x20  }
.Ltmp32:
0x26b: {  	_ = 	snop;
	(pc) =	sbr.rel @!p1 .LBB2_49-.Ltmp32, $1  }
0x26c: {  	_ =	sdelay $0x3  }
.LBB2_41:
0x26d: {  	v0 =	vld.msk [tilespmem:s3+$0xF218], $0x1;
	_ =	sdelay $0x4  }
0x26e: {  	(v2sf) =	vpush v0, $0x0;
	_ =	sdelay $0xe  }
0x26f: {  	s4 =	spop (v2sf)  }
0x270: {  	p1 =	seq.s32 s4, $0xFFFFFFFF  }
.Ltmp33:
0x271: {  	_ = 	snop;
	(pc) =	sbr.rel @p1 .LBB2_48-.Ltmp33, $1  }
0x272: {  	_ =	sdelay $0x3  }
0x273: {  	p1 =	slt.s32 s2, $0x1  }
.Ltmp34:
0x274: {  	_ = 	snop;
	(pc) =	sbr.rel @p1 .LBB2_47-.Ltmp34, $1  }
0x275: {  	_ =	sdelay $0x3  }
0x276: {  	s5 =	simm.s32 $0xF218;
	p1 =	por $0x0, $0x0  }
0x277: {  	v1 =	vld.msk @!p1 [tilespmem:s5+$0x0], $0x1;
	_ =	sdelay $0x4  }
0x278: {  	(v2sf) =	vpush @!p1 v1, $0x0;
	_ =	sdelay $0xd  }
0x279: {  	p3 =	sne.s32 s2, $0x1  }
.Ltmp35:
0x27a: {  	s0 =	spop @!p1 (v2sf);
	(pc) =	sbr.rel @!p3 .LBB2_45-.Ltmp35, $4  }
0x27b: {  	p2 =	seq.s32 @!p1 s4, s0  }
0x27c: {  	s6 =	simm.s32 $0x0;
	p2 =	por !p2, p1  }
0x27d: {  	s7 =	simm.s32 $0xFFFFFFFF;
	s6 =	simm.s32 @p2 $0xFFFFFFFF  }
0x27e: {  	s0 =	simm.s32 $0x1;
	s6 =	smov.u32 @p1 s7  }
.LBB2_44:
0x27f: {  	s7 =	smov.u32 s6;
	p1 =	sne.s32 s6, $0xFFFFFFFF  }
0x280: {  	s5 =	sadd.s32 $0x1, s5;
	s6 =	smov.u32 s0;
	s0 =	sadd.s32 $0x1, s0  }
0x281: {  	p2 =	sne.s32 s2, s0;
	v1 =	vld.msk @!p1 [tilespmem:s5+$0x0], $0x1;
	_ =	sdelay $0x4  }
0x282: {  	(v2sf) =	vpush @!p1 v1, $0x0;
	_ =	sdelay $0xe  }
.Ltmp36:
0x283: {  	s8 =	spop @!p1 (v2sf);
	(pc) =	sbr.rel @p2 .LBB2_44-.Ltmp36, $4  }
0x284: {  	p3 =	seq.s32 @!p1 s4, s8  }
0x285: {  	p3 =	por !p3, p1  }
0x286: {  	s6 =	simm.s32 @p3 $0xFFFFFFFF  }
0x287: {  	s6 =	smov.u32 @p1 s7  }
.LBB2_45:
0x288: {  	p1 =	seq.s32 s6, $0xFFFFFFFF  }
.Ltmp37:
0x289: {  	_ = 	snop;
	(pc) =	sbr.rel @p1 .LBB2_47-.Ltmp37, $1  }
0x28a: {  	_ =	sdelay $0x3  }
0x28b: {  	s0 =	sshll.u32 s3, $0x7  }
0x28c: {  	s4 =	sshll.u32 s6, $0x9;
	s0 =	sand.u32 $0x3FFFFF80, s0  }
0x28d: {  	s4 =	sshra.s32 s4, $0x2;
	v0 =	vld [tilespmem:s0+$0xF238]  }
0x28e: {  	v1 =	vld [tilespmem:s4+$0xF238];
	_ =	sdelay $0x4  }
0x28f: {  	v0 =	vmax.f32 v0, v1  }
0x290: {  	v57 =	vld [tilespmem:s4+$0xF248];
	[tilespmem:s4+$0xF238] =	vst v0  }
0x291: {  	v0 =	vld [tilespmem:s0+$0xF248];
	_ =	sdelay $0x4  }
0x292: {  	v0 =	vmax.f32 v0, v57  }
0x293: {  	v58 =	vld [tilespmem:s4+$0xF258];
	[tilespmem:s4+$0xF248] =	vst v0  }
0x294: {  	v0 =	vld [tilespmem:s0+$0xF258];
	_ =	sdelay $0x4  }
0x295: {  	v0 =	vmax.f32 v0, v58  }
0x296: {  	v59 =	vld [tilespmem:s4+$0xF268];
	[tilespmem:s4+$0xF258] =	vst v0  }
0x297: {  	v0 =	vld [tilespmem:s0+$0xF268];
	_ =	sdelay $0x4  }
0x298: {  	v0 =	vmax.f32 v0, v59  }
0x299: {  	v60 =	vld [tilespmem:s4+$0xF278];
	[tilespmem:s4+$0xF268] =	vst v0  }
0x29a: {  	v0 =	vld [tilespmem:s0+$0xF278];
	_ =	sdelay $0x4  }
0x29b: {  	v0 =	vmax.f32 v0, v60  }
0x29c: {  	v61 =	vld [tilespmem:s4+$0xF288];
	[tilespmem:s4+$0xF278] =	vst v0  }
0x29d: {  	v0 =	vld [tilespmem:s0+$0xF288];
	_ =	sdelay $0x4  }
0x29e: {  	v0 =	vmax.f32 v0, v61  }
0x29f: {  	v62 =	vld [tilespmem:s4+$0xF298];
	[tilespmem:s4+$0xF288] =	vst v0  }
0x2a0: {  	v0 =	vld [tilespmem:s0+$0xF298];
	_ =	sdelay $0x4  }
0x2a1: {  	v0 =	vmax.f32 v0, v62  }
0x2a2: {  	v63 =	vld [tilespmem:s4+$0xF2A8];
	[tilespmem:s4+$0xF298] =	vst v0  }
0x2a3: {  	v0 =	vld [tilespmem:s0+$0xF2A8];
	_ =	sdelay $0x1  }
.Ltmp38:
0x2a4: {  	_ = 	snop;
	(pc) =	sbr.rel .LBB2_48-.Ltmp38, $3  }
0x2a5: {  	_ =	sdelay $0x1  }
0x2a6: {  	v0 =	vmax.f32 v0, v63  }
0x2a7: {  	[tilespmem:s4+$0xF2A8] =	vst v0  }
.LBB2_49:
0x2a8: {  	p1 =	slt.s32 s2, $0x1  }
.Ltmp39:
0x2a9: {  	_ = 	snop;
	(pc) =	sbr.rel @p1 .LBB2_53-.Ltmp39, $3  }
0x2aa: {  	_ =	sdelay $0x1  }
0x2ab: {  	s0 =	simm.s32 $0x8  }
0x2ac: {  	s3 =	simm.s32 $0x0;
	[sflag:s0] =	ssyncpa.u1 $0x1  }
0x2ad: {  	s0 =	simm.s32 $0xF218  }
0x2ae: {  	v0 =	vld.msk [tilespmem:s0+$0x0], $0x1;
	_ =	sdelay $0x4  }
0x2af: {  	(v2sf) =	vpush v0, $0x0;
	_ =	sdelay $0xe  }
0x2b0: {  	s0 =	sadd.s32 $0xFFFFFFFF, s2;
	s5 =	spop (v2sf)  }
0x2b1: {  	p2 =	sne.s32 s0, $0x0;
	p1 =	sgt.u32 s5, $0x270F0  }
.Ltmp40:
0x2b2: {  	s6 =	sand.u32 @!p1 $0x3FFF8, s5;
	(pc) =	sbr.rel @!p2 .LBB2_52-.Ltmp40, $4  }
0x2b3: {  	s4 =	simm.s32 $0xF238;
	s5 =	sand.u32 @!p1 $0x7, s5;
	s2 =	sadd.s32 @!p1 s1, s6  }
0x2b4: {  	[hbm4b:s2+s5] =	stream.linear.scatter @!p1 [tilespmem:s4], [sflag:$0x7], $0x80, $0x38;
	[tilespmem:$0x1F6F8] =	vst v63  }
0x2b5: {  	s5 =	simm.s32 $0x0  }
0x2b6: {  	s2 =	simm.s32 $0xF219;
	s5 =	simm.s32 @!p1 $0x200  }
.LBB2_51:
0x2b7: {  	v0 =	vld.msk [tilespmem:s2+$0x0], $0x1;
	s0 =	sadd.s32 $0xFFFFFFFF, s0;
	s3 =	sadd.s32 s3, s5  }
0x2b8: {  	p1 =	sne.s32 s0, $0x0;
	_ =	sdelay $0x3  }
0x2b9: {  	(v2sf) =	vpush v0, $0x0;
	_ =	sdelay $0xe  }
.Ltmp41:
0x2ba: {  	s6 =	spop (v2sf);
	(pc) =	sbr.rel @p1 .LBB2_51-.Ltmp41, $4  }
0x2bb: {  	s5 =	simm.s32 $0x0;
	p2 =	sgt.u32 s6, $0x270F0  }
0x2bc: {  	s4 =	sadd.s32 $0x80, s4;
	s5 =	simm.s32 @!p2 $0x200;
	s7 =	sand.u32 @!p2 $0x3FFF8, s6  }
0x2bd: {  	s2 =	sadd.s32 $0x1, s2;
	s6 =	sand.u32 @!p2 $0x7, s6;
	s7 =	sadd.s32 @!p2 s1, s7  }
0x2be: {  	[hbm4b:s7+s6] =	stream.linear.scatter @!p2 [tilespmem:s4], [sflag:$0x7], $0x80, $0x38;
	[tilespmem:$0x1F6F8] =	vst v63  }
.LBB2_52:
0x2bf: {  	s0 =	sadd.s32 s3, s5  }
0x2c0: {  	s3 =	sshrl.u32 s0, $0x2  }
.LBB2_53:
0x2c1: {  	s0 =	simm.s32 $0x7  }
0x2c2: {  	_ =	swait.ge [sflag:s0], s3  }
0x2c3: {  	s1 =	ssub.s32 $0x0, s3;
	[sflag:s0] =	ssyncset.done $0x0  }
0x2c4: {  	[sflag:s0] =	ssyncadd.s32 s1  }
0x2c5: {  	[sflag:s0] =	ssyncpa.u1 $0x1  }
.LBB2_54:
0x2c6: {  	_ =	sfence;
	s0 =	simm.s32 $0x1  }
0x2c7: {  	[sflag:s0] =	ssyncpa.u1 $0x1  }
0x2c8: {  	_ =	strace $0x90000053  }
0x2c9: {  	[bflag:$0x2] =	sbarrier.arrive $0xFFFF  }
0x2ca: {  	s0 =	rddreg [dreg:$0x4]  }
0x2cb: {  	s0 =	sadd.s32 @!p0 $0x100000, s0  }
0x2cc: {  	[sflag:s0] =	ssyncadd.tile.s32 @!p0 $0x1;
	_ =	shalt  }
.Lfunc_end2:
_tile_overlayer_lowered:
.L_overlay_start_2:
0x2cd: {  	(tag) =	ssettag $0x2  }
0x2ce: {  	s0 =	rddreg [dreg:$0x0];
	s2 =	stileid.u32  }
0x2cf: {  	s1 =	rddreg [dreg:$0x1];
	p0 =	sne.s32 s2, $0x0  }
0x2d0: {  	s3 =	rddreg [dreg:$0x2];
	[bflag:$0x3] =	sbarrier.arrive $0xFFFF;
	s2 =	simm.s32 @!p0 $0x1C01  }
0x2d1: {  	[timem:s3], [sflag:s2] =	dma.local @!p0 [hbm:s0], s1  }
0x2d2: {  	s0 =	simm.s32 @!p0 $0x1  }
0x2d3: {  	_ =	swait.ge @!p0 [sflag:s0], s1  }
0x2d4: {  	s1 =	ssub.s32 @!p0 $0x0, s1;
	[sflag:s0] =	ssyncset.done @!p0 $0x0  }
0x2d5: {  	[sflag:s0] =	ssyncadd.s32 @!p0 s1  }
0x2d6: {  	[bflag:$0x3] =	sbarrier.arrive $0xFFFF  }
0x2d7: {  	_ =	shalt  }

// kernel: scatter_offload_async_start
scs
__scs_entry_jumppad:
0x0: {  	(pc) =	sbr.rel $0x88, $3  }
0x1: {  	(tag) =	ssettag $0x0;
	lr =	simm.s32 $0x1  }
0x2: {  	[smem:$0x3F97] =	sst lr;
	_ =	strace $0xD0000000  }
0x3: {  	_ = 	snop  }
0x4: {  	_ = 	snop  }
0x5: {  	_ = 	snop  }
0x6: {  	_ = 	snop  }
0x7: {  	_ = 	snop  }
__scs_overlays_trampoline_lowered:
0x8: {  	[smem:$0x3FA6] =	sst s0  }
0x9: {  	[smem:$0x3FA7] =	sst s1  }
0xa: {  	[smem:$0x3FA8] =	sst s2  }
0xb: {  	[smem:$0x3FA9] =	sst s3  }
0xc: {  	[smem:$0x3FAA] =	sst s4  }
0xd: {  	[smem:$0x3FAB] =	sst s5  }
0xe: {  	[smem:$0x3FAC] =	sst s6  }
0xf: {  	[smem:$0x3FAD] =	sst s7  }
0x10: {  	[smem:$0x3FAE] =	sst s8  }
0x11: {  	[smem:$0x3FAF] =	sst s9;
	s0 =	simm.s32 @!p0 $0x0  }
0x12: {  	s1 =	sld [smem:$0x3F95];
	s0 =	simm.s32 @p0 $0x1  }
0x13: {  	[smem:$0x3FB0] =	sst s0;
	s0 =	simm.s32 @!p1 $0x0  }
0x14: {  	s2 =	sld [smem:$0x3F94];
	s0 =	simm.s32 @p1 $0x1  }
0x15: {  	[smem:$0x3FB1] =	sst s0;
	s0 =	simm.s32 @!p2 $0x0  }
0x16: {  	s3 =	sld [smem:$0x3FDB];
	s0 =	simm.s32 @p2 $0x1  }
0x17: {  	s4 =	simm.s32 $0x1BF5;
	[smem:$0x3FB3] =	sst s0  }
0x18: {  	s0 =	sld [smem:$0x3F96];
	_ =	swait.ge [sflag:s4], $0x0  }
0x19: {  	s7 =	sld [smem:$0x3F97]  }
0x1a: {  	s8 =	sadd.s32 $0xFFFFE003, lr  }
0x1b: {  	s9 =	sadd.s32 $0xFFFFFEF7, lr;
	s5 =	simm.s32 $0xFFFFFFFF;
	p2 =	slt.u32 s8, $0xFFFFF086  }
0x1c: {  	p1 =	slt.u32 s9, $0xF7A;
	s5 =	simm.s32 @!p2 $0x0  }
0x1d: {  	s5 =	simm.s32 @p1 $0x1;
	p0 =	seq.s32 s7, s2  }
0x1e: {  	s7 =	smul.u32 @!p0 $0xF7A, s2;
	p2 =	seq.s32 @!p0 s5, $0x0  }
0x1f: {  	s9 =	smul.u32 $0xF7A, s1;
	s8 =	simm.s32 @!p0 $0x1BF5;
	p2 =	por !p2, p0  }
0x20: {  	[sflag:s8] =	ssyncset.s32 @!p0 $0xFFFFF086;
	s6 =	sadd.s32 @!p0 s3, s7;
	s7 =	simm.s32 @!p0 $0x108  }
0x21: {  	s3 =	sadd.s32 s3, s9;
	s6 =	sadd.s32 @!p0 $0x88, s6;
	s7 =	simm.s32 @p2 $0x1082  }
0x22: {  	[simem:s7], [sflag:s8] =	dma.local @!p0 [hbm:s6], $0xF7A  }
0x23: {  	s9 =	sor.u32 $0xD0000000, s2;
	s6 =	simm.s32 $0x108;
	_ =	swait.ge @!p0 [sflag:s8], $0x0  }
0x24: {  	s3 =	sadd.s32 $0x88, s3;
	s6 =	simm.s32 @!p1 $0x1082;
	[sflag:s4] =	ssyncset.s32 $0xFFFFF086  }
0x25: {  	[simem:s6], [sflag:s4] =	dma.local [hbm:s3], $0xF7A  }
0x26: {  	[smem:$0x3F97] =	sst s1;
	(tag) =	ssettag s2;
	_ =	strace s9  }
0x27: {  	s1 =	sld [smem:$0x3FA7]  }
0x28: {  	s2 =	sld [smem:$0x3FA8]  }
0x29: {  	s4 =	sld [smem:$0x3FAA]  }
0x2a: {  	p0 =	seq.s32 s5, $0x0;
	s5 =	sld [smem:$0x3FAB]  }
0x2b: {  	s6 =	sld [smem:$0x3FAC]  }
0x2c: {  	s7 =	sld [smem:$0x3FAD]  }
0x2d: {  	s3 =	simm.s32 $0x108;
	s8 =	sld [smem:$0x3FAE]  }
0x2e: {  	s3 =	simm.s32 @!p0 $0x1082;
	s9 =	sld [smem:$0x3FAF]  }
0x2f: {  	lr =	sadd.s32 s0, s3;
	s0 =	sld [smem:$0x3FA6]  }
0x30: {  	s3 =	sld [smem:$0x3FA9]  }
0x31: {  	[smem:$0x3FB2] =	sst s10  }
0x32: {  	s10 =	sld [smem:$0x3FB0];
	_ =	sdelay $0x3  }
0x33: {  	p0 =	seq.s32 s10, $0x1;
	s10 =	sld [smem:$0x3FB2];
	_ =	sdelay $0x3  }
0x34: {  	[smem:$0x3FB2] =	sst s10  }
0x35: {  	s10 =	sld [smem:$0x3FB1];
	_ =	sdelay $0x3  }
0x36: {  	p1 =	seq.s32 s10, $0x1;
	s10 =	sld [smem:$0x3FB2];
	_ =	sdelay $0x3  }
0x37: {  	[smem:$0x3FB2] =	sst s10  }
0x38: {  	s10 =	sld [smem:$0x3FB3]  }
0x39: {  	_ = 	snop;
	(pc) =	sbr.ind lr, $3  }
0x3a: {  	_ = 	snop  }
0x3b: {  	_ = 	snop  }
0x3c: {  	p2 =	seq.s32 s10, $0x1;
	s10 =	sld [smem:$0x3FB2]  }
0x3d: {  	_ =	shalt  }
0x3e: {  	_ =	shalt  }
0x3f: {  	_ =	shalt  }
0x40: {  	_ =	shalt  }
0x41: {  	_ =	shalt  }
0x42: {  	_ =	shalt  }
0x43: {  	_ =	shalt  }
0x44: {  	_ =	shalt  }
0x45: {  	_ =	shalt  }
0x46: {  	_ =	shalt  }
0x47: {  	_ =	shalt  }
0x48: {  	_ =	shalt  }
0x49: {  	_ =	shalt  }
0x4a: {  	_ =	shalt  }
0x4b: {  	_ =	shalt  }
0x4c: {  	_ =	shalt  }
0x4d: {  	_ =	shalt  }
0x4e: {  	_ =	shalt  }
0x4f: {  	_ =	shalt  }
0x50: {  	_ =	shalt  }
0x51: {  	_ =	shalt  }
0x52: {  	_ =	shalt  }
0x53: {  	_ =	shalt  }
0x54: {  	_ =	shalt  }
0x55: {  	_ =	shalt  }
0x56: {  	_ =	shalt  }
0x57: {  	_ =	shalt  }
0x58: {  	_ =	shalt  }
0x59: {  	_ =	shalt  }
0x5a: {  	_ =	shalt  }
0x5b: {  	_ =	shalt  }
0x5c: {  	_ =	shalt  }
0x5d: {  	_ =	shalt  }
0x5e: {  	_ =	shalt  }
0x5f: {  	_ =	shalt  }
0x60: {  	_ =	shalt  }
0x61: {  	_ =	shalt  }
0x62: {  	_ =	shalt  }
0x63: {  	_ =	shalt  }
0x64: {  	_ =	shalt  }
0x65: {  	_ =	shalt  }
0x66: {  	_ =	shalt  }
0x67: {  	_ =	shalt  }
0x68: {  	_ =	shalt  }
0x69: {  	_ =	shalt  }
0x6a: {  	_ =	shalt  }
0x6b: {  	_ =	shalt  }
0x6c: {  	_ =	shalt  }
0x6d: {  	_ =	shalt  }
0x6e: {  	_ =	shalt  }
0x6f: {  	_ =	shalt  }
0x70: {  	_ =	shalt  }
0x71: {  	_ =	shalt  }
0x72: {  	_ =	shalt  }
0x73: {  	_ =	shalt  }
0x74: {  	_ =	shalt  }
0x75: {  	_ =	shalt  }
0x76: {  	_ =	shalt  }
0x77: {  	_ =	shalt  }
0x78: {  	_ =	shalt  }
0x79: {  	_ =	shalt  }
0x7a: {  	_ =	shalt  }
0x7b: {  	_ =	shalt  }
0x7c: {  	_ =	shalt  }
0x7d: {  	_ =	shalt  }
0x7e: {  	_ =	shalt  }
0x7f: {  	_ =	shalt  }
0x80: {  	_ =	shalt  }
0x81: {  	_ =	shalt  }
0x82: {  	_ =	shalt  }
0x83: {  	_ =	shalt  }
0x84: {  	_ =	shalt  }
0x85: {  	_ =	shalt  }
0x86: {  	_ =	shalt  }
0x87: {  	_ =	shalt  }
.Lfunc_end0:
.L_simem_size_0:
called_computation_lowered:
.L_overlay_start_0:
0x88: {  	s2 =	sld [smem:$0x3FD9]  }
0x89: {  	s3 =	sld [smem:$0x3FFE];
	_ =	sdelay $0x1  }
0x8a: {  	s1 =	srdreg.scid  }
0x8b: {  	s0 =	sand.u32 $0x1, s1  }
0x8c: {  	s15 =	sshll.u32 s0, $0xA;
	s2 =	sadd.s32 s3, s2  }
0x8d: {  	s2 =	sadd.s32 s2, s15  }
0x8e: {  	[smem:$0x3FBE] =	sst s2  }
0x8f: {  	_ = 	snop  }
0x90: {  	s16 =	sld [smem:$0x3FD0];
	(tm) =	ssettm $0x1  }
0x91: {  	s17 =	sld [smem:$0x3FFB];
	_ =	sdelay $0x3  }
0x92: {  	_ =	strace s17  }
0x93: {  	s2 =	sld [smem:$0x3FFC];
	_ =	sdelay $0x3  }
0x94: {  	_ =	strace s2  }
0x95: {  	s2 =	sld [smem:$0x3FFD];
	_ =	sdelay $0x3  }
0x96: {  	_ =	strace s2  }
0x97: {  	_ =	strace $0x8FFFFFFF  }
0x98: {  	s18 =	sld [smem:$0x3FDB];
	_ =	sdelay $0x1  }
0x99: {  	s4 =	simm.s32 $_scs_section_size  }
0x9a: {  	s5 =	simm.s32 $_size__tile_overlayer_lowered;
	s6 =	simm.s32 $_tile_overlayer_lowered  }
0x9b: {  	s7 =	simm.s32 $0x1BFF;
	s19 =	sshll.u32 s6, $0x1;
	s4 =	sadd.s32 s4, s18  }
0x9c: {  	s20 =	simm.s32 $0x0;
	s5 =	sshll.u32 s5, $0x1;
	s6 =	sadd.s32 s19, s4  }
0x9d: {  	[timem:s20], [sflag:s7] =	dma.local [hbm:s6], s5  }
0x9e: {  	_ =	swait.ge [sflag:s7], s5  }
0x9f: {  	s5 =	ssub.s32 $0x0, s5;
	[sflag:s7] =	ssyncset.done $0x0  }
0xa0: {  	[sflag:s7] =	ssyncadd.s32 s5;
	_ =	sdelay $0x1  }
0xa1: {  	s21 =	simm.s32 $0x1B8B  }
0xa2: {  	_ =	swait.ge [sflag:s21], $0x1  }
0xa3: {  	[sflag:s21] =	ssyncset.done $0x0  }
0xa4: {  	s22 =	sld [smem:$0x3FFE];
	[sflag:s21] =	ssyncadd.s32 $0xFFFFFFFF  }
0xa5: {  	s24 =	simm.s32 $0x1B8E;
	s23 =	sld [smem:$0x0]  }
0xa6: {  	s25 =	simm.s32 $execute0_lowered;
	[smem:$0x3FD2] =	sst s24  }
0xa7: {  	s7 =	sshll.u32 s25, $0x1;
	_ =	strace $0x80000049;
	[dreg:$0x1] =	wrdreg $0xFFFFFFFF  }
0xa8: {  	s8 =	simm.s32 $_size_execute0_lowered;
	s7 =	sadd.s32 s4, s7;
	[dreg:$0x0] =	wrdreg $0x0  }
0xa9: {  	s8 =	sshll.u32 s8, $0x1;
	[dreg:$0x2] =	wrdreg s7  }
0xaa: {  	[dreg:$0x3] =	wrdreg s8  }
0xab: {  	[dreg:$0x4] =	wrdreg $0xC0  }
0xac: {  	s26 =	simm.s32 $execute1_lowered;
	_ =	task [dreg:s20], $0x5FFFF  }
0xad: {  	s7 =	sshll.u32 s26, $0x1;
	[dreg:$0x1] =	wrdreg $0xFFFFFFFF  }
0xae: {  	s4 =	sadd.s32 s4, s7;
	[dreg:$0x0] =	wrdreg $0x60  }
0xaf: {  	[dreg:$0x2] =	wrdreg s4  }
0xb0: {  	[dreg:$0x3] =	wrdreg s16  }
0xb1: {  	[dreg:$0x4] =	wrdreg s22  }
0xb2: {  	[dreg:$0x5] =	wrdreg $0x9  }
0xb3: {  	_ =	task.clear_ibuf [dreg:s20], $0x6FFFF;
	_ =	strace $0x90000049  }
0xb4: {  	s28 =	simm.s32 $0x9;
	_ =	strace $0x8000004B  }
0xb5: {  	_ =	swait.ge [sflag:s28], $0x1  }
0xb6: {  	[sflag:s28] =	ssyncadd.s32 $0xFFFFFFFF  }
0xb7: {  	_ =	strace $0x9000004B  }
0xb8: {  	s3 =	sld [smem:$0x0]  }
0xb9: {  	s4 =	sand.u32 $0xFFFFFFFE, s1  }
0xba: {  	p0 =	sne.s32 s1, s4  }
0xbb: {  	s4 =	sshll.u32 @p0 s4, $0xE  }
0xbc: {  	s4 =	sadd.s32 @p0 $0x11BF3, s4;
	s7 =	sshll.u32 @p0 s3, $0x11  }
0xbd: {  	s4 =	sor.u32 @p0 s7, s4  }
0xbe: {  	[sflag:s4] =	ssyncadd.remote.s32 @p0 $0x1;
	_ =	sdelay $0x1  }
0xbf: {  	s4 =	simm.s32 @p0 $0x1BF3  }
0xc0: {  	_ =	swait.eq @p0 [sflag:s4], $0x1  }
0xc1: {  	[sflag:s4] =	ssyncadd.s32 @p0 $0xFFFFFFFF  }
0xc2: {  	s7 =	sshll.u32 @!p0 s1, $0xE  }
0xc3: {  	s7 =	sor.u32 @!p0 $0x4000, s7;
	s4 =	simm.s32 @!p0 $0x1BF3  }
0xc4: {  	s3 =	sshll.u32 @!p0 s3, $0x11;
	s7 =	sadd.s32 @!p0 $0x11BF3, s7;
	_ =	swait.eq @!p0 [sflag:s4], $0x1  }
0xc5: {  	s3 =	sor.u32 @!p0 s3, s7;
	[sflag:s4] =	ssyncadd.s32 @!p0 $0xFFFFFFFF  }
0xc6: {  	[sflag:s3] =	ssyncadd.remote.s32 @!p0 $0x1  }
0xc7: {  	_ =	strace $0x8000004C;
	[dreg:$0x1] =	wrdreg $0xFFFFFFFF  }
0xc8: {  	[dreg:$0x0] =	wrdreg $0x2030  }
0xc9: {  	[dreg:$0x2] =	wrdreg s22  }
0xca: {  	[dreg:$0x3] =	wrdreg s1  }
0xcb: {  	[dreg:$0x4] =	wrdreg s23  }
0xcc: {  	[dreg:$0x5] =	wrdreg $0xA  }
0xcd: {  	_ =	task.clear_ibuf [dreg:s20], $0x6FFFF;
	_ =	strace $0x9000004C  }
0xce: {  	s29 =	simm.s32 $0xA;
	_ =	strace $0x8000004E  }
0xcf: {  	_ =	swait.ge [sflag:s29], $0x1  }
0xd0: {  	[sflag:s29] =	ssyncadd.s32 $0xFFFFFFFF  }
0xd1: {  	_ =	strace $0x9000004E  }
0xd2: {  	_ =	sfence  }
0xd3: {  	s30 =	sld [smem:$0x0];
	_ =	sdelay $0x2  }
0xd4: {  	s31 =	sshll.u32 s1, $0xD;
	s1 =	sshrl.u32 s1, $0x2  }
0xd5: {  	s4 =	sand.u32 $0x4000, s31;
	s1 =	sadd.s32 s1, s30  }
0xd6: {  	s0 =	sor.u32 s4, s0;
	s1 =	sshll.u32 s1, $0x11  }
0xd7: {  	s0 =	sor.u32 s1, s0  }
0xd8: {  	s0 =	sadd.s32 $0x8F2B, s0  }
0xd9: {  	[sflag:s0] =	ssyncadd.remote.s32 $0x1  }
0xda: {  	_ =	sfence.sel $0xFFFF  }
0xdb: {  	[dreg:$0x0] =	wrdreg $0xFFFFFFFF;
	(pc) =	sbr.abs _section_cstart, $3  }
0xdc: {  	[dreg:$0x1] =	wrdreg $0xFFFFFFFF  }
0xdd: {  	_ =	task.clear_ibuf [dreg:s20], $0x2FFFF;
	_ =	strace $0x9FFFFFFF  }
0xde: {  	(tm) =	ssettm $0x7FFFFFFF  }
0xdf: {  	_ =	shalt  }
tec
execute0_lowered:
.L_overlay_start_1:
0x0: {  	(tag) =	ssettag $0x1  }
0x1: {  	s3 =	rddreg [dreg:$0x0]  }
0x2: {  	s2 =	rddreg [dreg:$0x1]  }
0x3: {  	s4 =	rddreg [dreg:$0x2]  }
0x4: {  	s0 =	rddreg [dreg:$0x3]  }
0x5: {  	s5 =	stileid.u32;
	[bflag:$0x3] =	sbarrier.arrive $0xFFFF;
	s1 =	simm.s32 $_size_execute1_lowered  }
0x6: {  	s29 =	srdreg.scid;
	s31 =	simm.s32 $0x2;
	p0 =	sne.s32 s5, $0x0  }
0x7: {  	s1 =	sshll.u32 s1, $0x1;
	s6 =	simm.s32 @!p0 $0x1C3F;
	s7 =	simm.s32 @!p0 $0x4060  }
0x8: {  	[timem:s7], [sflag:s6] =	dma.local @!p0 [hbm:s3], s1  }
0x9: {  	s8 =	simm.s32 $0x0;
	s12 =	simm.s32 $0x0;
	s3 =	sshll.u32 s29, $0x7  }
.Ltmp0:
0xa: {  	s5 =	sshll.u32 s5, $0x8;
	s3 =	sand.u32 $0x80, s3;
	(pc) =	sbr.rel .LBB2_1-.Ltmp0, $4  }
0xb: {  	s10 =	simm.s32 $0x0;
	s11 =	simm.s32 $0x0;
	s3 =	sor.u32 s5, s3  }
0xc: {  	_ =	strace $0x8000004A;
	s5 =	simm.s32 $0x1;
	s30 =	ssub.s32 $0x2700, s3  }
0xd: {  	s4 =	sadd.s32 $0x14800, s4;
	[sflag:s5] =	ssyncpa.u1 $0x0;
	s6 =	sshrl.u32 s30, $0xC  }
0xe: {  	s9 =	smov.u32 s3;
	[sflag:s31] =	ssyncpa.u1 $0x0;
	s7 =	sadd.s32 $0x2, s6  }
.LBB2_4:
0xf: {  	_ = 	snop  }
.LBB2_7:
0x10: {  	_ =	sdelay $0x3  }
0x11: {  	[tilespmem:v0+s16+$0x0 ss:$0x1] =	vst.idx.msk @p1 $0xffff, v2  }
0x12: {  	v56 =	vld.idx.msk [tilespmem:v1+s15+$0x0 ss:$0x1], $0xffff;
	s24 =	sor.u32 $0x70, s15;
	[tilespmem:v0+s17+$0x0 ss:$0x1] =	vst.idx.msk @p1 $0xffff, v4  }
0x13: {  	s25 =	sor.u32 $0x10, s15;
	[tilespmem:v0+s18+$0x0 ss:$0x1] =	vst.idx.msk @p1 $0xffff, v3;
	v57 =	vld.idx.msk [tilespmem:v1+s24+$0x0 ss:$0x1], $0xffff  }
0x14: {  	s26 =	sor.u32 $0x20, s15;
	[tilespmem:v0+s19+$0x0 ss:$0x1] =	vst.idx.msk @p1 $0xffff, v5;
	v58 =	vld.idx.msk [tilespmem:v1+s25+$0x0 ss:$0x1], $0xffff  }
0x15: {  	s28 =	sor.u32 $0x30, s15;
	[tilespmem:v0+s20+$0x0 ss:$0x1] =	vst.idx.msk @p1 $0xffff, v6;
	v59 =	vld.idx.msk [tilespmem:v1+s26+$0x0 ss:$0x1], $0xffff  }
0x16: {  	s29 =	sor.u32 $0x40, s15;
	[tilespmem:v0+s21+$0x0 ss:$0x1] =	vst.idx.msk @p1 $0xffff, v7;
	v60 =	vld.idx.msk [tilespmem:v1+s28+$0x0 ss:$0x1], $0xffff  }
0x17: {  	s30 =	sor.u32 $0x50, s15;
	v61 =	vld.idx.msk [tilespmem:v1+s29+$0x0 ss:$0x1], $0xffff;
	[tilespmem:v0+s15+$0x0 ss:$0x1] =	vst.idx.msk $0xffff, v56  }
0x18: {  	s31 =	sor.u32 $0x60, s15;
	v62 =	vld.idx.msk [tilespmem:v1+s30+$0x0 ss:$0x1], $0xffff;
	[tilespmem:v0+s24+$0x0 ss:$0x1] =	vst.idx.msk $0xffff, v57  }
0x19: {  	v63 =	vld.idx.msk [tilespmem:v1+s31+$0x0 ss:$0x1], $0xffff;
	[tilespmem:v0+s25+$0x0 ss:$0x1] =	vst.idx.msk $0xffff, v58  }
0x1a: {  	[tilespmem:v0+s26+$0x0 ss:$0x1] =	vst.idx.msk $0xffff, v59  }
0x1b: {  	[tilespmem:v0+s28+$0x0 ss:$0x1] =	vst.idx.msk $0xffff, v60  }
0x1c: {  	[tilespmem:v0+s29+$0x0 ss:$0x1] =	vst.idx.msk $0xffff, v61  }
0x1d: {  	[tilespmem:v0+s30+$0x0 ss:$0x1] =	vst.idx.msk $0xffff, v62  }
0x1e: {  	[tilespmem:v0+s31+$0x0 ss:$0x1] =	vst.idx.msk $0xffff, v63  }
.LBB2_8:
0x1f: {  	s15 =	sand.u32 $0x1FFFFFF, s10  }
0x20: {  	s16 =	smulhi.u32 $0x1A36E2F, s15;
	_ =	sdelay $0x1  }
0x21: {  	s16 =	sshrl.u32 s16, $0x6  }
0x22: {  	s16 =	smul.u32 $0x2710, s16;
	_ =	sdelay $0x1  }
0x23: {  	s15 =	ssub.s32 s15, s16  }
0x24: {  	s15 =	sshll.u32 s15, $0x4  }
0x25: {  	s15 =	sadd.s32 s4, s15  }
0x26: {  	[hbm4b:s15+s8] =	stream.linear.scatter [tilespmem:s14], [sflag:$0x2], s13, $0x38;
	[tilespmem:$0x10000] =	vst v63  }
.LBB2_9:
0x27: {  	p1 =	slt.u32 s11, $0x2  }
0x28: {  	p2 =	sgt.s32 @!p1 s12, $0x2690  }
0x29: {  	s13 =	smov.u32 s12;
	s14 =	sshra.s32 @!p1 s12, $0x1F;
	p2 =	por !p2, p1  }
0x2a: {  	s12 =	sand.u32 @!p1 s14, s12;
	s13 =	simm.s32 @p2 $0x2690  }
0x2b: {  	s12 =	ssub.s32 @!p1 s13, s12  }
0x2c: {  	s12 =	sadd.s32 @!p1 $0xFFFFD970, s12  }
0x2d: {  	s13 =	sshll.u32 @!p1 s12, $0x9  }
0x2e: {  	p2 =	sgt.s32 @!p1 s12, $0x7F;
	s12 =	ssub.s32 @!p1 $0x10000, s13  }
0x2f: {  	s14 =	sadd.s32 $0x1000, s9;
	p2 =	por !p2, p1;
	s12 =	sshrl.u32 @!p1 s12, $0x2  }
0x30: {  	s12 =	simm.s32 @!p2 $0x0;
	p2 =	sgt.s32 s14, $0x270F  }
0x31: {  	s14 =	smov.u32 @p2 s3;
	p2 =	sne.s32 s11, s7  }
.Ltmp1:
0x32: {  	_ = 	snop;
	(pc) =	sbr.rel @!p2 .LBB2_10-.Ltmp1, $4  }
0x33: {  	s13 =	simm.s32 @!p1 $0x2  }
0x34: {  	_ =	swait.ge @!p1 [sflag:s13], s12;
	s15 =	ssub.s32 @!p1 $0x0, s12  }
0x35: {  	s12 =	smov.u32 s10;
	s11 =	sadd.s32 $0x1, s11;
	[sflag:s13] =	ssyncset.done @!p1 $0x0  }
0x36: {  	s10 =	smov.u32 s9;
	s9 =	smov.u32 s14;
	[sflag:s13] =	ssyncadd.s32 @!p1 s15  }
.LBB2_1:
0x37: {  	p1 =	sgt.u32 s11, s6  }
0x38: {  	s13 =	sand.u32 @!p1 $0x1FFFFFF, s9  }
0x39: {  	p2 =	sgt.s32 @!p1 s9, $0x2690;
	s14 =	smulhi.u32 @!p1 $0x1A36E2F, s13  }
0x3a: {  	s15 =	smov.u32 s9;
	s16 =	sshra.s32 @!p1 s9, $0x1F;
	p2 =	por !p2, p1  }
0x3b: {  	s16 =	sand.u32 @!p1 s16, s9;
	s15 =	simm.s32 @p2 $0x2690;
	s14 =	sshrl.u32 @!p1 s14, $0x6  }
0x3c: {  	s15 =	ssub.s32 @!p1 s15, s16;
	s14 =	smul.u32 @!p1 $0x2710, s14  }
0x3d: {  	s16 =	sxor.u32 @!p1 $0xFFFFFFFF, s11;
	s15 =	sadd.s32 @!p1 $0xFFFFD970, s15  }
0x3e: {  	s16 =	sshll.u32 @!p1 s16, $0xE;
	s13 =	ssub.s32 @!p1 s13, s14;
	s14 =	sshll.u32 @!p1 s15, $0x9  }
0x3f: {  	s16 =	sand.u32 @!p1 $0x4000, s16;
	p2 =	sgt.s32 @!p1 s15, $0x7F;
	s14 =	ssub.s32 @!p1 $0x10000, s14  }
0x40: {  	p2 =	por !p2, p1;
	s13 =	sshll.u32 @!p1 s13, $0x4;
	s14 =	sshrl.u32 @!p1 s14, $0x2  }
0x41: {  	s15 =	simm.s32 @!p1 $0x0;
	s13 =	sadd.s32 @!p1 s2, s13;
	s14 =	simm.s32 @!p2 $0x0  }
0x42: {  	[tilespmem:s16], [sflag:$0x1] =	stream.linear.gather @!p1 [hbm4b:s13+s15], s14, $0x38;
	[tilespmem:$0x10000] =	vst v63  }
0x43: {  	p1 =	seq.s32 s11, $0x0  }
0x44: {  	p2 =	sge.u32 @!p1 s11, s7  }
0x45: {  	p1 =	por p1, p2  }
.Ltmp2:
0x46: {  	_ = 	snop;
	(pc) =	sbr.rel @p1 .LBB2_9-.Ltmp2, $1  }
0x47: {  	_ =	sdelay $0x3  }
0x48: {  	p1 =	sgt.s32 s10, $0x2690;
	s13 =	smov.u32 s10;
	s14 =	sshra.s32 s10, $0x1F  }
0x49: {  	s13 =	simm.s32 @!p1 $0x2690;
	s14 =	sand.u32 s14, s10  }
0x4a: {  	s13 =	ssub.s32 s13, s14  }
0x4b: {  	s13 =	sadd.s32 $0xFFFFD970, s13  }
0x4c: {  	s31 =	sshll.u32 s13, $0x9  }
0x4d: {  	s14 =	ssub.s32 $0x10000, s31  }
0x4e: {  	p1 =	sgt.s32 s13, $0x7F;
	s13 =	sshrl.u32 s14, $0x2;
	s14 =	sadd.s32 $0x80, s10  }
0x4f: {  	s13 =	simm.s32 @p1 $0x0;
	p1 =	slt.s32 s14, $0x2710  }
0x50: {  	s14 =	simm.s32 @!p1 $0x2710  }
0x51: {  	s16 =	ssub.s32 s14, s10  }
0x52: {  	p1 =	slt.s32 s16, $0x1  }
.Ltmp3:
0x53: {  	_ = 	snop;
	(pc) =	sbr.rel @p1 .LBB2_8-.Ltmp3, $4  }
0x54: {  	_ = 	snop  }
0x55: {  	s15 =	sshll.u32 s11, $0xE;
	_ =	swait.ge [sflag:s5], s13  }
0x56: {  	s15 =	sand.u32 $0x4000, s15;
	s17 =	ssub.s32 $0x0, s13;
	[sflag:s5] =	ssyncset.done $0x0  }
0x57: {  	s14 =	sor.u32 $0x8000, s15;
	[sflag:s5] =	ssyncadd.s32 s17  }
0x58: {  	p2 =	sne.s32 s16, $0x1  }
.Ltmp4:
0x59: {  	v1 =	vmov s15;
	v0 =	vmov s14;
	(pc) =	sbr.rel @!p2 .LBB2_4-.Ltmp4, $3  }
0x5a: {  	_ =	sdelay $0x1  }
0x5b: {  	s17 =	simm.s32 $0x0  }
0x5c: {  	s23 =	sadd.s32 $0xFFFFFFFF, s16;
	p1 =	por $0x0, $0x0;
	s15 =	sand.u32 $0x3F80, s17  }
0x5d: {  	_ =	sdelay $0x3  }
0x5e: {  	v6 =	vld.idx.msk [tilespmem:v1+s15+$0x0 ss:$0x1], $0xffff;
	s24 =	sor.u32 $0x70, s15  }
0x5f: {  	s16 =	sor.u32 $0x10, s15;
	v8 =	vld.idx.msk [tilespmem:v1+s24+$0x0 ss:$0x1], $0xffff  }
0x60: {  	s17 =	sor.u32 $0x20, s15;
	p2 =	sne.s32 s23, $0x1;
	v2 =	vld.idx.msk [tilespmem:v1+s16+$0x0 ss:$0x1], $0xffff  }
.Ltmp5:
0x61: {  	s18 =	sor.u32 $0x30, s15;
	v4 =	vld.idx.msk [tilespmem:v1+s17+$0x0 ss:$0x1], $0xffff;
	(pc) =	sbr.rel @!p2 .LBB2_7-.Ltmp5, $4  }
0x62: {  	s19 =	sor.u32 $0x40, s15;
	v3 =	vld.idx.msk [tilespmem:v1+s18+$0x0 ss:$0x1], $0xffff  }
0x63: {  	s21 =	sor.u32 $0x60, s15;
	v5 =	vld.idx.msk [tilespmem:v1+s19+$0x0 ss:$0x1], $0xffff  }
0x64: {  	s20 =	sor.u32 $0x50, s15;
	s22 =	simm.s32 $0x80;
	v7 =	vld.idx.msk [tilespmem:v1+s21+$0x0 ss:$0x1], $0xffff;
	[tilespmem:v0+s15+$0x0 ss:$0x1] =	vst.idx.msk $0xffff, v6  }
0x65: {  	s23 =	sadd.s32 $0xFFFFFFFF, s23;
	p1 =	por $0x1, $0x1;
	v6 =	vld.idx.msk [tilespmem:v1+s20+$0x0 ss:$0x1], $0xffff;
	s15 =	sand.u32 $0x3F80, s22;
	[tilespmem:v0+s24+$0x0 ss:$0x1] =	vst.idx.msk $0xffff, v8  }
.LBB2_6:
0x66: {  	p2 =	sne.s32 s23, $0x1;
	v8 =	vld.idx.msk [tilespmem:v1+s15+$0x0 ss:$0x1], $0xffff;
	s24 =	sor.u32 $0x70, s15;
	[tilespmem:v0+s16+$0x0 ss:$0x1] =	vst.idx.msk $0xffff, v2;
	s16 =	sor.u32 $0x10, s15  }
0x67: {  	s25 =	sor.u32 $0x30, s15;
	s26 =	sor.u32 $0x40, s15;
	v9 =	vld.idx.msk [tilespmem:v1+s24+$0x0 ss:$0x1], $0xffff;
	[tilespmem:v0+s17+$0x0 ss:$0x1] =	vst.idx.msk $0xffff, v4;
	s17 =	sor.u32 $0x20, s15  }
0x68: {  	s28 =	sor.u32 $0x50, s15;
	s29 =	sor.u32 $0x60, s15;
	v2 =	vld.idx.msk [tilespmem:v1+s16+$0x0 ss:$0x1], $0xffff;
	[tilespmem:v0+s18+$0x0 ss:$0x1] =	vst.idx.msk $0xffff, v3;
	s18 =	smov.u32 s25  }
.Ltmp6:
0x69: {  	v4 =	vld.idx.msk [tilespmem:v1+s17+$0x0 ss:$0x1], $0xffff;
	[tilespmem:v0+s19+$0x0 ss:$0x1] =	vst.idx.msk $0xffff, v5;
	s19 =	smov.u32 s26;
	(pc) =	sbr.rel @p2 .LBB2_6-.Ltmp6, $4  }
0x6a: {  	v3 =	vld.idx.msk [tilespmem:v1+s18+$0x0 ss:$0x1], $0xffff;
	[tilespmem:v0+s20+$0x0 ss:$0x1] =	vst.idx.msk $0xffff, v6;
	s20 =	smov.u32 s28  }
0x6b: {  	v5 =	vld.idx.msk [tilespmem:v1+s19+$0x0 ss:$0x1], $0xffff;
	[tilespmem:v0+s21+$0x0 ss:$0x1] =	vst.idx.msk $0xffff, v7;
	s21 =	smov.u32 s29  }
0x6c: {  	s22 =	sadd.s32 $0x80, s22;
	[tilespmem:v0+s15+$0x0 ss:$0x1] =	vst.idx.msk $0xffff, v8;
	v6 =	vld.idx.msk [tilespmem:v1+s20+$0x0 ss:$0x1], $0xffff  }
0x6d: {  	s23 =	sadd.s32 $0xFFFFFFFF, s23;
	s15 =	sand.u32 $0x3F80, s22;
	v7 =	vld.idx.msk [tilespmem:v1+s21+$0x0 ss:$0x1], $0xffff;
	[tilespmem:v0+s24+$0x0 ss:$0x1] =	vst.idx.msk $0xffff, v9  }
.Ltmp7:
0x6e: {  	_ = 	snop;
	(pc) =	sbr.rel .LBB2_7-.Ltmp7, $1  }
0x6f: {  	_ =	sdelay $0x3  }
.LBB2_10:
0x70: {  	_ =	sfence.sel $0x180000  }
0x71: {  	s2 =	simm.s32 $0x1;
	[bflag:$0x0] =	sbarrier.arrive $0xFFFF  }
0x72: {  	s31 =	simm.s32 $0x2;
	[sflag:s2] =	ssyncpa.u1 $0x1  }
0x73: {  	[sflag:s31] =	ssyncpa.u1 $0x1  }
0x74: {  	_ =	strace $0x9000004A  }
0x75: {  	s0 =	sadd.s32 @!p0 $0x100000, s0;
	[bflag:$0x2] =	sbarrier.arrive $0xFFFF  }
0x76: {  	[sflag:s0] =	ssyncadd.tile.s32 @!p0 $0x1;
	s0 =	simm.s32 @!p0 $0x3F  }
0x77: {  	_ =	swait.ge @!p0 [sflag:s0], s1  }
0x78: {  	s1 =	ssub.s32 @!p0 $0x0, s1;
	[sflag:s0] =	ssyncset.done @!p0 $0x0  }
0x79: {  	[sflag:s0] =	ssyncadd.s32 @!p0 s1  }
0x7a: {  	[bflag:$0x3] =	sbarrier.arrive $0xFFFF  }
0x7b: {  	_ =	shalt  }
.Lfunc_end2:
execute1_lowered:
.L_overlay_start_2:
0x7c: {  	(tag) =	ssettag $0x2  }
0x7d: {  	s2 =	rddreg [dreg:$0x0]  }
0x7e: {  	s3 =	rddreg [dreg:$0x1];
	_ =	strace $0x8000004D;
	s0 =	simm.s32 $0x1  }
0x7f: {  	v0 =	vimm.s32 $0x0;
	[sflag:s0] =	ssyncpa.u1 $0x0;
	s0 =	simm.s32 $0x108  }
0x80: {  	[tilespmem:s0+$0x70] =	vst v0  }
0x81: {  	[tilespmem:s0+$0x60] =	vst v0  }
0x82: {  	[tilespmem:s0+$0x50] =	vst v0  }
0x83: {  	[tilespmem:s0+$0x40] =	vst v0  }
0x84: {  	s1 =	sadd.s32 $0x14800, s2;
	[tilespmem:s0+$0x30] =	vst v0  }
0x85: {  	s15 =	sadd.s32 $0x51DA00, s2;
	s6 =	sadd.s32 $0x531600, s2;
	[tilespmem:s0+$0x20] =	vst v0  }
0x86: {  	s14 =	sadd.s32 $0x527800, s2;
	s5 =	sand.u32 $0x1, s3;
	s3 =	simm.s32 $0x40;
	[tilespmem:s0+$0x10] =	vst v0  }
.LBB3_1:
0x87: {  	s3 =	sadd.s32 $0x40, s3;
	[tilespmem:s0+$0x0] =	vst v0;
	s0 =	sadd.s32 $0x80, s0  }
0x88: {  	p0 =	slt.u32 s3, $0x3C40;
	[tilespmem:s0+$0x70] =	vst v0  }
0x89: {  	[tilespmem:s0+$0x60] =	vst v0  }
.Ltmp8:
0x8a: {  	[tilespmem:s0+$0x50] =	vst v0;
	(pc) =	sbr.rel @p0 .LBB3_1-.Ltmp8, $4  }
0x8b: {  	[tilespmem:s0+$0x40] =	vst v0  }
0x8c: {  	[tilespmem:s0+$0x30] =	vst v0  }
0x8d: {  	[tilespmem:s0+$0x20] =	vst v0  }
0x8e: {  	[tilespmem:s0+$0x10] =	vst v0  }
0x8f: {  	s9 =	stileid.u32  }
0x90: {  	s2 =	smul.u32 $0x29, s9  }
0x91: {  	s3 =	smin.u32 s9, $0xB  }
0x92: {  	s2 =	sadd.s32 s3, s2  }
0x93: {  	p0 =	slt.u32 s9, $0xB;
	s7 =	smul.u32 $0xF0, s2;
	s2 =	simm.s32 $0x2760  }
0x94: {  	s2 =	simm.s32 @!p0 $0x2670  }
0x95: {  	s2 =	sadd.s32 s2, s7  }
0x96: {  	s8 =	smin.u32 s2, $0x27100  }
0x97: {  	s2 =	ssub.s32 s8, s7  }
0x98: {  	p0 =	sgt.s32 s2, $0x0  }
0x99: {  	s29 =	simm.s32 $0x2;
	s10 =	simm.s32 $0x9;
	s2 =	simm.s32 @!p0 $0x0  }
0x9a: {  	s4 =	simm.s32 $0xA;
	s11 =	simm.s32 $0xB;
	s28 =	smulhi.u32 $0x88888889, s2  }
0x9b: {  	[dreg:$0x4] =	wrdreg s5;
	s31 =	smul.u32 $0x4E20, s5;
	s12 =	simm.s32 $0x1  }
0x9c: {  	s22 =	simm.s32 $0x0;
	s18 =	simm.s32 $0xC;
	s30 =	sshrl.u32 s28, $0x7  }
0x9d: {  	s20 =	simm.s32 $0x0;
	s21 =	simm.s32 $0x0;
	s3 =	smul.u32 $0xF0, s30  }
.Ltmp9:
0x9e: {  	[tilespmem:s0+$0x0] =	vst v0;
	v0 =	vimm.s32 $0xFFFFFFFF;
	[sflag:s29] =	ssyncpa.u1 $0x0;
	s16 =	sshll.u32 s9, $0x8;
	(pc) =	sbr.rel .LBB3_3-.Ltmp9, $4  }
0x9f: {  	[tilespmem:$0xF208] =	vst v0;
	[sflag:s10] =	ssyncpa.u1 $0x0;
	p0 =	sne.s32 s2, s3;
	s2 =	simm.s32 $0x1  }
0xa0: {  	s14 =	sadd.s32 s31, s14;
	[sflag:s4] =	ssyncpa.u1 $0x0;
	s2 =	simm.s32 @!p0 $0x0  }
0xa1: {  	s15 =	sadd.s32 s31, s15;
	[sflag:s11] =	ssyncpa.u1 $0x0;
	s13 =	sadd.s32 s2, s30  }
0xa2: {  	v0 =	vlaneseq.u32;
	s19 =	smov.u32 s7;
	p0 =	por $0x0, $0x0;
	s17 =	sadd.s32 $0x1, s13  }
.LBB3_18:
0xa3: {  	s0 =	sshrl.u32 s31, $0x2  }
.LBB3_20:
0xa4: {  	_ =	swait.ge [sflag:s18], s0  }
0xa5: {  	s31 =	ssub.s32 $0x0, s0;
	v1 =	vmov s24;
	vm0 =	veq.s32 v0, $0x0;
	[sflag:s18] =	ssyncset.done $0x0  }
0xa6: {  	vm15 =	veq.s32 v0, $0x2;
	v1 =	vsel vm0, s30, v1;
	[sflag:s18] =	ssyncadd.s32 s31  }
0xa7: {  	v1 =	vsel vm15, s22, v1;
	[sflag:s18] =	ssyncpa.u1 $0x1  }
0xa8: {  	[tilespmem:$0xF208] =	vst v1  }
.LBB3_21:
0xa9: {  	s0 =	sadd.s32 $0xF0, s19  }
0xaa: {  	s2 =	smov.u32 s7;
	p1 =	slt.s32 s0, s8  }
0xab: {  	s2 =	smov.u32 @p1 s0;
	p1 =	sne.s32 s21, s17  }
.Ltmp10:
0xac: {  	_ = 	snop;
	(pc) =	sbr.rel @!p1 .LBB3_22-.Ltmp10, $3  }
0xad: {  	_ =	sdelay $0x1  }
0xae: {  	s22 =	smov.u32 s20;
	s31 =	sadd.s32 $0x1, s21;
	s20 =	smov.u32 s19  }
0xaf: {  	p0 =	por !p0, !p0;
	s21 =	smov.u32 s31;
	s19 =	smov.u32 s2  }
.LBB3_3:
0xb0: {  	p1 =	sge.u32 s21, s13  }
0xb1: {  	s0 =	smulhi.u32 @!p1 $0xAAAAAAAB, s21  }
0xb2: {  	s2 =	smov.u32 s19;
	p2 =	sgt.s32 @!p1 s19, $0x27010  }
0xb3: {  	s3 =	sshra.s32 @!p1 s19, $0x1F;
	p2 =	por !p2, p1;
	s0 =	sshrl.u32 @!p1 s0, $0x1  }
0xb4: {  	s3 =	sand.u32 @!p1 s3, s19;
	s2 =	simm.s32 @p2 $0x27010;
	s0 =	smul.u32 @!p1 $0x3, s0  }
0xb5: {  	s2 =	ssub.s32 @!p1 s2, s3  }
0xb6: {  	s2 =	sadd.s32 @!p1 $0xFFFD8FF0, s2;
	s0 =	ssub.s32 @!p1 s21, s0  }
0xb7: {  	s3 =	sshll.u32 @!p1 s2, $0x2;
	p2 =	sgt.s32 @!p1 s2, $0xEF;
	s0 =	smul.u32 @!p1 $0x3C0, s0  }
0xb8: {  	s4 =	sand.u32 @!p1 $0x7, s19;
	s2 =	ssub.s32 @!p1 $0x3C0, s3;
	p2 =	por !p2, p1  }
0xb9: {  	s3 =	sshrl.u32 @!p1 s19, $0x3;
	s2 =	sshrl.u32 @!p1 s2, $0x2;
	s0 =	sshrl.u32 @!p1 s0, $0x2  }
0xba: {  	s3 =	sadd.s32 @!p1 s3, s14;
	s2 =	simm.s32 @!p2 $0x0;
	s0 =	sadd.s32 @!p1 $0x10248, s0  }
0xbb: {  	[tilespmem:s0], [sflag:$0xA] =	stream.linear.gather @!p1 [hbm4b:s3+s4], s2, $0x38;
	[tilespmem:$0x1F6F8] =	vst v63  }
0xbc: {  	s0 =	sadd.s32 $0xFFFFFFFF, s21  }
0xbd: {  	p1 =	sge.u32 s0, s13  }
0xbe: {  	p2 =	sgt.s32 @!p1 s20, $0x27010  }
0xbf: {  	s2 =	smov.u32 s20;
	s3 =	sshra.s32 @!p1 s20, $0x1F;
	p2 =	por !p2, p1  }
0xc0: {  	s3 =	sand.u32 @!p1 s3, s20;
	s2 =	simm.s32 @p2 $0x27010  }
0xc1: {  	s2 =	ssub.s32 @!p1 s2, s3  }
0xc2: {  	s2 =	sadd.s32 @!p1 $0xFFFD8FF0, s2  }
0xc3: {  	s4 =	sand.u32 @!p1 $0x1, s0;
	s3 =	sshll.u32 @!p1 s2, $0x2  }
0xc4: {  	p2 =	sgt.s32 @!p1 s2, $0xEF;
	s2 =	ssub.s32 @!p1 $0x3C0, s3;
	s3 =	smulhi.u32 @!p1 $0xAAAAAAAB, s0  }
0xc5: {  	s23 =	smul.u32 @!p1 $0x3C0, s4;
	p2 =	por !p2, p1;
	s2 =	sshrl.u32 @!p1 s2, $0x2  }
0xc6: {  	s5 =	simm.s32 @!p1 $0xA;
	s2 =	simm.s32 @!p2 $0x0;
	s3 =	sshrl.u32 @!p1 s3, $0x1  }
0xc7: {  	s23 =	sshrl.u32 @!p1 s23, $0x2;
	_ =	swait.ge @!p1 [sflag:s5], s2;
	s3 =	smul.u32 @!p1 $0x3, s3  }
0xc8: {  	s23 =	sadd.s32 @!p1 $0x10518, s23;
	s24 =	ssub.s32 @!p1 $0x0, s2;
	[sflag:s5] =	ssyncset.done @!p1 $0x0  }
0xc9: {  	[sflag:s5] =	ssyncadd.s32 @!p1 s24;
	s5 =	sshrl.u32 @!p1 s20, $0x3;
	s0 =	ssub.s32 @!p1 s0, s3  }
0xca: {  	s24 =	sand.u32 @!p1 $0x7, s20;
	s5 =	sadd.s32 @!p1 s5, s15;
	s0 =	smul.u32 @!p1 $0x3C0, s0  }
0xcb: {  	[tilespmem:s23], [sflag:$0xB] =	stream.linear.gather @!p1 [hbm4b:s5+s24], s2, $0x38;
	[tilespmem:$0x1F6F8] =	vst v63  }
0xcc: {  	s3 =	ssub.s32 @!p1 $0x27100, s20;
	s2 =	smul.u32 @!p1 $0x1E000, s4  }
0xcd: {  	p2 =	slt.s32 @!p1 s3, $0xF0  }
0xce: {  	p2 =	por !p2, p1;
	s0 =	sshrl.u32 @!p1 s0, $0x2;
	s2 =	sshrl.u32 @!p1 s2, $0x2  }
0xcf: {  	s3 =	simm.s32 @p2 $0xF0;
	s0 =	sadd.s32 @!p1 $0x10248, s0;
	s2 =	sor.u32 @!p1 $0x106F8, s2  }
0xd0: {  	[tilespmem:s2], [sflag:$0x9] =	stream.indirect.gather @!p1 [hbm4b:s6+s3], $0x80, s0, s3, $0xb8;
	[tilespmem:$0x1F6F8] =	vst v63  }
0xd1: {  	p1 =	slt.u32 s21, $0x2  }
.Ltmp11:
0xd2: {  	_ = 	snop;
	(pc) =	sbr.rel @p1 .LBB3_21-.Ltmp11, $1  }
0xd3: {  	_ =	sdelay $0x3  }
0xd4: {  	p1 =	sgt.s32 s22, $0x27010  }
0xd5: {  	s0 =	smov.u32 s22;
	s2 =	sshra.s32 s22, $0x1F;
	s3 =	ssub.s32 $0x27100, s22  }
0xd6: {  	s0 =	simm.s32 @!p1 $0x27010;
	s2 =	sand.u32 s2, s22;
	p1 =	slt.s32 s3, $0xF0  }
0xd7: {  	s0 =	ssub.s32 s0, s2;
	s3 =	simm.s32 @!p1 $0xF0  }
0xd8: {  	s0 =	sadd.s32 $0xFFFD8FF0, s0;
	s25 =	sshll.u32 s3, $0x7  }
0xd9: {  	s26 =	sshll.u32 s0, $0x2;
	s2 =	sand.u32 $0x3FFFFF80, s25  }
0xda: {  	p1 =	sgt.s32 s0, $0xEF;
	s29 =	ssub.s32 $0x3C0, s26;
	_ =	swait.ge [sflag:s10], s2  }
0xdb: {  	s2 =	ssub.s32 $0x0, s2;
	[sflag:s10] =	ssyncset.done $0x0;
	s0 =	sshrl.u32 s29, $0x2  }
0xdc: {  	[sflag:s10] =	ssyncadd.s32 s2;
	s0 =	simm.s32 @p1 $0x0  }
0xdd: {  	_ =	swait.ge [sflag:s11], s0  }
0xde: {  	s0 =	ssub.s32 $0x0, s0;
	[sflag:s11] =	ssyncset.done $0x0  }
0xdf: {  	[sflag:s11] =	ssyncadd.s32 s0  }
0xe0: {  	v1 =	vld [tilespmem:$0xF208];
	_ =	sdelay $0x4  }
0xe1: {  	(v2sf) =	vpush v1, $0x0  }
0xe2: {  	(v2sf) =	vpush v1, $0x1  }
0xe3: {  	(v2sf) =	vpush v1, $0x2;
	_ =	sdelay $0x3  }
0xe4: {  	s0 =	sadd.s32 $0xF0, s22  }
0xe5: {  	s2 =	ssub.s32 $0x4E200, s22;
	p1 =	slt.s32 s8, s0  }
0xe6: {  	s0 =	smov.u32 @p1 s8;
	p1 =	sgt.s32 s2, $0x0  }
0xe7: {  	s26 =	ssub.s32 s0, s22;
	s2 =	simm.s32 @!p1 $0x0  }
0xe8: {  	p1 =	slt.s32 s2, s26  }
0xe9: {  	s26 =	smov.u32 @p1 s2  }
0xea: {  	s25 =	simm.s32 $0x1;
	p1 =	slt.s32 s26, $0x1  }
.Ltmp12:
0xeb: {  	s25 =	simm.s32 @!p0 $0x0;
	(pc) =	sbr.rel @p1 .LBB3_8-.Ltmp12, $4  }
0xec: {  	s31 =	smul.u32 $0x3C0, s25  }
0xed: {  	s28 =	spop (v2sf)  }
0xee: {  	s0 =	sshrl.u32 s31, $0x2;
	s30 =	spop (v2sf)  }
0xef: {  	s23 =	sadd.s32 $0x10518, s0;
	s22 =	spop (v2sf)  }
0xf0: {  	s0 =	smin.u32 s26, $0x10  }
0xf1: {  	v1 =	vmov s0  }
0xf2: {  	p2 =	sgt.s32 s26, $0x10;
	vm1 =	vgt.u32 v1, v0  }
.Ltmp13:
0xf3: {  	_ = 	snop;
	(pc) =	sbr.rel @!p2 .LBB3_7-.Ltmp13, $2  }
0xf4: {  	_ =	sdelay $0x2  }
0xf5: {  	s4 =	simm.s32 $0x10;
	s24 =	sadd.s32 $0xFFFFFFF0, s26;
	s0 =	smov.u32 s23;
	vm0 =	vmmov vm1  }
.LBB3_6:
0xf6: {  	s2 =	smin.u32 s24, $0x10;
	s4 =	sadd.s32 $0x10, s4;
	v1 =	vld.msk [tilespmem:s0+$0x0 ss:$0x1], vm1  }
0xf7: {  	v2 =	vmov s2;
	p2 =	slt.s32 s4, s26  }
0xf8: {  	vm1 =	vgt.u32 v2, v0  }
.Ltmp14:
0xf9: {  	(pc) =	sbr.rel @p2 .LBB3_6-.Ltmp14, $3  }
0xfa: {  	_ =	sdelay $0x1  }
0xfb: {  	v1 =	vshll.u32 v1, $0x4  }
0xfc: {  	s24 =	sadd.s32 $0xFFFFFFF0, s24;
	[tilespmem:s0+$0x0] =	vst.msk vm0, v1;
	s0 =	sadd.s32 $0x10, s0;
	vm0 =	vmmov vm1  }
.LBB3_7:
0xfd: {  	_ =	sdelay $0x4  }
0xfe: {  	v1 =	vld.msk [tilespmem:s0+$0x0 ss:$0x1], vm1;
	_ =	sdelay $0x4  }
0xff: {  	v1 =	vshll.u32 v1, $0x4  }
0x100: {  	[tilespmem:s0+$0x0] =	vst.msk vm0, v1  }
.LBB3_8:
0x101: {  	s0 =	sand.u32 $0x1, s21  }
0x102: {  	s2 =	smul.u32 $0x7800, s0  }
0x103: {  	p2 =	sne.s32 s30, $0xFFFFFFFF  }
0x104: {  	v1 =	vld @!p2 [tilespmem:s2+$0x106F8];
	_ =	sdelay $0x2  }
0x105: {  	s0 =	smul.u32 $0xF0, s0;
	_ =	sdelay $0x1  }
0x106: {  	v2 =	vld.msk @!p2 [tilespmem:s0+$0x10518], $0x1;
	[tilespmem:$0x108] =	vst @!p2 v1  }
0x107: {  	v1 =	vld @!p2 [tilespmem:s2+$0x10708];
	_ =	sdelay $0x4  }
0x108: {  	[tilespmem:$0x118] =	vst @!p2 v1  }
0x109: {  	v1 =	vld @!p2 [tilespmem:s2+$0x10718];
	_ =	sdelay $0x4  }
0x10a: {  	[tilespmem:$0x128] =	vst @!p2 v1  }
0x10b: {  	v1 =	vld @!p2 [tilespmem:s2+$0x10728];
	_ =	sdelay $0x4  }
0x10c: {  	[tilespmem:$0x138] =	vst @!p2 v1  }
0x10d: {  	v1 =	vld @!p2 [tilespmem:s2+$0x10738];
	_ =	sdelay $0x4  }
0x10e: {  	[tilespmem:$0x148] =	vst @!p2 v1  }
0x10f: {  	(v2sf) =	vpush @!p2 v2, $0x0;
	v1 =	vld @!p2 [tilespmem:s2+$0x10748];
	_ =	sdelay $0x4  }
0x110: {  	[tilespmem:$0x158] =	vst @!p2 v1  }
0x111: {  	v1 =	vld @!p2 [tilespmem:s2+$0x10758];
	_ =	sdelay $0x4  }
0x112: {  	[tilespmem:$0x168] =	vst @!p2 v1  }
0x113: {  	v1 =	vld @!p2 [tilespmem:s2+$0x10768]  }
.Ltmp15:
0x114: {  	_ = 	snop;
	(pc) =	sbr.rel @p1 .LBB3_19-.Ltmp15, $4  }
0x115: {  	_ = 	snop  }
0x116: {  	s29 =	spop @!p2 (v2sf)  }
0x117: {  	s22 =	simm.s32 @!p2 $0x0;
	s24 =	smov.u32 s29  }
0x118: {  	s29 =	smov.u32 @p2 s28;
	s24 =	smov.u32 @p2 s30;
	[tilespmem:$0x178] =	vst @!p2 v1;
	[sflag:s18] =	ssyncpa.u1 $0x0  }
0x119: {  	v1 =	vld.msk [tilespmem:s23+$0x0], $0x1;
	_ =	sdelay $0x4  }
0x11a: {  	(v2sf) =	vpush v1, $0x0;
	_ =	sdelay $0xe  }
0x11b: {  	s2 =	smul.u32 $0x1E000, s25;
	s0 =	spop (v2sf)  }
0x11c: {  	s26 =	ssub.s32 $0x0, s26;
	p1 =	seq.s32 s29, s0  }
0x11d: {  	s30 =	sadd.s32 $0x1, s26;
	s2 =	sshrl.u32 s2, $0x2;
	p2 =	sgt.s32 @!p1 s29, $0x0  }
0x11e: {  	s25 =	sor.u32 $0x10738, s2;
	s2 =	smov.u32 s29;
	p2 =	por !p2, p1  }
0x11f: {  	s2 =	simm.s32 @p2 $0x0;
	p2 =	seq.s32 s30, $0x0  }
.Ltmp16:
0x120: {  	_ = 	snop;
	(pc) =	sbr.rel @p2 .LBB3_11-.Ltmp16, $4  }
0x121: {  	_ = 	snop  }
0x122: {  	s28 =	simm.s32 $0x0;
	s31 =	sadd.s32 $0x1, s23;
	s2 =	smin.u32 @!p1 s2, $0x270F0  }
0x123: {  	s4 =	simm.s32 @!p1 $0x1;
	s5 =	simm.s32 @!p1 $0x7988;
	s3 =	sand.u32 @!p1 $0x3FFF8, s2  }
0x124: {  	s4 =	smov.u32 @p1 s28;
	s2 =	sand.u32 @!p1 $0x7, s2;
	s3 =	sadd.s32 @!p1 s1, s3  }
.LBB3_10:
0x125: {  	s9 =	smov.u32 s4  }
0x126: {  	[tilespmem:s5], [sflag:$0x2] =	stream.linear.gather @!p1 [hbm4b:s3+s2], $0x80, $0x38;
	[tilespmem:$0x1F6F8] =	vst v63  }
0x127: {  	s30 =	sadd.s32 $0x1, s30;
	s2 =	smov.u32 s0;
	v1 =	vld.msk [tilespmem:s31+$0x0], $0x1  }
0x128: {  	p2 =	seq.s32 s30, $0x0;
	_ =	sdelay $0x3  }
0x129: {  	(v2sf) =	vpush v1, $0x0;
	_ =	sdelay $0xe  }
0x12a: {  	s0 =	spop (v2sf)  }
0x12b: {  	p1 =	seq.s32 s2, s0  }
0x12c: {  	p3 =	sgt.s32 @!p1 s2, $0x0;
	s3 =	sshll.u32 @!p1 s4, $0x9;
	s4 =	sadd.s32 @!p1 $0x1, s4  }
.Ltmp17:
0x12d: {  	p3 =	por !p3, p1;
	s3 =	sshra.s32 @!p1 s3, $0x2;
	(pc) =	sbr.rel @!p2 .LBB3_10-.Ltmp17, $4  }
0x12e: {  	s4 =	smov.u32 @p1 s9;
	s2 =	simm.s32 @p3 $0x0;
	s5 =	sadd.s32 @!p1 $0x7988, s3  }
0x12f: {  	s2 =	smin.u32 @!p1 s2, $0x270F0  }
0x130: {  	s3 =	sand.u32 @!p1 $0x3FFF8, s2;
	s2 =	sand.u32 @!p1 $0x7, s2  }
0x131: {  	s31 =	sadd.s32 $0x1, s31;
	s3 =	sadd.s32 @!p1 s1, s3  }
.LBB3_11:
0x132: {  	[tilespmem:s5], [sflag:$0x2] =	stream.linear.gather @!p1 [hbm4b:s3+s2], $0x80, $0x38;
	[tilespmem:$0x1F6F8] =	vst v63  }
.Ltmp18:
0x133: {  	s0 =	sshll.u32 s4, $0x7;
	(pc) =	sbr.rel .LBB3_12-.Ltmp18, $4  }
0x134: {  	s30 =	simm.s32 $0x2;
	s0 =	sand.u32 $0x3FFFFF80, s0  }
0x135: {  	_ =	swait.ge [sflag:s30], s0  }
0x136: {  	s0 =	ssub.s32 $0x0, s0;
	[sflag:s30] =	ssyncset.done $0x0  }
0x137: {  	s31 =	simm.s32 $0x0;
	[sflag:s30] =	ssyncadd.s32 s0  }
.LBB3_13:
0x138: {  	s0 =	sshra.s32 s0, $0x2;
	v1 =	vld [tilespmem:s25+$0xFFFFFFC0]  }
0x139: {  	v2 =	vld [tilespmem:s0+$0x108];
	_ =	sdelay $0x4  }
0x13a: {  	v1 =	vmax.f32 v1, v2  }
0x13b: {  	v2 =	vld [tilespmem:s0+$0x118];
	[tilespmem:s0+$0x108] =	vst v1  }
0x13c: {  	v1 =	vld [tilespmem:s25+$0xFFFFFFD0];
	_ =	sdelay $0x4  }
0x13d: {  	v1 =	vmax.f32 v1, v2  }
0x13e: {  	v2 =	vld [tilespmem:s0+$0x128];
	[tilespmem:s0+$0x118] =	vst v1  }
0x13f: {  	v1 =	vld [tilespmem:s25+$0xFFFFFFE0];
	_ =	sdelay $0x4  }
0x140: {  	v1 =	vmax.f32 v1, v2  }
0x141: {  	v2 =	vld [tilespmem:s0+$0x138];
	[tilespmem:s0+$0x128] =	vst v1  }
0x142: {  	v1 =	vld [tilespmem:s25+$0xFFFFFFF0];
	_ =	sdelay $0x4  }
0x143: {  	v1 =	vmax.f32 v1, v2  }
0x144: {  	v2 =	vld [tilespmem:s0+$0x148];
	[tilespmem:s0+$0x138] =	vst v1  }
0x145: {  	v1 =	vld [tilespmem:s25+$0x0];
	_ =	sdelay $0x4  }
0x146: {  	v1 =	vmax.f32 v1, v2  }
0x147: {  	v2 =	vld [tilespmem:s0+$0x158];
	[tilespmem:s0+$0x148] =	vst v1  }
0x148: {  	v1 =	vld [tilespmem:s25+$0x10];
	_ =	sdelay $0x4  }
0x149: {  	v1 =	vmax.f32 v1, v2  }
0x14a: {  	v2 =	vld [tilespmem:s0+$0x168];
	[tilespmem:s0+$0x158] =	vst v1  }
0x14b: {  	v1 =	vld [tilespmem:s25+$0x20];
	_ =	sdelay $0x4  }
0x14c: {  	v1 =	vmax.f32 v1, v2  }
0x14d: {  	v2 =	vld [tilespmem:s0+$0x178];
	[tilespmem:s0+$0x168] =	vst v1  }
0x14e: {  	v1 =	vld [tilespmem:s25+$0x30];
	_ =	sdelay $0x4  }
0x14f: {  	v1 =	vmax.f32 v1, v2  }
0x150: {  	[tilespmem:s0+$0x178] =	vst v1  }
.LBB3_17:
0x151: {  	s26 =	sadd.s32 $0x1, s26  }
0x152: {  	p1 =	seq.s32 s26, $0x0  }
.Ltmp19:
0x153: {  	_ = 	snop;
	(pc) =	sbr.rel @p1 .LBB3_18-.Ltmp19, $2  }
0x154: {  	_ =	sdelay $0x2  }
0x155: {  	s23 =	sadd.s32 $0x1, s23;
	s25 =	sadd.s32 $0x80, s25;
	s29 =	smov.u32 s30  }
.LBB3_12:
0x156: {  	v1 =	vld.msk [tilespmem:s23+$0x0], $0x1;
	_ =	sdelay $0x4  }
0x157: {  	(v2sf) =	vpush v1, $0x0;
	_ =	sdelay $0xe  }
0x158: {  	s30 =	spop (v2sf)  }
0x159: {  	p1 =	sne.s32 s29, s30  }
.Ltmp20:
0x15a: {  	_ = 	snop;
	(pc) =	sbr.rel @!p1 .LBB3_13-.Ltmp20, $2  }
0x15b: {  	_ =	sdelay $0x2  }
0x15c: {  	s0 =	sshll.u32 s22, $0x9  }
0x15d: {  	p1 =	seq.s32 s29, s24  }
.Ltmp21:
0x15e: {  	_ = 	snop;
	(pc) =	sbr.rel @!p1 .LBB3_15-.Ltmp21, $1  }
0x15f: {  	_ =	sdelay $0x3  }
0x160: {  	s0 =	sshra.s32 s0, $0x2  }
.Ltmp22:
0x161: {  	s0 =	sadd.s32 $0x108, s0;
	(pc) =	sbr.rel .LBB3_16-.Ltmp22, $4  }
0x162: {  	[spmem:s16] =	stream.linear.scatter [tilespmem:s0], [sflag:$0x1], $0x80, $0x38;
	[tilespmem:$0x1F6F8] =	vst v63  }
0x163: {  	_ =	swait.ge [sflag:s12], $0x80  }
0x164: {  	[sflag:s12] =	ssyncset.done $0x0  }
0x165: {  	[sflag:s12] =	ssyncadd.s32 $0xFFFFFF80  }
.LBB3_15:
0x166: {  	s2 =	sshll.u32 s28, $0x9;
	s0 =	sshra.s32 s0, $0x2  }
0x167: {  	s2 =	sshra.s32 s2, $0x2;
	v2 =	vld [tilespmem:s0+$0x108]  }
0x168: {  	v1 =	vld [tilespmem:s2+$0x7988];
	_ =	sdelay $0x4  }
0x169: {  	v1 =	vmax.f32 v1, v2  }
0x16a: {  	v2 =	vld [tilespmem:s0+$0x118];
	[tilespmem:s0+$0x108] =	vst v1  }
0x16b: {  	v1 =	vld [tilespmem:s2+$0x7998];
	_ =	sdelay $0x4  }
0x16c: {  	v1 =	vmax.f32 v1, v2  }
0x16d: {  	v2 =	vld [tilespmem:s0+$0x128];
	[tilespmem:s0+$0x118] =	vst v1  }
0x16e: {  	v1 =	vld [tilespmem:s2+$0x79A8];
	_ =	sdelay $0x4  }
0x16f: {  	v1 =	vmax.f32 v1, v2  }
0x170: {  	v2 =	vld [tilespmem:s0+$0x138];
	[tilespmem:s0+$0x128] =	vst v1  }
0x171: {  	v1 =	vld [tilespmem:s2+$0x79B8];
	_ =	sdelay $0x4  }
0x172: {  	v1 =	vmax.f32 v1, v2  }
0x173: {  	v2 =	vld [tilespmem:s0+$0x148];
	[tilespmem:s0+$0x138] =	vst v1  }
0x174: {  	v1 =	vld [tilespmem:s2+$0x79C8];
	_ =	sdelay $0x4  }
0x175: {  	v1 =	vmax.f32 v1, v2  }
0x176: {  	v2 =	vld [tilespmem:s0+$0x158];
	[tilespmem:s0+$0x148] =	vst v1  }
0x177: {  	v1 =	vld [tilespmem:s2+$0x79D8];
	_ =	sdelay $0x4  }
0x178: {  	v1 =	vmax.f32 v1, v2  }
0x179: {  	v2 =	vld [tilespmem:s0+$0x168];
	[tilespmem:s0+$0x158] =	vst v1  }
0x17a: {  	v1 =	vld [tilespmem:s2+$0x79E8];
	_ =	sdelay $0x4  }
0x17b: {  	v1 =	vmax.f32 v1, v2  }
0x17c: {  	v2 =	vld [tilespmem:s0+$0x178];
	[tilespmem:s0+$0x168] =	vst v1  }
0x17d: {  	v1 =	vld [tilespmem:s2+$0x79F8];
	_ =	sdelay $0x3  }
0x17e: {  	p1 =	sgt.u32 s29, $0x270F0  }
0x17f: {  	s2 =	sand.u32 @!p1 $0x3FFF8, s29;
	v1 =	vmax.f32 v1, v2  }
0x180: {  	s3 =	sadd.s32 $0x108, s0;
	[tilespmem:s0+$0x178] =	vst v1;
	s0 =	sadd.s32 @!p1 s1, s2;
	s2 =	sand.u32 @!p1 $0x7, s29  }
0x181: {  	[hbm4b:s0+s2] =	stream.linear.scatter @!p1 [tilespmem:s3], [sflag:$0xC], $0x80, $0x38;
	[tilespmem:$0x1F6F8] =	vst v63  }
0x182: {  	s0 =	simm.s32 $0x0  }
0x183: {  	s0 =	simm.s32 @!p1 $0x200  }
0x184: {  	s31 =	sadd.s32 s0, s31  }
.LBB3_16:
0x185: {  	s0 =	sadd.s32 $0x1, s22  }
0x186: {  	s2 =	smulhi.u32 $0x88888889, s0;
	_ =	sdelay $0x1  }
0x187: {  	v1 =	vld [tilespmem:s25+$0xFFFFFFC0];
	s2 =	sshrl.u32 s2, $0x7  }
0x188: {  	s2 =	smul.u32 $0xF0, s2;
	_ =	sdelay $0x1  }
0x189: {  	s22 =	ssub.s32 s0, s2  }
0x18a: {  	s0 =	sshll.u32 s22, $0x7  }
0x18b: {  	[tilespmem:s0+$0x108] =	vst v1  }
0x18c: {  	v1 =	vld [tilespmem:s25+$0xFFFFFFD0];
	_ =	sdelay $0x4  }
0x18d: {  	[tilespmem:s0+$0x118] =	vst v1  }
0x18e: {  	v1 =	vld [tilespmem:s25+$0xFFFFFFE0];
	_ =	sdelay $0x4  }
0x18f: {  	[tilespmem:s0+$0x128] =	vst v1  }
0x190: {  	v1 =	vld [tilespmem:s25+$0xFFFFFFF0];
	_ =	sdelay $0x4  }
0x191: {  	[tilespmem:s0+$0x138] =	vst v1  }
0x192: {  	v1 =	vld [tilespmem:s25+$0x0];
	_ =	sdelay $0x4  }
0x193: {  	[tilespmem:s0+$0x148] =	vst v1  }
0x194: {  	v1 =	vld [tilespmem:s25+$0x10];
	_ =	sdelay $0x4  }
0x195: {  	[tilespmem:s0+$0x158] =	vst v1  }
0x196: {  	v1 =	vld [tilespmem:s25+$0x20];
	_ =	sdelay $0x4  }
0x197: {  	[tilespmem:s0+$0x168] =	vst v1  }
0x198: {  	v1 =	vld [tilespmem:s25+$0x30]  }
.Ltmp23:
0x199: {  	_ = 	snop;
	(pc) =	sbr.rel .LBB3_17-.Ltmp23, $2  }
0x19a: {  	_ =	sdelay $0x2  }
0x19b: {  	s28 =	sadd.s32 $0x1, s28;
	[tilespmem:s0+$0x178] =	vst v1  }
.LBB3_19:
.Ltmp24:
0x19c: {  	(pc) =	sbr.rel .LBB3_20-.Ltmp24, $4  }
0x19d: {  	_ = 	snop  }
0x19e: {  	s0 =	simm.s32 $0x2  }
0x19f: {  	_ =	swait.ge [sflag:s0], $0x0  }
0x1a0: {  	s30 =	smov.u32 s29;
	[sflag:s0] =	ssyncset.done $0x0;
	s0 =	simm.s32 $0x0  }
.LBB3_22:
0x1a1: {  	_ =	sfence.sel $0x180000  }
0x1a2: {  	s0 =	simm.s32 $0x9;
	[bflag:$0x0] =	sbarrier.arrive $0xFFFF  }
0x1a3: {  	s24 =	simm.s32 $0xA;
	[sflag:s0] =	ssyncpa.u1 $0x1  }
0x1a4: {  	s25 =	simm.s32 $0xB;
	[sflag:s24] =	ssyncpa.u1 $0x1  }
0x1a5: {  	s26 =	simm.s32 $0x2;
	[sflag:s25] =	ssyncpa.u1 $0x1  }
0x1a6: {  	[sflag:s26] =	ssyncpa.u1 $0x1  }
0x1a7: {  	v0 =	vld [tilespmem:$0xF208];
	_ =	sdelay $0x4  }
0x1a8: {  	(v2sf) =	vpush v0, $0x0  }
0x1a9: {  	(v2sf) =	vpush v0, $0x1;
	_ =	sdelay $0x1  }
0x1aa: {  	(v2sf) =	vpush v0, $0x2;
	_ =	sdelay $0xb  }
0x1ab: {  	s0 =	spop (v2sf)  }
0x1ac: {  	s2 =	spop (v2sf)  }
0x1ad: {  	s3 =	smov.u32 s0;
	p0 =	sne.s32 s0, s2  }
0x1ae: {  	s4 =	spop (v2sf);
	s3 =	simm.s32 @!p0 $0xFFFFFFFF  }
0x1af: {  	v2 =	vimm.s32 $0x1;
	v3 =	vlaneseq.u32;
	p0 =	seq.s32 s4, $0xFFFFFFFF;
	v1 =	vmov s3  }
0x1b0: {  	s16 =	stileid.u32;
	v0 =	vperm.xlane v0, v2;
	p1 =	sne.s32 @!p0 s0, s2;
	v1 =	vperm.xlane v1, v3  }
0x1b1: {  	vm0 =	vcmask $0x3F04;
	s6 =	simm.s32 $0xF208;
	s0 =	simm.s32 @!p0 $0x1;
	p1 =	por !p1, p0  }
0x1b2: {  	s3 =	sshll.u32 s16, $0x1;
	s2 =	sshll.u32 @!p0 s4, $0x9;
	s0 =	simm.s32 @p1 $0x0;
	v0 =	vsel vm0, v1, v0  }
0x1b3: {  	s5 =	sor.u32 $0x1000, s3;
	s2 =	sshra.s32 @!p0 s2, $0x2;
	s0 =	sor.u32 @!p0 s0, s3;
	[tilespmem:$0xF208] =	vst v0  }
0x1b4: {  	[spmem:s5] =	stream.linear.scatter [tilespmem:s6], [sflag:$0x1], $0x2, $0x38;
	[tilespmem:$0x1F6F8] =	vst v63  }
0x1b5: {  	s2 =	sadd.s32 @!p0 $0x108, s2;
	s0 =	sshll.u32 @!p0 s0, $0x7  }
0x1b6: {  	[spmem:s0] =	stream.linear.scatter @!p0 [tilespmem:s2], [sflag:$0x1], $0x80, $0x38;
	[tilespmem:$0x1F6F8] =	vst v63  }
0x1b7: {  	s0 =	simm.s32 @!p0 $0x82  }
0x1b8: {  	s28 =	simm.s32 $0x1;
	s0 =	simm.s32 @p0 $0x2  }
0x1b9: {  	_ =	swait.ge [sflag:s28], s0  }
0x1ba: {  	s0 =	ssub.s32 $0x0, s0;
	[sflag:s28] =	ssyncset.done $0x0  }
0x1bb: {  	p0 =	sne.s32 s16, $0x0;
	[sflag:s28] =	ssyncadd.s32 s0  }
.Ltmp25:
0x1bc: {  	_ =	sfence.stream.spmem;
	(pc) =	sbr.rel @p0 .LBB3_39-.Ltmp25, $4  }
0x1bd: {  	s29 =	simm.s32 $0x3;
	[bflag:$0x0] =	sbarrier.arrive $0xFFFF  }
0x1be: {  	s30 =	simm.s32 $0x4;
	[sflag:s29] =	ssyncpa.u1 $0x1  }
0x1bf: {  	s31 =	simm.s32 $0x3C;
	[sflag:s30] =	ssyncpa.u1 $0x1  }
0x1c0: {  	s15 =	rddreg [dreg:$0x4];
	[sflag:s31] =	ssyncpa.u1 $0x1  }
0x1c1: {  	_ =	sfence.stream.spmem;
	s0 =	simm.s32 $0x5  }
0x1c2: {  	s2 =	simm.s32 $0x1000;
	s3 =	simm.s32 $0xF218;
	[sflag:s0] =	ssyncpa.u1 $0x0  }
0x1c3: {  	[tilespmem:s3], [sflag:$0x5] =	stream.linear.gather [spmem:s2], $0x20, $0x38;
	[tilespmem:$0x1F6F8] =	vst v63  }
0x1c4: {  	s26 =	simm.s32 $0x0;
	s28 =	simm.s32 $0xF238  }
0x1c5: {  	[tilespmem:s28], [sflag:$0x5] =	stream.linear.gather [spmem:s26], $0x1000, $0x38;
	[tilespmem:$0x1F6F8] =	vst v63  }
0x1c6: {  	_ =	swait.ge [sflag:s0], $0x1020  }
0x1c7: {  	[sflag:s0] =	ssyncset.done $0x0  }
0x1c8: {  	s29 =	simm.s32 $0x0;
	[sflag:s0] =	ssyncadd.s32 $0xFFFFEFE0  }
0x1c9: {  	v0 =	vld.msk [tilespmem:s29+$0xF218], $0x1;
	_ =	sdelay $0x1  }
0x1ca: {  	s30 =	simm.s32 $0x1  }
0x1cb: {  	v1 =	vld.msk [tilespmem:s30+$0xF218], $0x1;
	_ =	sdelay $0x1  }
0x1cc: {  	(v2sf) =	vpush v0, $0x0;
	_ =	sdelay $0x2  }
0x1cd: {  	(v2sf) =	vpush v1, $0x0;
	_ =	sdelay $0x2  }
0x1ce: {  	s31 =	simm.s32 $0x2  }
0x1cf: {  	v0 =	vld.msk [tilespmem:s31+$0xF218], $0x1;
	_ =	sdelay $0x2  }
0x1d0: {  	s4 =	simm.s32 $0xFFFFFFFF;
	s5 =	simm.s32 $0xFFFFFFFF;
	s0 =	simm.s32 $0xC  }
.LBB3_24:
0x1d1: {  	s2 =	smov.u32 s5;
	s3 =	smov.u32 s4  }
0x1d2: {  	s4 =	sshra.s32 s0, $0x2;
	p1 =	sne.s32 s0, $0x7C;
	s0 =	sadd.s32 $0x4, s0;
	(v2sf) =	vpush v0, $0x0  }
0x1d3: {  	v0 =	vld.msk [tilespmem:s4+$0xF218], $0x1  }
.Ltmp26:
0x1d4: {  	(pc) =	sbr.rel @p1 .LBB3_24-.Ltmp26, $4  }
0x1d5: {  	s5 =	spop (v2sf)  }
0x1d6: {  	p2 =	sne.s32 s3, $0xFFFFFFFF;
	s4 =	smov.u32 s5  }
0x1d7: {  	p3 =	seq.s32 s5, $0xFFFFFFFF;
	s4 =	smov.u32 @p2 s3  }
0x1d8: {  	s5 =	smov.u32 @p3 s2;
	s4 =	smov.u32 @p3 s3  }
0x1d9: {  	(v2sf) =	vpush v0, $0x0;
	_ =	sdelay $0x8  }
0x1da: {  	s0 =	spop (v2sf)  }
0x1db: {  	p1 =	sne.s32 s4, $0xFFFFFFFF;
	s2 =	smov.u32 s0  }
0x1dc: {  	s9 =	simm.s32 $0x6;
	p2 =	seq.s32 s0, $0xFFFFFFFF;
	s2 =	smov.u32 @p1 s4  }
0x1dd: {  	s6 =	simm.s32 $0x0;
	s2 =	smov.u32 @p2 s4;
	s3 =	spop (v2sf)  }
0x1de: {  	s0 =	smov.u32 @p2 s5;
	p1 =	sne.s32 s2, $0xFFFFFFFF;
	s4 =	smov.u32 s3  }
.Ltmp27:
0x1df: {  	p2 =	seq.s32 s3, $0xFFFFFFFF;
	s4 =	smov.u32 @p1 s2;
	(pc) =	sbr.rel .LBB3_26-.Ltmp27, $4  }
0x1e0: {  	s10 =	simm.s32 $0xF188;
	s4 =	smov.u32 @p2 s2;
	s7 =	spop (v2sf)  }
0x1e1: {  	s11 =	simm.s32 $0x0;
	p1 =	sne.s32 s4, $0xFFFFFFFF;
	s8 =	smov.u32 s7  }
0x1e2: {  	s3 =	smov.u32 @p2 s0;
	p2 =	seq.s32 s7, $0xFFFFFFFF;
	s8 =	smov.u32 @p1 s4  }
0x1e3: {  	[sflag:s9] =	ssyncpa.u1 $0x0;
	s7 =	smov.u32 @p2 s3;
	s8 =	smov.u32 @p2 s4  }
.LBB3_32:
0x1e4: {  	p1 =	sgt.u32 s12, $0x270F0  }
0x1e5: {  	p2 =	seq.s32 @!p1 s12, s8  }
0x1e6: {  	p1 =	por p1, p2  }
0x1e7: {  	p2 =	sne.s32 @!p1 s12, s7  }
0x1e8: {  	p1 =	por p1, !p2  }
0x1e9: {  	s0 =	sshll.u32 @p1 s11, $0x9  }
0x1ea: {  	s0 =	sand.u32 @!p1 $0x3FFF8, s12  }
0x1eb: {  	s2 =	sand.u32 @!p1 $0x7, s12;
	s0 =	sadd.s32 @!p1 s1, s0  }
0x1ec: {  	[tilespmem:s10], [sflag:$0x6] =	stream.linear.gather @!p1 [hbm4b:s0+s2], $0x80, $0x38;
	[tilespmem:$0x1F6F8] =	vst v63  }
0x1ed: {  	_ =	swait.ge @!p1 [sflag:s9], $0x80  }
0x1ee: {  	[sflag:s9] =	ssyncset.done @!p1 $0x0  }
0x1ef: {  	s0 =	sshll.u32 @!p1 s11, $0x9;
	[sflag:s9] =	ssyncadd.s32 @!p1 $0xFFFFFF80  }
0x1f0: {  	s2 =	sshrl.u32 @!p1 s0, $0x2;
	v1 =	vld @!p1 [tilespmem:$0xF188]  }
0x1f1: {  	v2 =	vld @!p1 [tilespmem:s2+$0xF238];
	_ =	sdelay $0x4  }
0x1f2: {  	v1 =	vmax.f32 @!p1 v1, v2  }
0x1f3: {  	v2 =	vld @!p1 [tilespmem:s2+$0xF248];
	[tilespmem:s2+$0xF238] =	vst @!p1 v1  }
0x1f4: {  	v1 =	vld @!p1 [tilespmem:$0xF198];
	_ =	sdelay $0x4  }
0x1f5: {  	v1 =	vmax.f32 @!p1 v1, v2  }
0x1f6: {  	v2 =	vld @!p1 [tilespmem:s2+$0xF258];
	[tilespmem:s2+$0xF248] =	vst @!p1 v1  }
0x1f7: {  	v1 =	vld @!p1 [tilespmem:$0xF1A8];
	_ =	sdelay $0x4  }
0x1f8: {  	v1 =	vmax.f32 @!p1 v1, v2  }
0x1f9: {  	v2 =	vld @!p1 [tilespmem:s2+$0xF268];
	[tilespmem:s2+$0xF258] =	vst @!p1 v1  }
0x1fa: {  	v1 =	vld @!p1 [tilespmem:$0xF1B8];
	_ =	sdelay $0x4  }
0x1fb: {  	v1 =	vmax.f32 @!p1 v1, v2  }
0x1fc: {  	v2 =	vld @!p1 [tilespmem:s2+$0xF278];
	[tilespmem:s2+$0xF268] =	vst @!p1 v1  }
0x1fd: {  	v1 =	vld @!p1 [tilespmem:$0xF1C8];
	_ =	sdelay $0x4  }
0x1fe: {  	v1 =	vmax.f32 @!p1 v1, v2  }
0x1ff: {  	v2 =	vld @!p1 [tilespmem:s2+$0xF288];
	[tilespmem:s2+$0xF278] =	vst @!p1 v1  }
0x200: {  	v1 =	vld @!p1 [tilespmem:$0xF1D8];
	_ =	sdelay $0x4  }
0x201: {  	v1 =	vmax.f32 @!p1 v1, v2  }
0x202: {  	v2 =	vld @!p1 [tilespmem:s2+$0xF298];
	[tilespmem:s2+$0xF288] =	vst @!p1 v1  }
0x203: {  	v1 =	vld @!p1 [tilespmem:$0xF1E8];
	_ =	sdelay $0x4  }
0x204: {  	v1 =	vmax.f32 @!p1 v1, v2  }
0x205: {  	v2 =	vld @!p1 [tilespmem:s2+$0xF2A8];
	[tilespmem:s2+$0xF298] =	vst @!p1 v1  }
0x206: {  	v1 =	vld @!p1 [tilespmem:$0xF1F8];
	_ =	sdelay $0x4  }
0x207: {  	v1 =	vmax.f32 @!p1 v1, v2  }
0x208: {  	[tilespmem:s2+$0xF2A8] =	vst @!p1 v1  }
0x209: {  	s0 =	sshrl.u32 s0, $0x2;
	[tilespmem:s6+$0xF218] =	vst.msk $0x1, v0  }
0x20a: {  	v0 =	vld [tilespmem:s0+$0xF238];
	_ =	sdelay $0x2  }
0x20b: {  	s31 =	sshll.u32 s6, $0x9  }
0x20c: {  	s2 =	sshra.s32 s31, $0x2  }
0x20d: {  	[tilespmem:s2+$0xF238] =	vst v0  }
0x20e: {  	v0 =	vld [tilespmem:s0+$0xF248];
	_ =	sdelay $0x4  }
0x20f: {  	[tilespmem:s2+$0xF248] =	vst v0  }
0x210: {  	v0 =	vld [tilespmem:s0+$0xF258];
	_ =	sdelay $0x4  }
0x211: {  	[tilespmem:s2+$0xF258] =	vst v0  }
0x212: {  	v0 =	vld [tilespmem:s0+$0xF268];
	_ =	sdelay $0x4  }
0x213: {  	[tilespmem:s2+$0xF268] =	vst v0  }
0x214: {  	v0 =	vld [tilespmem:s0+$0xF278];
	_ =	sdelay $0x4  }
0x215: {  	[tilespmem:s2+$0xF278] =	vst v0  }
0x216: {  	v0 =	vld [tilespmem:s0+$0xF288];
	_ =	sdelay $0x4  }
0x217: {  	[tilespmem:s2+$0xF288] =	vst v0  }
0x218: {  	v0 =	vld [tilespmem:s0+$0xF298];
	_ =	sdelay $0x4  }
0x219: {  	[tilespmem:s2+$0xF298] =	vst v0  }
0x21a: {  	v0 =	vld [tilespmem:s0+$0xF2A8];
	_ =	sdelay $0x4  }
0x21b: {  	s6 =	sadd.s32 $0x1, s6;
	[tilespmem:s2+$0xF2A8] =	vst v0  }
.LBB3_33:
0x21c: {  	s11 =	sadd.s32 $0x1, s11  }
0x21d: {  	p1 =	sne.s32 s11, $0x20  }
.Ltmp28:
0x21e: {  	_ = 	snop;
	(pc) =	sbr.rel @!p1 .LBB3_34-.Ltmp28, $1  }
0x21f: {  	_ =	sdelay $0x3  }
.LBB3_26:
0x220: {  	v0 =	vld.msk [tilespmem:s11+$0xF218], $0x1;
	_ =	sdelay $0x4  }
0x221: {  	(v2sf) =	vpush v0, $0x0;
	_ =	sdelay $0xe  }
0x222: {  	s12 =	spop (v2sf)  }
0x223: {  	p1 =	seq.s32 s12, $0xFFFFFFFF  }
.Ltmp29:
0x224: {  	_ = 	snop;
	(pc) =	sbr.rel @p1 .LBB3_33-.Ltmp29, $1  }
0x225: {  	_ =	sdelay $0x3  }
0x226: {  	p1 =	slt.s32 s6, $0x1  }
.Ltmp30:
0x227: {  	_ = 	snop;
	(pc) =	sbr.rel @p1 .LBB3_32-.Ltmp30, $1  }
0x228: {  	_ =	sdelay $0x3  }
0x229: {  	s13 =	simm.s32 $0xF218;
	p1 =	por $0x0, $0x0  }
0x22a: {  	v1 =	vld.msk @!p1 [tilespmem:s13+$0x0], $0x1;
	_ =	sdelay $0x4  }
0x22b: {  	(v2sf) =	vpush @!p1 v1, $0x0;
	_ =	sdelay $0xd  }
0x22c: {  	p3 =	sne.s32 s6, $0x1  }
.Ltmp31:
0x22d: {  	s0 =	spop @!p1 (v2sf);
	(pc) =	sbr.rel @!p3 .LBB3_30-.Ltmp31, $4  }
0x22e: {  	p2 =	seq.s32 @!p1 s12, s0  }
0x22f: {  	s14 =	simm.s32 $0x0;
	p2 =	por !p2, p1  }
0x230: {  	s2 =	simm.s32 $0xFFFFFFFF;
	s14 =	simm.s32 @p2 $0xFFFFFFFF  }
0x231: {  	s0 =	simm.s32 $0x1;
	s14 =	smov.u32 @p1 s2  }
.LBB3_29:
0x232: {  	s2 =	smov.u32 s14;
	p1 =	sne.s32 s14, $0xFFFFFFFF  }
0x233: {  	s13 =	sadd.s32 $0x1, s13;
	s14 =	smov.u32 s0;
	s0 =	sadd.s32 $0x1, s0  }
0x234: {  	p2 =	sne.s32 s6, s0;
	v1 =	vld.msk @!p1 [tilespmem:s13+$0x0], $0x1;
	_ =	sdelay $0x4  }
0x235: {  	(v2sf) =	vpush @!p1 v1, $0x0;
	_ =	sdelay $0xe  }
.Ltmp32:
0x236: {  	s3 =	spop @!p1 (v2sf);
	(pc) =	sbr.rel @p2 .LBB3_29-.Ltmp32, $4  }
0x237: {  	p3 =	seq.s32 @!p1 s12, s3  }
0x238: {  	p3 =	por !p3, p1  }
0x239: {  	s14 =	simm.s32 @p3 $0xFFFFFFFF  }
0x23a: {  	s14 =	smov.u32 @p1 s2  }
.LBB3_30:
0x23b: {  	p1 =	seq.s32 s14, $0xFFFFFFFF  }
.Ltmp33:
0x23c: {  	_ = 	snop;
	(pc) =	sbr.rel @p1 .LBB3_32-.Ltmp33, $1  }
0x23d: {  	_ =	sdelay $0x3  }
0x23e: {  	s0 =	sshll.u32 s11, $0x7  }
0x23f: {  	s2 =	sshll.u32 s14, $0x9;
	s0 =	sand.u32 $0x3FFFFF80, s0  }
0x240: {  	s2 =	sshra.s32 s2, $0x2;
	v0 =	vld [tilespmem:s0+$0xF238]  }
0x241: {  	v1 =	vld [tilespmem:s2+$0xF238];
	_ =	sdelay $0x4  }
0x242: {  	v0 =	vmax.f32 v0, v1  }
0x243: {  	v57 =	vld [tilespmem:s2+$0xF248];
	[tilespmem:s2+$0xF238] =	vst v0  }
0x244: {  	v0 =	vld [tilespmem:s0+$0xF248];
	_ =	sdelay $0x4  }
0x245: {  	v0 =	vmax.f32 v0, v57  }
0x246: {  	v58 =	vld [tilespmem:s2+$0xF258];
	[tilespmem:s2+$0xF248] =	vst v0  }
0x247: {  	v0 =	vld [tilespmem:s0+$0xF258];
	_ =	sdelay $0x4  }
0x248: {  	v0 =	vmax.f32 v0, v58  }
0x249: {  	v59 =	vld [tilespmem:s2+$0xF268];
	[tilespmem:s2+$0xF258] =	vst v0  }
0x24a: {  	v0 =	vld [tilespmem:s0+$0xF268];
	_ =	sdelay $0x4  }
0x24b: {  	v0 =	vmax.f32 v0, v59  }
0x24c: {  	v60 =	vld [tilespmem:s2+$0xF278];
	[tilespmem:s2+$0xF268] =	vst v0  }
0x24d: {  	v0 =	vld [tilespmem:s0+$0xF278];
	_ =	sdelay $0x4  }
0x24e: {  	v0 =	vmax.f32 v0, v60  }
0x24f: {  	v61 =	vld [tilespmem:s2+$0xF288];
	[tilespmem:s2+$0xF278] =	vst v0  }
0x250: {  	v0 =	vld [tilespmem:s0+$0xF288];
	_ =	sdelay $0x4  }
0x251: {  	v0 =	vmax.f32 v0, v61  }
0x252: {  	v62 =	vld [tilespmem:s2+$0xF298];
	[tilespmem:s2+$0xF288] =	vst v0  }
0x253: {  	v0 =	vld [tilespmem:s0+$0xF298];
	_ =	sdelay $0x4  }
0x254: {  	v0 =	vmax.f32 v0, v62  }
0x255: {  	v63 =	vld [tilespmem:s2+$0xF2A8];
	[tilespmem:s2+$0xF298] =	vst v0  }
0x256: {  	v0 =	vld [tilespmem:s0+$0xF2A8];
	_ =	sdelay $0x1  }
.Ltmp34:
0x257: {  	_ = 	snop;
	(pc) =	sbr.rel .LBB3_33-.Ltmp34, $3  }
0x258: {  	_ =	sdelay $0x1  }
0x259: {  	v0 =	vmax.f32 v0, v63  }
0x25a: {  	[tilespmem:s2+$0xF2A8] =	vst v0  }
.LBB3_34:
0x25b: {  	s0 =	simm.s32 $0x6;
	p1 =	seq.s32 s6, $0x0  }
0x25c: {  	[sflag:s0] =	ssyncpa.u1 $0x1;
	v0 =	vimm.s32 @p1 $0xFFFFFFFF  }
0x25d: {  	s9 =	sadd.s32 $0xFFFFFFFF, s6;
	[tilespmem:$0x10238] =	vst @p1 v0  }
0x25e: {  	v0 =	vld.msk @!p1 [tilespmem:s9+$0xF218], $0x1;
	_ =	sdelay $0x1  }
0x25f: {  	v1 =	vld.msk @!p1 [tilespmem:$0xF218], $0x1;
	_ =	sdelay $0x2  }
0x260: {  	p2 =	seq.s32 @!p1 s9, $0x0;
	v0 =	vbroadcast @!p1 v0, $0x0  }
0x261: {  	vm0 =	vmmov @!p1 $0x1;
	p2 =	por !p2, p1  }
0x262: {  	v1 =	vnsel @!p1 vm0, $0xFFFFFFFF, v1;
	vm0 =	vcmask @!p1 $0x308;
	v0 =	vpsel !p2, $0xFFFFFFFF, v0  }
0x263: {  	p2 =	sne.s32 @!p1 s8, s7;
	v0 =	vsel @!p1 vm0, v1, v0  }
0x264: {  	s0 =	simm.s32 @!p1 $0xF238;
	s2 =	simm.s32 @!p1 $0x0;
	p3 =	por !p2, p1;
	[tilespmem:$0x10238] =	vst @!p1 v0  }
0x265: {  	[spmem:s2] =	stream.linear.scatter @!p1 [tilespmem:s0], [sflag:$0x1], $0x80, $0x38;
	[tilespmem:$0x1F6F8] =	vst v63  }
0x266: {  	s0 =	sshll.u32 @!p3 s9, $0x9  }
0x267: {  	s0 =	sshra.s32 @!p3 s0, $0x2  }
0x268: {  	s2 =	simm.s32 @!p3 $0x80;
	s0 =	sadd.s32 @!p3 $0xF238, s0  }
0x269: {  	[spmem:s2] =	stream.linear.scatter @!p3 [tilespmem:s0], [sflag:$0x1], $0x80, $0x38;
	[tilespmem:$0x1F6F8] =	vst v63  }
0x26a: {  	s0 =	simm.s32 @!p3 $0x1  }
0x26b: {  	_ =	swait.ge @!p3 [sflag:s0], $0x100  }
0x26c: {  	p1 =	por p2, p1;
	[sflag:s0] =	ssyncset.done @!p3 $0x0  }
0x26d: {  	[sflag:s0] =	ssyncadd.s32 @!p3 $0xFFFFFF00;
	s0 =	simm.s32 @!p1 $0x1  }
0x26e: {  	_ =	swait.ge @!p1 [sflag:s0], $0x80  }
0x26f: {  	s29 =	simm.s32 $0x10238;
	[sflag:s0] =	ssyncset.done @!p1 $0x0  }
0x270: {  	s30 =	simm.s32 $0x1000;
	s31 =	simm.s32 $0x1;
	[sflag:s0] =	ssyncadd.s32 @!p1 $0xFFFFFF80  }
0x271: {  	[spmem:s30] =	stream.linear.scatter [tilespmem:s29], [sflag:$0x1], $0x10, $0x38;
	[tilespmem:$0x1F6F8] =	vst v63  }
0x272: {  	_ =	swait.ge [sflag:s31], $0x10  }
0x273: {  	[sflag:s31] =	ssyncset.done $0x0  }
0x274: {  	p1 =	seq.s32 s15, $0x0;
	s8 =	rddreg [dreg:$0x1];
	[sflag:s31] =	ssyncadd.s32 $0xFFFFFFF0  }
0x275: {  	s2 =	sshll.u32 @p1 s8, $0xE;
	s7 =	rddreg [dreg:$0x2]  }
0x276: {  	s0 =	sadd.s32 @p1 $0x15C3C, s2;
	s2 =	sshll.u32 @p1 s7, $0x11  }
0x277: {  	_ =	sfence.stream.spmem;
	s0 =	sor.u32 @p1 s2, s0  }
0x278: {  	[sflag:s0] =	ssyncadd.remote.s32 @p1 $0x1;
	s0 =	simm.s32 @p1 $0x4  }
0x279: {  	s3 =	simm.s32 @!p1 $0x3C;
	s2 =	sand.u32 $0xFFFFFFFE, s8;
	_ =	swait.ge @p1 [sflag:s0], $0x22  }
0x27a: {  	s4 =	simm.s32 @!p1 $0x0;
	s2 =	sadd.s32 @!p1 $0x4, s2;
	[sflag:s0] =	ssyncset.done @p1 $0x0  }
0x27b: {  	s5 =	simm.s32 @!p1 $0x100;
	[sflag:s0] =	ssyncadd.s32 @p1 $0xFFFFFFDE;
	s0 =	sshll.u32 @!p1 s2, $0x1A  }
0x27c: {  	s2 =	sshll.u32 @!p1 s2, $0xD;
	s0 =	sor.u32 @!p1 s0, s7;
	_ =	swait.eq @!p1 [sflag:s3], $0x1  }
0x27d: {  	s2 =	sor.u32 @!p1 $0x1C04, s2;
	s3 =	simm.s32 @!p1 $0x1C03;
	s0 =	sor.u32 @!p1 $0x80004000, s0  }
0x27e: {  	[spmem:s5], [sflag:s2] =	dma.general @!p1 [spmem:s4], [sflag:s3], length:$0x20, [dreg:$0x0], stride_count:$0x0, ici_dest:s0, dma_misc:DstOpCode:WRITE  }
0x27f: {  	p2 =	slt.s32 s9, $0x2;
	s4 =	simm.s32 @!p1 $0x200;
	s5 =	simm.s32 @!p1 $0x202  }
0x280: {  	[spmem:s5], [sflag:s2] =	dma.general @!p1 [spmem:s4], [sflag:s3], length:$0x2, [dreg:$0x0], stride_count:$0x0, ici_dest:s0, dma_misc:DstOpCode:WRITE  }
.Ltmp35:
0x281: {  	s0 =	simm.s32 @!p1 $0x3;
	(pc) =	sbr.rel @p2 .LBB3_38-.Ltmp35, $4  }
0x282: {  	s2 =	sshll.u32 @!p1 s8, $0xE;
	_ =	swait.ge @!p1 [sflag:s0], $0x22  }
0x283: {  	s3 =	sshll.u32 @!p1 s7, $0x11;
	s2 =	sadd.s32 @!p1 $0x11C3C, s2;
	[sflag:s0] =	ssyncset.done @!p1 $0x0  }
0x284: {  	[sflag:s0] =	ssyncadd.s32 @!p1 $0xFFFFFFDE;
	s0 =	sor.u32 @!p1 s3, s2  }
0x285: {  	[sflag:s0] =	ssyncadd.remote.s32 @!p1 $0xFFFFFFFF;
	s0 =	simm.s32 $0x0  }
0x286: {  	s0 =	simm.s32 $0xF219  }
0x287: {  	v0 =	vld.msk [tilespmem:s0+$0x0], $0x1;
	_ =	sdelay $0x4  }
0x288: {  	(v2sf) =	vpush v0, $0x0;
	_ =	sdelay $0xb  }
0x289: {  	s31 =	sadd.s32 $0xFFFFFFFE, s6  }
0x28a: {  	s0 =	sadd.s32 $0xFFFFFFFF, s31  }
0x28b: {  	p2 =	sne.s32 s0, $0x0  }
.Ltmp36:
0x28c: {  	s2 =	spop (v2sf);
	(pc) =	sbr.rel @!p2 .LBB3_37-.Ltmp36, $4  }
0x28d: {  	s4 =	simm.s32 $0xF2B8;
	s7 =	simm.s32 $0x0;
	p1 =	sgt.u32 s2, $0x270F0  }
0x28e: {  	s5 =	simm.s32 $0x0;
	s6 =	simm.s32 $0xF21A;
	s3 =	sand.u32 @!p1 $0x3FFF8, s2  }
0x28f: {  	s2 =	sand.u32 @!p1 $0x7, s2;
	s7 =	simm.s32 @!p1 $0x200;
	s3 =	sadd.s32 @!p1 s1, s3  }
0x290: {  	[hbm4b:s3+s2] =	stream.linear.scatter @!p1 [tilespmem:s4], [sflag:$0x5], $0x80, $0x38;
	[tilespmem:$0x1F6F8] =	vst v63  }
.LBB3_36:
0x291: {  	v0 =	vld.msk [tilespmem:s6+$0x0], $0x1;
	s0 =	sadd.s32 $0xFFFFFFFF, s0;
	s5 =	sadd.s32 s5, s7  }
0x292: {  	p1 =	sne.s32 s0, $0x0;
	_ =	sdelay $0x3  }
0x293: {  	(v2sf) =	vpush v0, $0x0;
	_ =	sdelay $0xe  }
.Ltmp37:
0x294: {  	s2 =	spop (v2sf);
	(pc) =	sbr.rel @p1 .LBB3_36-.Ltmp37, $4  }
0x295: {  	s7 =	simm.s32 $0x0;
	p2 =	sgt.u32 s2, $0x270F0  }
0x296: {  	s4 =	sadd.s32 $0x80, s4;
	s7 =	simm.s32 @!p2 $0x200;
	s3 =	sand.u32 @!p2 $0x3FFF8, s2  }
0x297: {  	s6 =	sadd.s32 $0x1, s6;
	s2 =	sand.u32 @!p2 $0x7, s2;
	s3 =	sadd.s32 @!p2 s1, s3  }
0x298: {  	[hbm4b:s3+s2] =	stream.linear.scatter @!p2 [tilespmem:s4], [sflag:$0x5], $0x80, $0x38;
	[tilespmem:$0x1F6F8] =	vst v63  }
.LBB3_37:
0x299: {  	s0 =	sadd.s32 s5, s7  }
0x29a: {  	s0 =	sshrl.u32 s0, $0x2  }
.LBB3_38:
0x29b: {  	s2 =	simm.s32 $0x5  }
0x29c: {  	_ =	swait.ge [sflag:s2], s0  }
0x29d: {  	s31 =	ssub.s32 $0x0, s0;
	[sflag:s2] =	ssyncset.done $0x0  }
0x29e: {  	[sflag:s2] =	ssyncadd.s32 s31  }
0x29f: {  	[sflag:s2] =	ssyncpa.u1 $0x1  }
.LBB3_39:
0x2a0: {  	s0 =	sor.u32 s15, s16  }
0x2a1: {  	p1 =	sne.s32 s0, $0x0  }
.Ltmp38:
0x2a2: {  	_ = 	snop;
	(pc) =	sbr.rel @p1 .LBB3_54-.Ltmp38, $3  }
0x2a3: {  	_ =	sdelay $0x1  }
0x2a4: {  	[bflag:$0x0] =	sbarrier.arrive $0xFFFF  }
0x2a5: {  	_ =	sfence  }
0x2a6: {  	s0 =	simm.s32 $0x7  }
0x2a7: {  	s2 =	simm.s32 $0x1000;
	s3 =	simm.s32 $0xF218;
	[sflag:s0] =	ssyncpa.u1 $0x0  }
0x2a8: {  	[tilespmem:s3], [sflag:$0x7] =	stream.linear.gather [spmem:s2], $0x20, $0x38;
	[tilespmem:$0x1F6F8] =	vst v63  }
0x2a9: {  	s30 =	simm.s32 $0xF238;
	s2 =	simm.s32 $0x0  }
0x2aa: {  	[tilespmem:s30], [sflag:$0x7] =	stream.linear.gather [spmem:s2], $0x1000, $0x38;
	[tilespmem:$0x1F6F8] =	vst v63  }
.Ltmp39:
0x2ab: {  	_ = 	snop;
	(pc) =	sbr.rel .LBB3_41-.Ltmp39, $4  }
0x2ac: {  	_ =	swait.ge [sflag:s0], $0x1020  }
0x2ad: {  	[sflag:s0] =	ssyncset.done $0x0  }
0x2ae: {  	s31 =	simm.s32 $0x8;
	[sflag:s0] =	ssyncadd.s32 $0xFFFFEFE0  }
0x2af: {  	s3 =	simm.s32 $0x0;
	[sflag:s31] =	ssyncpa.u1 $0x0  }
.LBB3_47:
0x2b0: {  	p1 =	slt.u32 s4, $0x270F1  }
0x2b1: {  	s0 =	sand.u32 @p1 $0x3FFF8, s4  }
0x2b2: {  	s4 =	sand.u32 @p1 $0x7, s4;
	s5 =	simm.s32 @p1 $0xF188;
	s0 =	sadd.s32 @p1 s1, s0  }
0x2b3: {  	[tilespmem:s5], [sflag:$0x8] =	stream.linear.gather @p1 [hbm4b:s0+s4], $0x80, $0x38;
	[tilespmem:$0x1F6F8] =	vst v63  }
0x2b4: {  	s0 =	simm.s32 @p1 $0x8  }
0x2b5: {  	_ =	swait.ge @p1 [sflag:s0], $0x80  }
0x2b6: {  	[sflag:s0] =	ssyncset.done @p1 $0x0  }
0x2b7: {  	[sflag:s0] =	ssyncadd.s32 @p1 $0xFFFFFF80;
	s0 =	sshll.u32 @p1 s3, $0x9  }
0x2b8: {  	s4 =	sshrl.u32 @p1 s0, $0x2;
	v1 =	vld @p1 [tilespmem:$0xF188]  }
0x2b9: {  	v2 =	vld @p1 [tilespmem:s4+$0xF238];
	_ =	sdelay $0x4  }
0x2ba: {  	v1 =	vmax.f32 @p1 v1, v2  }
0x2bb: {  	v2 =	vld @p1 [tilespmem:s4+$0xF248];
	[tilespmem:s4+$0xF238] =	vst @p1 v1  }
0x2bc: {  	v1 =	vld @p1 [tilespmem:$0xF198];
	_ =	sdelay $0x4  }
0x2bd: {  	v1 =	vmax.f32 @p1 v1, v2  }
0x2be: {  	v2 =	vld @p1 [tilespmem:s4+$0xF258];
	[tilespmem:s4+$0xF248] =	vst @p1 v1  }
0x2bf: {  	v1 =	vld @p1 [tilespmem:$0xF1A8];
	_ =	sdelay $0x4  }
0x2c0: {  	v1 =	vmax.f32 @p1 v1, v2  }
0x2c1: {  	v2 =	vld @p1 [tilespmem:s4+$0xF268];
	[tilespmem:s4+$0xF258] =	vst @p1 v1  }
0x2c2: {  	v1 =	vld @p1 [tilespmem:$0xF1B8];
	_ =	sdelay $0x4  }
0x2c3: {  	v1 =	vmax.f32 @p1 v1, v2  }
0x2c4: {  	v2 =	vld @p1 [tilespmem:s4+$0xF278];
	[tilespmem:s4+$0xF268] =	vst @p1 v1  }
0x2c5: {  	v1 =	vld @p1 [tilespmem:$0xF1C8];
	_ =	sdelay $0x4  }
0x2c6: {  	v1 =	vmax.f32 @p1 v1, v2  }
0x2c7: {  	v2 =	vld @p1 [tilespmem:s4+$0xF288];
	[tilespmem:s4+$0xF278] =	vst @p1 v1  }
0x2c8: {  	v1 =	vld @p1 [tilespmem:$0xF1D8];
	_ =	sdelay $0x4  }
0x2c9: {  	v1 =	vmax.f32 @p1 v1, v2  }
0x2ca: {  	v2 =	vld @p1 [tilespmem:s4+$0xF298];
	[tilespmem:s4+$0xF288] =	vst @p1 v1  }
0x2cb: {  	v1 =	vld @p1 [tilespmem:$0xF1E8];
	_ =	sdelay $0x4  }
0x2cc: {  	v1 =	vmax.f32 @p1 v1, v2  }
0x2cd: {  	v2 =	vld @p1 [tilespmem:s4+$0xF2A8];
	[tilespmem:s4+$0xF298] =	vst @p1 v1  }
0x2ce: {  	v1 =	vld @p1 [tilespmem:$0xF1F8];
	_ =	sdelay $0x4  }
0x2cf: {  	s5 =	sshll.u32 @!p1 s3, $0x9;
	v1 =	vmax.f32 @p1 v1, v2  }
0x2d0: {  	s5 =	smov.u32 @p1 s0;
	[tilespmem:s4+$0xF2A8] =	vst @p1 v1  }
0x2d1: {  	s0 =	sshrl.u32 s5, $0x2;
	[tilespmem:s2+$0xF218] =	vst.msk $0x1, v0  }
0x2d2: {  	v0 =	vld [tilespmem:s0+$0xF238];
	_ =	sdelay $0x2  }
0x2d3: {  	s31 =	sshll.u32 s2, $0x9  }
0x2d4: {  	s4 =	sshra.s32 s31, $0x2  }
0x2d5: {  	[tilespmem:s4+$0xF238] =	vst v0  }
0x2d6: {  	v0 =	vld [tilespmem:s0+$0xF248];
	_ =	sdelay $0x4  }
0x2d7: {  	[tilespmem:s4+$0xF248] =	vst v0  }
0x2d8: {  	v0 =	vld [tilespmem:s0+$0xF258];
	_ =	sdelay $0x4  }
0x2d9: {  	[tilespmem:s4+$0xF258] =	vst v0  }
0x2da: {  	v0 =	vld [tilespmem:s0+$0xF268];
	_ =	sdelay $0x4  }
0x2db: {  	[tilespmem:s4+$0xF268] =	vst v0  }
0x2dc: {  	v0 =	vld [tilespmem:s0+$0xF278];
	_ =	sdelay $0x4  }
0x2dd: {  	[tilespmem:s4+$0xF278] =	vst v0  }
0x2de: {  	v0 =	vld [tilespmem:s0+$0xF288];
	_ =	sdelay $0x4  }
0x2df: {  	[tilespmem:s4+$0xF288] =	vst v0  }
0x2e0: {  	v0 =	vld [tilespmem:s0+$0xF298];
	_ =	sdelay $0x4  }
0x2e1: {  	[tilespmem:s4+$0xF298] =	vst v0  }
0x2e2: {  	v0 =	vld [tilespmem:s0+$0xF2A8];
	_ =	sdelay $0x4  }
0x2e3: {  	s2 =	sadd.s32 $0x1, s2;
	[tilespmem:s4+$0xF2A8] =	vst v0  }
.LBB3_48:
0x2e4: {  	s3 =	sadd.s32 $0x1, s3  }
0x2e5: {  	p1 =	sne.s32 s3, $0x20  }
.Ltmp40:
0x2e6: {  	_ = 	snop;
	(pc) =	sbr.rel @!p1 .LBB3_49-.Ltmp40, $1  }
0x2e7: {  	_ =	sdelay $0x3  }
.LBB3_41:
0x2e8: {  	v0 =	vld.msk [tilespmem:s3+$0xF218], $0x1;
	_ =	sdelay $0x4  }
0x2e9: {  	(v2sf) =	vpush v0, $0x0;
	_ =	sdelay $0xe  }
0x2ea: {  	s4 =	spop (v2sf)  }
0x2eb: {  	p1 =	seq.s32 s4, $0xFFFFFFFF  }
.Ltmp41:
0x2ec: {  	_ = 	snop;
	(pc) =	sbr.rel @p1 .LBB3_48-.Ltmp41, $1  }
0x2ed: {  	_ =	sdelay $0x3  }
0x2ee: {  	p1 =	slt.s32 s2, $0x1  }
.Ltmp42:
0x2ef: {  	_ = 	snop;
	(pc) =	sbr.rel @p1 .LBB3_47-.Ltmp42, $1  }
0x2f0: {  	_ =	sdelay $0x3  }
0x2f1: {  	s5 =	simm.s32 $0xF218;
	p1 =	por $0x0, $0x0  }
0x2f2: {  	v1 =	vld.msk @!p1 [tilespmem:s5+$0x0], $0x1;
	_ =	sdelay $0x4  }
0x2f3: {  	(v2sf) =	vpush @!p1 v1, $0x0;
	_ =	sdelay $0xd  }
0x2f4: {  	p3 =	sne.s32 s2, $0x1  }
.Ltmp43:
0x2f5: {  	s0 =	spop @!p1 (v2sf);
	(pc) =	sbr.rel @!p3 .LBB3_45-.Ltmp43, $4  }
0x2f6: {  	p2 =	seq.s32 @!p1 s4, s0  }
0x2f7: {  	s6 =	simm.s32 $0x0;
	p2 =	por !p2, p1  }
0x2f8: {  	s7 =	simm.s32 $0xFFFFFFFF;
	s6 =	simm.s32 @p2 $0xFFFFFFFF  }
0x2f9: {  	s0 =	simm.s32 $0x1;
	s6 =	smov.u32 @p1 s7  }
.LBB3_44:
0x2fa: {  	s7 =	smov.u32 s6;
	p1 =	sne.s32 s6, $0xFFFFFFFF  }
0x2fb: {  	s5 =	sadd.s32 $0x1, s5;
	s6 =	smov.u32 s0;
	s0 =	sadd.s32 $0x1, s0  }
0x2fc: {  	p2 =	sne.s32 s2, s0;
	v1 =	vld.msk @!p1 [tilespmem:s5+$0x0], $0x1;
	_ =	sdelay $0x4  }
0x2fd: {  	(v2sf) =	vpush @!p1 v1, $0x0;
	_ =	sdelay $0xe  }
.Ltmp44:
0x2fe: {  	s8 =	spop @!p1 (v2sf);
	(pc) =	sbr.rel @p2 .LBB3_44-.Ltmp44, $4  }
0x2ff: {  	p3 =	seq.s32 @!p1 s4, s8  }
0x300: {  	p3 =	por !p3, p1  }
0x301: {  	s6 =	simm.s32 @p3 $0xFFFFFFFF  }
0x302: {  	s6 =	smov.u32 @p1 s7  }
.LBB3_45:
0x303: {  	p1 =	seq.s32 s6, $0xFFFFFFFF  }
.Ltmp45:
0x304: {  	_ = 	snop;
	(pc) =	sbr.rel @p1 .LBB3_47-.Ltmp45, $1  }
0x305: {  	_ =	sdelay $0x3  }
0x306: {  	s0 =	sshll.u32 s3, $0x7  }
0x307: {  	s4 =	sshll.u32 s6, $0x9;
	s0 =	sand.u32 $0x3FFFFF80, s0  }
0x308: {  	s4 =	sshra.s32 s4, $0x2;
	v0 =	vld [tilespmem:s0+$0xF238]  }
0x309: {  	v1 =	vld [tilespmem:s4+$0xF238];
	_ =	sdelay $0x4  }
0x30a: {  	v0 =	vmax.f32 v0, v1  }
0x30b: {  	v57 =	vld [tilespmem:s4+$0xF248];
	[tilespmem:s4+$0xF238] =	vst v0  }
0x30c: {  	v0 =	vld [tilespmem:s0+$0xF248];
	_ =	sdelay $0x4  }
0x30d: {  	v0 =	vmax.f32 v0, v57  }
0x30e: {  	v58 =	vld [tilespmem:s4+$0xF258];
	[tilespmem:s4+$0xF248] =	vst v0  }
0x30f: {  	v0 =	vld [tilespmem:s0+$0xF258];
	_ =	sdelay $0x4  }
0x310: {  	v0 =	vmax.f32 v0, v58  }
0x311: {  	v59 =	vld [tilespmem:s4+$0xF268];
	[tilespmem:s4+$0xF258] =	vst v0  }
0x312: {  	v0 =	vld [tilespmem:s0+$0xF268];
	_ =	sdelay $0x4  }
0x313: {  	v0 =	vmax.f32 v0, v59  }
0x314: {  	v60 =	vld [tilespmem:s4+$0xF278];
	[tilespmem:s4+$0xF268] =	vst v0  }
0x315: {  	v0 =	vld [tilespmem:s0+$0xF278];
	_ =	sdelay $0x4  }
0x316: {  	v0 =	vmax.f32 v0, v60  }
0x317: {  	v61 =	vld [tilespmem:s4+$0xF288];
	[tilespmem:s4+$0xF278] =	vst v0  }
0x318: {  	v0 =	vld [tilespmem:s0+$0xF288];
	_ =	sdelay $0x4  }
0x319: {  	v0 =	vmax.f32 v0, v61  }
0x31a: {  	v62 =	vld [tilespmem:s4+$0xF298];
	[tilespmem:s4+$0xF288] =	vst v0  }
0x31b: {  	v0 =	vld [tilespmem:s0+$0xF298];
	_ =	sdelay $0x4  }
0x31c: {  	v0 =	vmax.f32 v0, v62  }
0x31d: {  	v63 =	vld [tilespmem:s4+$0xF2A8];
	[tilespmem:s4+$0xF298] =	vst v0  }
0x31e: {  	v0 =	vld [tilespmem:s0+$0xF2A8];
	_ =	sdelay $0x1  }
.Ltmp46:
0x31f: {  	_ = 	snop;
	(pc) =	sbr.rel .LBB3_48-.Ltmp46, $3  }
0x320: {  	_ =	sdelay $0x1  }
0x321: {  	v0 =	vmax.f32 v0, v63  }
0x322: {  	[tilespmem:s4+$0xF2A8] =	vst v0  }
.LBB3_49:
0x323: {  	p1 =	slt.s32 s2, $0x1  }
.Ltmp47:
0x324: {  	_ = 	snop;
	(pc) =	sbr.rel @p1 .LBB3_53-.Ltmp47, $3  }
0x325: {  	_ =	sdelay $0x1  }
0x326: {  	s0 =	simm.s32 $0x8  }
0x327: {  	s3 =	simm.s32 $0x0;
	[sflag:s0] =	ssyncpa.u1 $0x1  }
0x328: {  	s0 =	simm.s32 $0xF218  }
0x329: {  	v0 =	vld.msk [tilespmem:s0+$0x0], $0x1;
	_ =	sdelay $0x4  }
0x32a: {  	(v2sf) =	vpush v0, $0x0;
	_ =	sdelay $0xe  }
0x32b: {  	s0 =	sadd.s32 $0xFFFFFFFF, s2;
	s5 =	spop (v2sf)  }
0x32c: {  	p2 =	sne.s32 s0, $0x0;
	p1 =	sgt.u32 s5, $0x270F0  }
.Ltmp48:
0x32d: {  	s6 =	sand.u32 @!p1 $0x3FFF8, s5;
	(pc) =	sbr.rel @!p2 .LBB3_52-.Ltmp48, $4  }
0x32e: {  	s4 =	simm.s32 $0xF238;
	s5 =	sand.u32 @!p1 $0x7, s5;
	s2 =	sadd.s32 @!p1 s1, s6  }
0x32f: {  	[hbm4b:s2+s5] =	stream.linear.scatter @!p1 [tilespmem:s4], [sflag:$0x7], $0x80, $0x38;
	[tilespmem:$0x1F6F8] =	vst v63  }
0x330: {  	s5 =	simm.s32 $0x0  }
0x331: {  	s2 =	simm.s32 $0xF219;
	s5 =	simm.s32 @!p1 $0x200  }
.LBB3_51:
0x332: {  	v0 =	vld.msk [tilespmem:s2+$0x0], $0x1;
	s0 =	sadd.s32 $0xFFFFFFFF, s0;
	s3 =	sadd.s32 s3, s5  }
0x333: {  	p1 =	sne.s32 s0, $0x0;
	_ =	sdelay $0x3  }
0x334: {  	(v2sf) =	vpush v0, $0x0;
	_ =	sdelay $0xe  }
.Ltmp49:
0x335: {  	s6 =	spop (v2sf);
	(pc) =	sbr.rel @p1 .LBB3_51-.Ltmp49, $4  }
0x336: {  	s5 =	simm.s32 $0x0;
	p2 =	sgt.u32 s6, $0x270F0  }
0x337: {  	s4 =	sadd.s32 $0x80, s4;
	s5 =	simm.s32 @!p2 $0x200;
	s7 =	sand.u32 @!p2 $0x3FFF8, s6  }
0x338: {  	s2 =	sadd.s32 $0x1, s2;
	s6 =	sand.u32 @!p2 $0x7, s6;
	s7 =	sadd.s32 @!p2 s1, s7  }
0x339: {  	[hbm4b:s7+s6] =	stream.linear.scatter @!p2 [tilespmem:s4], [sflag:$0x7], $0x80, $0x38;
	[tilespmem:$0x1F6F8] =	vst v63  }
.LBB3_52:
0x33a: {  	s0 =	sadd.s32 s3, s5  }
0x33b: {  	s3 =	sshrl.u32 s0, $0x2  }
.LBB3_53:
0x33c: {  	s0 =	simm.s32 $0x7  }
0x33d: {  	_ =	swait.ge [sflag:s0], s3  }
0x33e: {  	s1 =	ssub.s32 $0x0, s3;
	[sflag:s0] =	ssyncset.done $0x0  }
0x33f: {  	[sflag:s0] =	ssyncadd.s32 s1  }
0x340: {  	[sflag:s0] =	ssyncpa.u1 $0x1  }
.LBB3_54:
0x341: {  	_ =	sfence;
	s0 =	simm.s32 $0x1  }
0x342: {  	[sflag:s0] =	ssyncpa.u1 $0x1  }
0x343: {  	_ =	strace $0x9000004D  }
0x344: {  	[bflag:$0x2] =	sbarrier.arrive $0xFFFF  }
0x345: {  	s0 =	rddreg [dreg:$0x3]  }
0x346: {  	s0 =	sadd.s32 @!p0 $0x100000, s0  }
0x347: {  	[sflag:s0] =	ssyncadd.tile.s32 @!p0 $0x1;
	_ =	shalt  }
.Lfunc_end3:
_tile_overlayer_lowered:
.L_overlay_start_3:
0x348: {  	(tag) =	ssettag $0x3  }
0x349: {  	s0 =	rddreg [dreg:$0x0];
	s2 =	stileid.u32  }
0x34a: {  	s1 =	rddreg [dreg:$0x1];
	p0 =	sne.s32 s2, $0x0  }
0x34b: {  	s3 =	rddreg [dreg:$0x2];
	[bflag:$0x3] =	sbarrier.arrive $0xFFFF;
	s2 =	simm.s32 @!p0 $0x1C01  }
0x34c: {  	[timem:s3], [sflag:s2] =	dma.local @!p0 [hbm:s0], s1  }
0x34d: {  	s0 =	simm.s32 @!p0 $0x1  }
0x34e: {  	_ =	swait.ge @!p0 [sflag:s0], s1  }
0x34f: {  	s1 =	ssub.s32 @!p0 $0x0, s1;
	[sflag:s0] =	ssyncset.done @!p0 $0x0  }
0x350: {  	[sflag:s0] =	ssyncadd.s32 @!p0 s1  }
0x351: {  	[bflag:$0x3] =	sbarrier.arrive $0xFFFF  }
0x352: {  	_ =	shalt  }

</sc_bundles>
